<compile_context>
chip_gen: v7x
topology: tpu7x:2x2x1
jax: 0.10.2.dev20260603
libtpu: 0.0.44.dev20260713+nightly
codegen_flags: <defaults>
</compile_context>

<pallas_src>
import functools

import jax
import jax.numpy as jnp
from jax import lax
from jax.experimental import pallas as pl
from jax.experimental.pallas import tpu as pltpu
from jax.experimental.pallas import tpu_sc as plsc

N_ROWS = 160000
D = 256
NSEG = 10000
L = 16
DL = D // L
NW = 32
SPW = 320
SPW_LAST = NSEG - (NW - 1) * SPW
CHUNK = 80
MAXK = N_ROWS // CHUNK - 1
ROWB_PAD = 48


def _sc_body(feats_hbm, ids_hbm, rowb_hbm, wb_hbm, out_hbm,
             wb_v, rowb_v, ids0_v, ids1_v, f0_v, f1_v, acc_v,
             sf0, sf1, si0, si1):
    cid = lax.axis_index("c")
    sid = lax.axis_index("s")
    wid = sid * 2 + cid

    pltpu.sync_copy(rowb_hbm, rowb_v)
    pltpu.sync_copy(wb_hbm, wb_v)

    r_lo = rowb_v[pl.ds(wid, L)][0]
    r_hi = rowb_v[pl.ds(wid + 1, L)][0]
    seg_base = wid * SPW

    Ws = [wb_v[pl.ds(j * L, L)] for j in range(DL)]
    bsplat = wb_v[pl.ds(D, L)]

    zero = jnp.zeros((L,), jnp.float32)

    def zrow(r, carry):
        for j in range(DL):
            acc_v[r, pl.ds(j * L, L)] = zero
        return carry

    lax.fori_loop(0, SPW, zrow, 0)

    def handles(k, f_v, i_v, s_f, s_i):
        kc = jnp.minimum(k, MAXK)
        row0 = kc * CHUNK
        h_f = pltpu.make_async_copy(
            feats_hbm.at[pl.ds(row0, CHUNK)], f_v, s_f)
        h_i = pltpu.make_async_copy(
            ids_hbm.at[pl.ds(row0, CHUNK)], i_v.at[pl.ds(0, CHUNK)], s_i)
        return h_f, h_i

    def start(k, f_v, i_v, s_f, s_i):
        h_f, h_i = handles(k, f_v, i_v, s_f, s_i)
        h_f.start()
        h_i.start()

    def wait(k, f_v, i_v, s_f, s_i):
        h_f, h_i = handles(k, f_v, i_v, s_f, s_i)
        h_f.wait()
        h_i.wait()

    def process(k, i_v, f_v):
        row0 = k * CHUNK

        def one_row(i):
            g = row0 + i
            bid = i_v[pl.ds(i, L)][0]
            sloc = jnp.minimum(jnp.maximum(bid - seg_base, 0), SPW - 1)
            f = [f_v[i, pl.ds(j * L, L)] for j in range(DL)]
            t = [f[j] * Ws[j] for j in range(DL)]
            while len(t) > 1:
                t = [t[2 * j] + t[2 * j + 1] for j in range(len(t) // 2)]
            sv = jnp.full((L,), jnp.sum(t[0]), jnp.float32) + bsplat
            wv = 1.0 / (1.0 + jnp.exp(-sv))
            act = jnp.where((g >= r_lo) & (g < r_hi), 1.0, 0.0)
            wv = wv * act
            f2 = [f_v[i, pl.ds(j * L, L)] for j in range(DL)]
            return sloc, [wv * f2[j] for j in range(DL)]

        @plsc.parallel_loop(0, CHUNK)
        def single_row(i):
            loc, vals = one_row(i)
            for j in range(DL):
                plsc.addupdate(acc_v.at[loc, pl.ds(j * L, L)], vals[j])

    k_lo = r_lo // CHUNK
    k_hi = jnp.maximum(lax.div(r_hi + CHUNK - 1, CHUNK), k_lo)
    npairs = (k_hi - k_lo + 1) // 2

    start(k_lo, f0_v, ids0_v, sf0, si0)

    def pair_body(p, carry):
        k0 = k_lo + 2 * p
        start(k0 + 1, f1_v, ids1_v, sf1, si1)
        wait(k0, f0_v, ids0_v, sf0, si0)
        process(k0, ids0_v, f0_v)
        start(k0 + 2, f0_v, ids0_v, sf0, si0)
        wait(k0 + 1, f1_v, ids1_v, sf1, si1)
        process(k0 + 1, ids1_v, f1_v)
        return carry

    lax.fori_loop(0, npairs, pair_body, 0)

    wait(k_lo, f0_v, ids0_v, sf0, si0)

    @pl.when(wid < NW - 1)
    def _():
        pltpu.sync_copy(acc_v, out_hbm.at[pl.ds(seg_base, SPW)])

    @pl.when(wid == NW - 1)
    def _():
        pltpu.sync_copy(acc_v.at[pl.ds(0, SPW_LAST)],
                        out_hbm.at[pl.ds(seg_base, SPW_LAST)])


_sc_call = functools.partial(
    pl.kernel,
    mesh=plsc.VectorSubcoreMesh(core_axis_name="c", subcore_axis_name="s"),
    compiler_params=pltpu.CompilerParams(needs_layout_passes=False),
    out_type=jax.ShapeDtypeStruct((NSEG, D), jnp.float32),
    scratch_types=[
        pltpu.VMEM((D + L,), jnp.float32),
        pltpu.VMEM((ROWB_PAD,), jnp.int32),
        pltpu.VMEM((CHUNK + L,), jnp.int32),
        pltpu.VMEM((CHUNK + L,), jnp.int32),
        pltpu.VMEM((CHUNK, D), jnp.float32),
        pltpu.VMEM((CHUNK, D), jnp.float32),
        pltpu.VMEM((SPW, D), jnp.float32),
        pltpu.SemaphoreType.DMA,
        pltpu.SemaphoreType.DMA,
        pltpu.SemaphoreType.DMA,
        pltpu.SemaphoreType.DMA,
    ],
)(_sc_body)


def kernel(feats, batch, W, b):
    seg_bounds = jnp.arange(NW + 1, dtype=jnp.int32) * SPW
    rowb = jnp.sum(batch[None, :] < seg_bounds[:, None], axis=1,
                   dtype=jnp.int32)
    rowb = jnp.concatenate(
        [rowb, jnp.full((ROWB_PAD - NW - 1,), N_ROWS, jnp.int32)])
    wb = jnp.concatenate([W[:, 0], jnp.full((L,), b[0], jnp.float32)])
    return _sc_call(feats, batch, rowb, wb)

# --- scband reference (transcript-rebuilt; emitter-appended) ---
"""Pipeline reference for scband-weighted-sum-23545010717179 (READ-ONLY COPY).

The authoritative reference and input builder live on the scoring server;
editing this copy changes nothing except your own understanding.
"""

import jax, jax.numpy as jnp
import numpy as np

N = 160000
D = 256
NUM_SEGMENTS = 10000


def setup_inputs(seed: int = 0) -> dict:
    key = jax.random.key(seed)
    k1, k2, k3, k4 = jax.random.split(key, 4)
    feats = jax.random.normal(k1, (N, D), dtype=jnp.float32)
    batch = jnp.sort(jax.random.randint(k2, (N,), 0, NUM_SEGMENTS, dtype=jnp.int32))
    # nn.Linear(n_in_feats, 1): weight [1, D], bias [1] -> store as W [D, 1], b [1]
    bound = 1.0 / np.sqrt(D)
    W = jax.random.uniform(k3, (D, 1), dtype=jnp.float32, minval=-bound, maxval=bound)
    b = jax.random.uniform(k4, (1,), dtype=jnp.float32, minval=-bound, maxval=bound)
    return {"feats": feats, "batch": batch, "W": W, "b": b}


def reference(feats, batch, W, b):
    # weights = Sigmoid(Linear(feats)).squeeze() -> [N]
    weights = jax.nn.sigmoid(feats @ W + b)[:, 0]
    # transpose / broadcast-multiply / transpose back == row-wise scaling
    weight_feats = feats * weights[:, None]
    # scatter_add over dim 0 by segment id
    summed_nodes = jax.ops.segment_sum(weight_feats, batch, num_segments=NUM_SEGMENTS)
    return summed_nodes

if __name__ == "__main__":
    import jax
    _d = setup_inputs()
    print(jax.jit(kernel)(*tuple(_d.values())))

</pallas_src>

<mosaic_0001>
#map = affine_map<(d0, d1) -> (0, 0)>
#map1 = affine_map<(d0, d1) -> (0)>
module attributes {stable_mosaic.version = 14 : i64} {
  func.func @_sc_body(%arg0: i32, %arg1: i32, %arg2: memref<160000x256xf32, #tpu.memory_space<hbm>>, %arg3: memref<160000xi32, #tpu.memory_space<hbm>>, %arg4: memref<48xi32, #tpu.memory_space<hbm>>, %arg5: memref<272xf32, #tpu.memory_space<hbm>>, %arg6: memref<10000x256xf32, #tpu.memory_space<hbm>>, %arg7: memref<272xf32, #tpu.memory_space<vmem>>, %arg8: memref<48xi32, #tpu.memory_space<vmem>>, %arg9: memref<96xi32, #tpu.memory_space<vmem>>, %arg10: memref<96xi32, #tpu.memory_space<vmem>>, %arg11: memref<80x256xf32, #tpu.memory_space<vmem>>, %arg12: memref<80x256xf32, #tpu.memory_space<vmem>>, %arg13: memref<320x256xf32, #tpu.memory_space<vmem>>, %arg14: memref<!tpu.dma_semaphore, #tpu.memory_space<semaphore_mem>>, %arg15: memref<!tpu.dma_semaphore, #tpu.memory_space<semaphore_mem>>, %arg16: memref<!tpu.dma_semaphore, #tpu.memory_space<semaphore_mem>>, %arg17: memref<!tpu.dma_semaphore, #tpu.memory_space<semaphore_mem>>) attributes {dimension_semantics = [#tpu.dimension_semantics<core_parallel>, #tpu.dimension_semantics<subcore_parallel>], iteration_bounds = array<i64: 2, 16>, scalar_prefetch = 0 : i64, scratch_operands = 11 : i64, tpu.core_type = #tpu.core_type<sc_vector_subcore>, window_params = [{transform_indices = #map}, {transform_indices = #map1}, {transform_indices = #map1}, {transform_indices = #map1}, {transform_indices = #map}]} {
    %mul3A = arith.constant 2 : i32
    %mul3A_0 = arith.muli %arg1, %mul3A : i32
    %add3A = arith.addi %mul3A_0, %arg0 : i32
    "tpu.region"() ({
      %run_scoped3A = tpu.sem_alloc : memref<!tpu.dma_semaphore, #tpu.memory_space<semaphore_mem>>
      tpu.enqueue_dma source(%arg4 : memref<48xi32, #tpu.memory_space<hbm>>) target(%arg8 : memref<48xi32, #tpu.memory_space<vmem>>) target_semaphore(%run_scoped3A : memref<!tpu.dma_semaphore, #tpu.memory_space<semaphore_mem>>)
      tpu.wait_dma2 semaphore(%run_scoped3A : memref<!tpu.dma_semaphore, #tpu.memory_space<semaphore_mem>>) src(%arg4 : memref<48xi32, #tpu.memory_space<hbm>>) dst(%arg8 : memref<48xi32, #tpu.memory_space<vmem>>)
      tpu.yield
    }) : () -> ()
    "tpu.region"() ({
      %run_scoped3A = tpu.sem_alloc : memref<!tpu.dma_semaphore, #tpu.memory_space<semaphore_mem>>
      tpu.enqueue_dma source(%arg5 : memref<272xf32, #tpu.memory_space<hbm>>) target(%arg7 : memref<272xf32, #tpu.memory_space<vmem>>) target_semaphore(%run_scoped3A : memref<!tpu.dma_semaphore, #tpu.memory_space<semaphore_mem>>)
      tpu.wait_dma2 semaphore(%run_scoped3A : memref<!tpu.dma_semaphore, #tpu.memory_space<semaphore_mem>>) src(%arg5 : memref<272xf32, #tpu.memory_space<hbm>>) dst(%arg7 : memref<272xf32, #tpu.memory_space<vmem>>)
      tpu.yield
    }) : () -> ()
    %get3A = arith.index_cast %add3A : i32 to index
    %get3A_1 = tpu.vector_load %arg8[%get3A] {strides = array<i32>} : memref<48xi32, #tpu.memory_space<vmem>>, vector<16xi32>,
    %slice3A = vector.extract_strided_slice %get3A_1 {offsets = [0], sizes = [1], strides = [1]} : vector<16xi32> to vector<1xi32>
    %squeeze3A = vector.extract %slice3A[0] : i32 from vector<1xi32>
    %add3A_2 = arith.constant 1 : i32
    %add3A_3 = arith.addi %add3A, %add3A_2 : i32
    %get3A_4 = arith.index_cast %add3A_3 : i32 to index
    %get3A_5 = tpu.vector_load %arg8[%get3A_4] {strides = array<i32>} : memref<48xi32, #tpu.memory_space<vmem>>, vector<16xi32>,
    %slice3A_6 = vector.extract_strided_slice %get3A_5 {offsets = [0], sizes = [1], strides = [1]} : vector<16xi32> to vector<1xi32>
    %squeeze3A_7 = vector.extract %slice3A_6[0] : i32 from vector<1xi32>
    %mul3A_8 = arith.constant 320 : i32
    %mul3A_9 = arith.muli %add3A, %mul3A_8 : i32
    %get3A_10 = arith.constant 0 : index
    %get3A_11 = tpu.vector_load %arg7[%get3A_10] {strides = array<i32>} : memref<272xf32, #tpu.memory_space<vmem>>, vector<16xf32>,
    %get3A_12 = arith.constant 16 : index
    %get3A_13 = tpu.vector_load %arg7[%get3A_12] {strides = array<i32>} : memref<272xf32, #tpu.memory_space<vmem>>, vector<16xf32>,
    %get3A_14 = arith.constant 32 : index
    %get3A_15 = tpu.vector_load %arg7[%get3A_14] {strides = array<i32>} : memref<272xf32, #tpu.memory_space<vmem>>, vector<16xf32>,
    %get3A_16 = arith.constant 48 : index
    %get3A_17 = tpu.vector_load %arg7[%get3A_16] {strides = array<i32>} : memref<272xf32, #tpu.memory_space<vmem>>, vector<16xf32>,
    %get3A_18 = arith.constant 64 : index
    %get3A_19 = tpu.vector_load %arg7[%get3A_18] {strides = array<i32>} : memref<272xf32, #tpu.memory_space<vmem>>, vector<16xf32>,
    %get3A_20 = arith.constant 80 : index
    %get3A_21 = tpu.vector_load %arg7[%get3A_20] {strides = array<i32>} : memref<272xf32, #tpu.memory_space<vmem>>, vector<16xf32>,
    %get3A_22 = arith.constant 96 : index
    %get3A_23 = tpu.vector_load %arg7[%get3A_22] {strides = array<i32>} : memref<272xf32, #tpu.memory_space<vmem>>, vector<16xf32>,
    %get3A_24 = arith.constant 112 : index
    %get3A_25 = tpu.vector_load %arg7[%get3A_24] {strides = array<i32>} : memref<272xf32, #tpu.memory_space<vmem>>, vector<16xf32>,
    %get3A_26 = arith.constant 128 : index
    %get3A_27 = tpu.vector_load %arg7[%get3A_26] {strides = array<i32>} : memref<272xf32, #tpu.memory_space<vmem>>, vector<16xf32>,
    %get3A_28 = arith.constant 144 : index
    %get3A_29 = tpu.vector_load %arg7[%get3A_28] {strides = array<i32>} : memref<272xf32, #tpu.memory_space<vmem>>, vector<16xf32>,
    %get3A_30 = arith.constant 160 : index
    %get3A_31 = tpu.vector_load %arg7[%get3A_30] {strides = array<i32>} : memref<272xf32, #tpu.memory_space<vmem>>, vector<16xf32>,
    %get3A_32 = arith.constant 176 : index
    %get3A_33 = tpu.vector_load %arg7[%get3A_32] {strides = array<i32>} : memref<272xf32, #tpu.memory_space<vmem>>, vector<16xf32>,
    %get3A_34 = arith.constant 192 : index
    %get3A_35 = tpu.vector_load %arg7[%get3A_34] {strides = array<i32>} : memref<272xf32, #tpu.memory_space<vmem>>, vector<16xf32>,
    %get3A_36 = arith.constant 208 : index
    %get3A_37 = tpu.vector_load %arg7[%get3A_36] {strides = array<i32>} : memref<272xf32, #tpu.memory_space<vmem>>, vector<16xf32>,
    %get3A_38 = arith.constant 224 : index
    %get3A_39 = tpu.vector_load %arg7[%get3A_38] {strides = array<i32>} : memref<272xf32, #tpu.memory_space<vmem>>, vector<16xf32>,
    %get3A_40 = arith.constant 240 : index
    %get3A_41 = tpu.vector_load %arg7[%get3A_40] {strides = array<i32>} : memref<272xf32, #tpu.memory_space<vmem>>, vector<16xf32>,
    %get3A_42 = arith.constant 256 : index
    %get3A_43 = tpu.vector_load %arg7[%get3A_42] {strides = array<i32>} : memref<272xf32, #tpu.memory_space<vmem>>, vector<16xf32>,
    %broadcast_in_dim3A = arith.constant 0.000000e+00 : f32
    %broadcast_in_dim3A_44 = vector.broadcast %broadcast_in_dim3A : f32 to vector<16xf32>
    %scan3A = arith.constant 0 : i32
    %scan3A_45 = arith.constant 0 : i32
    %scan3A_46 = arith.constant 320 : i32
    %scan3A_47 = arith.addi %scan3A_45, %scan3A_46 : i32
    %scan3A_48 = arith.constant 1 : i32
    scf.for %scan3A_139 = %scan3A_45 to %scan3A_47 step %scan3A_48  : i32 {
      %swap3A = arith.index_cast %scan3A_139 : i32 to index
      %swap3A_140 = arith.constant 0 : index
      %swap3A_141 = tpu.vector_load %arg13[%swap3A, %swap3A_140] {strides = array<i32>} : memref<320x256xf32, #tpu.memory_space<vmem>>, vector<16xf32>,
      tpu.vector_store %arg13[%swap3A, %swap3A_140], %broadcast_in_dim3A_44 {strides = array<i32>} : memref<320x256xf32, #tpu.memory_space<vmem>>, vector<16xf32>,
      %swap3A_142 = arith.index_cast %scan3A_139 : i32 to index
      %swap3A_143 = arith.constant 16 : index
      %swap3A_144 = tpu.vector_load %arg13[%swap3A_142, %swap3A_143] {strides = array<i32>} : memref<320x256xf32, #tpu.memory_space<vmem>>, vector<16xf32>,
      tpu.vector_store %arg13[%swap3A_142, %swap3A_143], %broadcast_in_dim3A_44 {strides = array<i32>} : memref<320x256xf32, #tpu.memory_space<vmem>>, vector<16xf32>,
      %swap3A_145 = arith.index_cast %scan3A_139 : i32 to index
      %swap3A_146 = arith.constant 32 : index
      %swap3A_147 = tpu.vector_load %arg13[%swap3A_145, %swap3A_146] {strides = array<i32>} : memref<320x256xf32, #tpu.memory_space<vmem>>, vector<16xf32>,
      tpu.vector_store %arg13[%swap3A_145, %swap3A_146], %broadcast_in_dim3A_44 {strides = array<i32>} : memref<320x256xf32, #tpu.memory_space<vmem>>, vector<16xf32>,
      %swap3A_148 = arith.index_cast %scan3A_139 : i32 to index
      %swap3A_149 = arith.constant 48 : index
      %swap3A_150 = tpu.vector_load %arg13[%swap3A_148, %swap3A_149] {strides = array<i32>} : memref<320x256xf32, #tpu.memory_space<vmem>>, vector<16xf32>,
      tpu.vector_store %arg13[%swap3A_148, %swap3A_149], %broadcast_in_dim3A_44 {strides = array<i32>} : memref<320x256xf32, #tpu.memory_space<vmem>>, vector<16xf32>,
      %swap3A_151 = arith.index_cast %scan3A_139 : i32 to index
      %swap3A_152 = arith.constant 64 : index
      %swap3A_153 = tpu.vector_load %arg13[%swap3A_151, %swap3A_152] {strides = array<i32>} : memref<320x256xf32, #tpu.memory_space<vmem>>, vector<16xf32>,
      tpu.vector_store %arg13[%swap3A_151, %swap3A_152], %broadcast_in_dim3A_44 {strides = array<i32>} : memref<320x256xf32, #tpu.memory_space<vmem>>, vector<16xf32>,
      %swap3A_154 = arith.index_cast %scan3A_139 : i32 to index
      %swap3A_155 = arith.constant 80 : index
      %swap3A_156 = tpu.vector_load %arg13[%swap3A_154, %swap3A_155] {strides = array<i32>} : memref<320x256xf32, #tpu.memory_space<vmem>>, vector<16xf32>,
      tpu.vector_store %arg13[%swap3A_154, %swap3A_155], %broadcast_in_dim3A_44 {strides = array<i32>} : memref<320x256xf32, #tpu.memory_space<vmem>>, vector<16xf32>,
      %swap3A_157 = arith.index_cast %scan3A_139 : i32 to index
      %swap3A_158 = arith.constant 96 : index
      %swap3A_159 = tpu.vector_load %arg13[%swap3A_157, %swap3A_158] {strides = array<i32>} : memref<320x256xf32, #tpu.memory_space<vmem>>, vector<16xf32>,
      tpu.vector_store %arg13[%swap3A_157, %swap3A_158], %broadcast_in_dim3A_44 {strides = array<i32>} : memref<320x256xf32, #tpu.memory_space<vmem>>, vector<16xf32>,
      %swap3A_160 = arith.index_cast %scan3A_139 : i32 to index
      %swap3A_161 = arith.constant 112 : index
      %swap3A_162 = tpu.vector_load %arg13[%swap3A_160, %swap3A_161] {strides = array<i32>} : memref<320x256xf32, #tpu.memory_space<vmem>>, vector<16xf32>,
      tpu.vector_store %arg13[%swap3A_160, %swap3A_161], %broadcast_in_dim3A_44 {strides = array<i32>} : memref<320x256xf32, #tpu.memory_space<vmem>>, vector<16xf32>,
      %swap3A_163 = arith.index_cast %scan3A_139 : i32 to index
      %swap3A_164 = arith.constant 128 : index
      %swap3A_165 = tpu.vector_load %arg13[%swap3A_163, %swap3A_164] {strides = array<i32>} : memref<320x256xf32, #tpu.memory_space<vmem>>, vector<16xf32>,
      tpu.vector_store %arg13[%swap3A_163, %swap3A_164], %broadcast_in_dim3A_44 {strides = array<i32>} : memref<320x256xf32, #tpu.memory_space<vmem>>, vector<16xf32>,
      %swap3A_166 = arith.index_cast %scan3A_139 : i32 to index
      %swap3A_167 = arith.constant 144 : index
      %swap3A_168 = tpu.vector_load %arg13[%swap3A_166, %swap3A_167] {strides = array<i32>} : memref<320x256xf32, #tpu.memory_space<vmem>>, vector<16xf32>,
      tpu.vector_store %arg13[%swap3A_166, %swap3A_167], %broadcast_in_dim3A_44 {strides = array<i32>} : memref<320x256xf32, #tpu.memory_space<vmem>>, vector<16xf32>,
      %swap3A_169 = arith.index_cast %scan3A_139 : i32 to index
      %swap3A_170 = arith.constant 160 : index
      %swap3A_171 = tpu.vector_load %arg13[%swap3A_169, %swap3A_170] {strides = array<i32>} : memref<320x256xf32, #tpu.memory_space<vmem>>, vector<16xf32>,
      tpu.vector_store %arg13[%swap3A_169, %swap3A_170], %broadcast_in_dim3A_44 {strides = array<i32>} : memref<320x256xf32, #tpu.memory_space<vmem>>, vector<16xf32>,
      %swap3A_172 = arith.index_cast %scan3A_139 : i32 to index
      %swap3A_173 = arith.constant 176 : index
      %swap3A_174 = tpu.vector_load %arg13[%swap3A_172, %swap3A_173] {strides = array<i32>} : memref<320x256xf32, #tpu.memory_space<vmem>>, vector<16xf32>,
      tpu.vector_store %arg13[%swap3A_172, %swap3A_173], %broadcast_in_dim3A_44 {strides = array<i32>} : memref<320x256xf32, #tpu.memory_space<vmem>>, vector<16xf32>,
      %swap3A_175 = arith.index_cast %scan3A_139 : i32 to index
      %swap3A_176 = arith.constant 192 : index
      %swap3A_177 = tpu.vector_load %arg13[%swap3A_175, %swap3A_176] {strides = array<i32>} : memref<320x256xf32, #tpu.memory_space<vmem>>, vector<16xf32>,
      tpu.vector_store %arg13[%swap3A_175, %swap3A_176], %broadcast_in_dim3A_44 {strides = array<i32>} : memref<320x256xf32, #tpu.memory_space<vmem>>, vector<16xf32>,
      %swap3A_178 = arith.index_cast %scan3A_139 : i32 to index
      %swap3A_179 = arith.constant 208 : index
      %swap3A_180 = tpu.vector_load %arg13[%swap3A_178, %swap3A_179] {strides = array<i32>} : memref<320x256xf32, #tpu.memory_space<vmem>>, vector<16xf32>,
      tpu.vector_store %arg13[%swap3A_178, %swap3A_179], %broadcast_in_dim3A_44 {strides = array<i32>} : memref<320x256xf32, #tpu.memory_space<vmem>>, vector<16xf32>,
      %swap3A_181 = arith.index_cast %scan3A_139 : i32 to index
      %swap3A_182 = arith.constant 224 : index
      %swap3A_183 = tpu.vector_load %arg13[%swap3A_181, %swap3A_182] {strides = array<i32>} : memref<320x256xf32, #tpu.memory_space<vmem>>, vector<16xf32>,
      tpu.vector_store %arg13[%swap3A_181, %swap3A_182], %broadcast_in_dim3A_44 {strides = array<i32>} : memref<320x256xf32, #tpu.memory_space<vmem>>, vector<16xf32>,
      %swap3A_184 = arith.index_cast %scan3A_139 : i32 to index
      %swap3A_185 = arith.constant 240 : index
      %swap3A_186 = tpu.vector_load %arg13[%swap3A_184, %swap3A_185] {strides = array<i32>} : memref<320x256xf32, #tpu.memory_space<vmem>>, vector<16xf32>,
      tpu.vector_store %arg13[%swap3A_184, %swap3A_185], %broadcast_in_dim3A_44 {strides = array<i32>} : memref<320x256xf32, #tpu.memory_space<vmem>>, vector<16xf32>,
    }
    %scan3A_49 = arith.constant 320 : i32
    %jit3A = arith.constant 80 : i32
    %div3A = arith.divsi %squeeze3A, %jit3A : i32
    %sign3A = arith.constant 0 : i32
    %sign3A_50 = arith.cmpi sgt, %squeeze3A, %sign3A : i32
    %sign3A_51 = arith.extui %sign3A_50 : i1 to i32
    %sign3A_52 = arith.constant 0 : i32
    %sign3A_53 = arith.cmpi slt, %squeeze3A, %sign3A_52 : i32
    %sign3A_54 = arith.extui %sign3A_53 : i1 to i32
    %sign3A_55 = arith.subi %sign3A_51, %sign3A_54 : i32
    %sign3A_56 = arith.constant 0 : i32
    %sign3A_57 = arith.cmpi sgt, %jit3A, %sign3A_56 : i32
    %sign3A_58 = arith.extui %sign3A_57 : i1 to i32
    %sign3A_59 = arith.constant 0 : i32
    %sign3A_60 = arith.cmpi slt, %jit3A, %sign3A_59 : i32
    %sign3A_61 = arith.extui %sign3A_60 : i1 to i32
    %sign3A_62 = arith.subi %sign3A_58, %sign3A_61 : i32
    %ne3A = arith.cmpi ne, %sign3A_55, %sign3A_62 : i32
    %rem3A = arith.remsi %squeeze3A, %jit3A : i32
    %ne3A_63 = arith.constant 0 : i32
    %ne3A_64 = arith.cmpi ne, %rem3A, %ne3A_63 : i32
    %and3A = arith.andi %ne3A, %ne3A_64 : i1
    %sub3A = arith.constant 1 : i32
    %sub3A_65 = arith.subi %div3A, %sub3A : i32
    %select_n3A = arith.select %and3A, %sub3A_65, %div3A : i32
    %add3A_66 = arith.constant 80 : i32
    %add3A_67 = arith.addi %squeeze3A_7, %add3A_66 : i32
    %sub3A_68 = arith.constant 1 : i32
    %sub3A_69 = arith.subi %add3A_67, %sub3A_68 : i32
    %div3A_70 = arith.constant 80 : i32
    %div3A_71 = arith.divsi %sub3A_69, %div3A_70 : i32
    %max3A = arith.maxsi %div3A_71, %select_n3A : i32
    %sub3A_72 = arith.subi %max3A, %select_n3A : i32
    %add3A_73 = arith.constant 1 : i32
    %add3A_74 = arith.addi %sub3A_72, %add3A_73 : i32
    %jit3A_75 = arith.constant 2 : i32
    %div3A_76 = arith.divsi %add3A_74, %jit3A_75 : i32
    %sign3A_77 = arith.constant 0 : i32
    %sign3A_78 = arith.cmpi sgt, %add3A_74, %sign3A_77 : i32
    %sign3A_79 = arith.extui %sign3A_78 : i1 to i32
    %sign3A_80 = arith.constant 0 : i32
    %sign3A_81 = arith.cmpi slt, %add3A_74, %sign3A_80 : i32
    %sign3A_82 = arith.extui %sign3A_81 : i1 to i32
    %sign3A_83 = arith.subi %sign3A_79, %sign3A_82 : i32
    %sign3A_84 = arith.constant 0 : i32
    %sign3A_85 = arith.cmpi sgt, %jit3A_75, %sign3A_84 : i32
    %sign3A_86 = arith.extui %sign3A_85 : i1 to i32
    %sign3A_87 = arith.constant 0 : i32
    %sign3A_88 = arith.cmpi slt, %jit3A_75, %sign3A_87 : i32
    %sign3A_89 = arith.extui %sign3A_88 : i1 to i32
    %sign3A_90 = arith.subi %sign3A_86, %sign3A_89 : i32
    %ne3A_91 = arith.cmpi ne, %sign3A_83, %sign3A_90 : i32
    %rem3A_92 = arith.remsi %add3A_74, %jit3A_75 : i32
    %ne3A_93 = arith.constant 0 : i32
    %ne3A_94 = arith.cmpi ne, %rem3A_92, %ne3A_93 : i32
    %and3A_95 = arith.andi %ne3A_91, %ne3A_94 : i1
    %sub3A_96 = arith.constant 1 : i32
    %sub3A_97 = arith.subi %div3A_76, %sub3A_96 : i32
    %select_n3A_98 = arith.select %and3A_95, %sub3A_97, %div3A_76 : i32
    %min3A = arith.constant 1999 : i32
    %min3A_99 = arith.minsi %select_n3A, %min3A : i32
    %mul3A_100 = arith.constant 80 : i32
    %mul3A_101 = arith.muli %min3A_99, %mul3A_100 : i32
    %dma_start3A = arith.constant 0 : i32
    %dma_start3A_102 = tpu.memref_slice %arg2[%mul3A_101, %dma_start3A] : memref<160000x256xf32, #tpu.memory_space<hbm>> -> memref<80x256xf32, #tpu.memory_space<hbm>>
    %dma_start3A_103 = arith.constant 0 : i32
    %dma_start3A_104 = tpu.memref_slice %arg2[%mul3A_101, %dma_start3A_103] : memref<160000x256xf32, #tpu.memory_space<hbm>> -> memref<80x256xf32, #tpu.memory_space<hbm>>
    tpu.enqueue_dma source(%dma_start3A_104 : memref<80x256xf32, #tpu.memory_space<hbm>>) target(%arg11 : memref<80x256xf32, #tpu.memory_space<vmem>>) target_semaphore(%arg14 : memref<!tpu.dma_semaphore, #tpu.memory_space<semaphore_mem>>)
    %dma_start3A_105 = arith.constant 0 : i32
    %dma_start3A_106 = tpu.memref_slice %arg9[%dma_start3A_105] : memref<96xi32, #tpu.memory_space<vmem>> -> memref<80xi32, #tpu.memory_space<vmem>>
    %dma_start3A_107 = tpu.memref_slice %arg3[%mul3A_101] : memref<160000xi32, #tpu.memory_space<hbm>> -> memref<80xi32, #tpu.memory_space<hbm>>
    %dma_start3A_108 = arith.constant 0 : i32
    %dma_start3A_109 = tpu.memref_slice %arg9[%dma_start3A_108] : memref<96xi32, #tpu.memory_space<vmem>> -> memref<80xi32, #tpu.memory_space<vmem>>
    %dma_start3A_110 = tpu.memref_slice %arg3[%mul3A_101] : memref<160000xi32, #tpu.memory_space<hbm>> -> memref<80xi32, #tpu.memory_space<hbm>>
    tpu.enqueue_dma source(%dma_start3A_110 : memref<80xi32, #tpu.memory_space<hbm>>) target(%dma_start3A_109 : memref<80xi32, #tpu.memory_space<vmem>>) target_semaphore(%arg16 : memref<!tpu.dma_semaphore, #tpu.memory_space<semaphore_mem>>)
    %while3A = arith.constant 0 : i32
    %while3A_111 = arith.constant 0 : i32
    %while3A_112 = arith.subi %select_n3A_98, %while3A_111 : i32
    %while3A_113 = arith.addi %while3A_111, %while3A_112 : i32
    %while3A_114 = arith.constant 1 : i32
    %while3A_115 = arith.divsi %while3A_112, %while3A_114 : i32
    %while3A_116 = arith.muli %while3A_115, %while3A_114 : i32
    %while3A_117 = arith.addi %while3A_111, %while3A_116 : i32
    %while3A_118 = arith.constant 1 : i32
    scf.for %while3A_139 = %while3A_111 to %while3A_117 step %while3A_118  : i32 {
      %mul3A_140 = arith.constant 2 : i32
      %mul3A_141 = arith.muli %mul3A_140, %while3A_139 : i32
      %add3A_142 = arith.addi %select_n3A, %mul3A_141 : i32
      %add3A_143 = arith.constant 1 : i32
      %add3A_144 = arith.addi %add3A_142, %add3A_143 : i32
      %min3A_145 = arith.constant 1999 : i32
      %min3A_146 = arith.minsi %add3A_144, %min3A_145 : i32
      %mul3A_147 = arith.constant 80 : i32
      %mul3A_148 = arith.muli %min3A_146, %mul3A_147 : i32
      %dma_start3A_149 = arith.constant 0 : i32
      %dma_start3A_150 = tpu.memref_slice %arg2[%mul3A_148, %dma_start3A_149] : memref<160000x256xf32, #tpu.memory_space<hbm>> -> memref<80x256xf32, #tpu.memory_space<hbm>>
      %dma_start3A_151 = arith.constant 0 : i32
      %dma_start3A_152 = tpu.memref_slice %arg2[%mul3A_148, %dma_start3A_151] : memref<160000x256xf32, #tpu.memory_space<hbm>> -> memref<80x256xf32, #tpu.memory_space<hbm>>
      tpu.enqueue_dma source(%dma_start3A_152 : memref<80x256xf32, #tpu.memory_space<hbm>>) target(%arg12 : memref<80x256xf32, #tpu.memory_space<vmem>>) target_semaphore(%arg15 : memref<!tpu.dma_semaphore, #tpu.memory_space<semaphore_mem>>)
      %dma_start3A_153 = arith.constant 0 : i32
      %dma_start3A_154 = tpu.memref_slice %arg10[%dma_start3A_153] : memref<96xi32, #tpu.memory_space<vmem>> -> memref<80xi32, #tpu.memory_space<vmem>>
      %dma_start3A_155 = tpu.memref_slice %arg3[%mul3A_148] : memref<160000xi32, #tpu.memory_space<hbm>> -> memref<80xi32, #tpu.memory_space<hbm>>
      %dma_start3A_156 = arith.constant 0 : i32
      %dma_start3A_157 = tpu.memref_slice %arg10[%dma_start3A_156] : memref<96xi32, #tpu.memory_space<vmem>> -> memref<80xi32, #tpu.memory_space<vmem>>
      %dma_start3A_158 = tpu.memref_slice %arg3[%mul3A_148] : memref<160000xi32, #tpu.memory_space<hbm>> -> memref<80xi32, #tpu.memory_space<hbm>>
      tpu.enqueue_dma source(%dma_start3A_158 : memref<80xi32, #tpu.memory_space<hbm>>) target(%dma_start3A_157 : memref<80xi32, #tpu.memory_space<vmem>>) target_semaphore(%arg17 : memref<!tpu.dma_semaphore, #tpu.memory_space<semaphore_mem>>)
      %min3A_159 = arith.constant 1999 : i32
      %min3A_160 = arith.minsi %add3A_142, %min3A_159 : i32
      %mul3A_161 = arith.constant 80 : i32
      %mul3A_162 = arith.muli %min3A_160, %mul3A_161 : i32
      %dma_wait3A_163 = arith.constant 0 : i32
      %dma_wait3A_164 = tpu.memref_slice %arg2[%mul3A_162, %dma_wait3A_163] : memref<160000x256xf32, #tpu.memory_space<hbm>> -> memref<80x256xf32, #tpu.memory_space<hbm>>
      %dma_wait3A_165 = arith.constant 0 : i32
      %dma_wait3A_166 = tpu.memref_slice %arg2[%mul3A_162, %dma_wait3A_165] : memref<160000x256xf32, #tpu.memory_space<hbm>> -> memref<80x256xf32, #tpu.memory_space<hbm>>
      tpu.wait_dma2 semaphore(%arg14 : memref<!tpu.dma_semaphore, #tpu.memory_space<semaphore_mem>>) src(%dma_wait3A_166 : memref<80x256xf32, #tpu.memory_space<hbm>>) dst(%arg11 : memref<80x256xf32, #tpu.memory_space<vmem>>)
      %dma_wait3A_167 = arith.constant 0 : i32
      %dma_wait3A_168 = tpu.memref_slice %arg9[%dma_wait3A_167] : memref<96xi32, #tpu.memory_space<vmem>> -> memref<80xi32, #tpu.memory_space<vmem>>
      %dma_wait3A_169 = tpu.memref_slice %arg3[%mul3A_162] : memref<160000xi32, #tpu.memory_space<hbm>> -> memref<80xi32, #tpu.memory_space<hbm>>
      %dma_wait3A_170 = arith.constant 0 : i32
      %dma_wait3A_171 = tpu.memref_slice %arg9[%dma_wait3A_170] : memref<96xi32, #tpu.memory_space<vmem>> -> memref<80xi32, #tpu.memory_space<vmem>>
      %dma_wait3A_172 = tpu.memref_slice %arg3[%mul3A_162] : memref<160000xi32, #tpu.memory_space<hbm>> -> memref<80xi32, #tpu.memory_space<hbm>>
      tpu.wait_dma2 semaphore(%arg16 : memref<!tpu.dma_semaphore, #tpu.memory_space<semaphore_mem>>) src(%dma_wait3A_172 : memref<80xi32, #tpu.memory_space<hbm>>) dst(%dma_wait3A_171 : memref<80xi32, #tpu.memory_space<vmem>>)
      %mul3A_173 = arith.constant 80 : i32
      %mul3A_174 = arith.muli %add3A_142, %mul3A_173 : i32
      %parallel_loop3A = arith.constant 0 : i32
      %parallel_loop3A_175 = arith.constant 80 : i32
      %parallel_loop3A_176 = arith.constant 1 : i32
      scf.for %parallel_loop3A_216 = %parallel_loop3A to %parallel_loop3A_175 step %parallel_loop3A_176  : i32 {
        %parallel_loop3A_217 = arith.addi %mul3A_174, %parallel_loop3A_216 : i32
        %parallel_loop3A_218 = arith.index_cast %parallel_loop3A_216 : i32 to index
        %parallel_loop3A_219 = tpu.vector_load %arg9[%parallel_loop3A_218] {strides = array<i32>} : memref<96xi32, #tpu.memory_space<vmem>>, vector<16xi32>,
        %parallel_loop3A_220 = vector.extract_strided_slice %parallel_loop3A_219 {offsets = [0], sizes = [1], strides = [1]} : vector<16xi32> to vector<1xi32>
        %parallel_loop3A_221 = vector.extract %parallel_loop3A_220[0] : i32 from vector<1xi32>
        %parallel_loop3A_222 = arith.subi %parallel_loop3A_221, %mul3A_9 : i32
        %parallel_loop3A_223 = arith.constant 0 : i32
        %parallel_loop3A_224 = arith.maxsi %parallel_loop3A_222, %parallel_loop3A_223 : i32
        %parallel_loop3A_225 = arith.constant 319 : i32
        %parallel_loop3A_226 = arith.minsi %parallel_loop3A_224, %parallel_loop3A_225 : i32
        %parallel_loop3A_227 = arith.index_cast %parallel_loop3A_216 : i32 to index
        %parallel_loop3A_228 = arith.constant 0 : index
        %parallel_loop3A_229 = tpu.vector_load %arg11[%parallel_loop3A_227, %parallel_loop3A_228] {strides = array<i32>} : memref<80x256xf32, #tpu.memory_space<vmem>>, vector<16xf32>,
        %parallel_loop3A_230 = arith.index_cast %parallel_loop3A_216 : i32 to index
        %parallel_loop3A_231 = arith.constant 16 : index
        %parallel_loop3A_232 = tpu.vector_load %arg11[%parallel_loop3A_230, %parallel_loop3A_231] {strides = array<i32>} : memref<80x256xf32, #tpu.memory_space<vmem>>, vector<16xf32>,
        %parallel_loop3A_233 = arith.index_cast %parallel_loop3A_216 : i32 to index
        %parallel_loop3A_234 = arith.constant 32 : index
        %parallel_loop3A_235 = tpu.vector_load %arg11[%parallel_loop3A_233, %parallel_loop3A_234] {strides = array<i32>} : memref<80x256xf32, #tpu.memory_space<vmem>>, vector<16xf32>,
        %parallel_loop3A_236 = arith.index_cast %parallel_loop3A_216 : i32 to index
        %parallel_loop3A_237 = arith.constant 48 : index
        %parallel_loop3A_238 = tpu.vector_load %arg11[%parallel_loop3A_236, %parallel_loop3A_237] {strides = array<i32>} : memref<80x256xf32, #tpu.memory_space<vmem>>, vector<16xf32>,
        %parallel_loop3A_239 = arith.index_cast %parallel_loop3A_216 : i32 to index
        %parallel_loop3A_240 = arith.constant 64 : index
        %parallel_loop3A_241 = tpu.vector_load %arg11[%parallel_loop3A_239, %parallel_loop3A_240] {strides = array<i32>} : memref<80x256xf32, #tpu.memory_space<vmem>>, vector<16xf32>,
        %parallel_loop3A_242 = arith.index_cast %parallel_loop3A_216 : i32 to index
        %parallel_loop3A_243 = arith.constant 80 : index
        %parallel_loop3A_244 = tpu.vector_load %arg11[%parallel_loop3A_242, %parallel_loop3A_243] {strides = array<i32>} : memref<80x256xf32, #tpu.memory_space<vmem>>, vector<16xf32>,
        %parallel_loop3A_245 = arith.index_cast %parallel_loop3A_216 : i32 to index
        %parallel_loop3A_246 = arith.constant 96 : index
        %parallel_loop3A_247 = tpu.vector_load %arg11[%parallel_loop3A_245, %parallel_loop3A_246] {strides = array<i32>} : memref<80x256xf32, #tpu.memory_space<vmem>>, vector<16xf32>,
        %parallel_loop3A_248 = arith.index_cast %parallel_loop3A_216 : i32 to index
        %parallel_loop3A_249 = arith.constant 112 : index
        %parallel_loop3A_250 = tpu.vector_load %arg11[%parallel_loop3A_248, %parallel_loop3A_249] {strides = array<i32>} : memref<80x256xf32, #tpu.memory_space<vmem>>, vector<16xf32>,
        %parallel_loop3A_251 = arith.index_cast %parallel_loop3A_216 : i32 to index
        %parallel_loop3A_252 = arith.constant 128 : index
        %parallel_loop3A_253 = tpu.vector_load %arg11[%parallel_loop3A_251, %parallel_loop3A_252] {strides = array<i32>} : memref<80x256xf32, #tpu.memory_space<vmem>>, vector<16xf32>,
        %parallel_loop3A_254 = arith.index_cast %parallel_loop3A_216 : i32 to index
        %parallel_loop3A_255 = arith.constant 144 : index
        %parallel_loop3A_256 = tpu.vector_load %arg11[%parallel_loop3A_254, %parallel_loop3A_255] {strides = array<i32>} : memref<80x256xf32, #tpu.memory_space<vmem>>, vector<16xf32>,
        %parallel_loop3A_257 = arith.index_cast %parallel_loop3A_216 : i32 to index
        %parallel_loop3A_258 = arith.constant 160 : index
        %parallel_loop3A_259 = tpu.vector_load %arg11[%parallel_loop3A_257, %parallel_loop3A_258] {strides = array<i32>} : memref<80x256xf32, #tpu.memory_space<vmem>>, vector<16xf32>,
        %parallel_loop3A_260 = arith.index_cast %parallel_loop3A_216 : i32 to index
        %parallel_loop3A_261 = arith.constant 176 : index
        %parallel_loop3A_262 = tpu.vector_load %arg11[%parallel_loop3A_260, %parallel_loop3A_261] {strides = array<i32>} : memref<80x256xf32, #tpu.memory_space<vmem>>, vector<16xf32>,
        %parallel_loop3A_263 = arith.index_cast %parallel_loop3A_216 : i32 to index
        %parallel_loop3A_264 = arith.constant 192 : index
        %parallel_loop3A_265 = tpu.vector_load %arg11[%parallel_loop3A_263, %parallel_loop3A_264] {strides = array<i32>} : memref<80x256xf32, #tpu.memory_space<vmem>>, vector<16xf32>,
        %parallel_loop3A_266 = arith.index_cast %parallel_loop3A_216 : i32 to index
        %parallel_loop3A_267 = arith.constant 208 : index
        %parallel_loop3A_268 = tpu.vector_load %arg11[%parallel_loop3A_266, %parallel_loop3A_267] {strides = array<i32>} : memref<80x256xf32, #tpu.memory_space<vmem>>, vector<16xf32>,
        %parallel_loop3A_269 = arith.index_cast %parallel_loop3A_216 : i32 to index
        %parallel_loop3A_270 = arith.constant 224 : index
        %parallel_loop3A_271 = tpu.vector_load %arg11[%parallel_loop3A_269, %parallel_loop3A_270] {strides = array<i32>} : memref<80x256xf32, #tpu.memory_space<vmem>>, vector<16xf32>,
        %parallel_loop3A_272 = arith.index_cast %parallel_loop3A_216 : i32 to index
        %parallel_loop3A_273 = arith.constant 240 : index
        %parallel_loop3A_274 = tpu.vector_load %arg11[%parallel_loop3A_272, %parallel_loop3A_273] {strides = array<i32>} : memref<80x256xf32, #tpu.memory_space<vmem>>, vector<16xf32>,
        %parallel_loop3A_275 = arith.mulf %parallel_loop3A_229, %get3A_11 : vector<16xf32>
        %parallel_loop3A_276 = arith.mulf %parallel_loop3A_232, %get3A_13 : vector<16xf32>
        %parallel_loop3A_277 = arith.mulf %parallel_loop3A_235, %get3A_15 : vector<16xf32>
        %parallel_loop3A_278 = arith.mulf %parallel_loop3A_238, %get3A_17 : vector<16xf32>
        %parallel_loop3A_279 = arith.mulf %parallel_loop3A_241, %get3A_19 : vector<16xf32>
        %parallel_loop3A_280 = arith.mulf %parallel_loop3A_244, %get3A_21 : vector<16xf32>
        %parallel_loop3A_281 = arith.mulf %parallel_loop3A_247, %get3A_23 : vector<16xf32>
        %parallel_loop3A_282 = arith.mulf %parallel_loop3A_250, %get3A_25 : vector<16xf32>
        %parallel_loop3A_283 = arith.mulf %parallel_loop3A_253, %get3A_27 : vector<16xf32>
        %parallel_loop3A_284 = arith.mulf %parallel_loop3A_256, %get3A_29 : vector<16xf32>
        %parallel_loop3A_285 = arith.mulf %parallel_loop3A_259, %get3A_31 : vector<16xf32>
        %parallel_loop3A_286 = arith.mulf %parallel_loop3A_262, %get3A_33 : vector<16xf32>
        %parallel_loop3A_287 = arith.mulf %parallel_loop3A_265, %get3A_35 : vector<16xf32>
        %parallel_loop3A_288 = arith.mulf %parallel_loop3A_268, %get3A_37 : vector<16xf32>
        %parallel_loop3A_289 = arith.mulf %parallel_loop3A_271, %get3A_39 : vector<16xf32>
        %parallel_loop3A_290 = arith.mulf %parallel_loop3A_274, %get3A_41 : vector<16xf32>
        %parallel_loop3A_291 = arith.addf %parallel_loop3A_275, %parallel_loop3A_276 : vector<16xf32>
        %parallel_loop3A_292 = arith.addf %parallel_loop3A_277, %parallel_loop3A_278 : vector<16xf32>
        %parallel_loop3A_293 = arith.addf %parallel_loop3A_279, %parallel_loop3A_280 : vector<16xf32>
        %parallel_loop3A_294 = arith.addf %parallel_loop3A_281, %parallel_loop3A_282 : vector<16xf32>
        %parallel_loop3A_295 = arith.addf %parallel_loop3A_283, %parallel_loop3A_284 : vector<16xf32>
        %parallel_loop3A_296 = arith.addf %parallel_loop3A_285, %parallel_loop3A_286 : vector<16xf32>
        %parallel_loop3A_297 = arith.addf %parallel_loop3A_287, %parallel_loop3A_288 : vector<16xf32>
        %parallel_loop3A_298 = arith.addf %parallel_loop3A_289, %parallel_loop3A_290 : vector<16xf32>
        %parallel_loop3A_299 = arith.addf %parallel_loop3A_291, %parallel_loop3A_292 : vector<16xf32>
        %parallel_loop3A_300 = arith.addf %parallel_loop3A_293, %parallel_loop3A_294 : vector<16xf32>
        %parallel_loop3A_301 = arith.addf %parallel_loop3A_295, %parallel_loop3A_296 : vector<16xf32>
        %parallel_loop3A_302 = arith.addf %parallel_loop3A_297, %parallel_loop3A_298 : vector<16xf32>
        %parallel_loop3A_303 = arith.addf %parallel_loop3A_299, %parallel_loop3A_300 : vector<16xf32>
        %parallel_loop3A_304 = arith.addf %parallel_loop3A_301, %parallel_loop3A_302 : vector<16xf32>
        %parallel_loop3A_305 = arith.addf %parallel_loop3A_303, %parallel_loop3A_304 : vector<16xf32>
        %parallel_loop3A_306 = arith.constant true
        %parallel_loop3A_307 = vector.broadcast %parallel_loop3A_306 : i1 to vector<16xi1>
        %parallel_loop3A_308 = tpu.scan <sum>, %parallel_loop3A_305 masked %parallel_loop3A_307 : vector<16xf32>, vector<16xi1> -> vector<16xf32>
        %parallel_loop3A_309 = vector.extract %parallel_loop3A_308[15] : f32 from vector<16xf32>
        %parallel_loop3A_310 = vector.broadcast %parallel_loop3A_309 : f32 to vector<16xf32>
        %parallel_loop3A_311 = arith.addf %parallel_loop3A_310, %get3A_43 : vector<16xf32>
        %parallel_loop3A_312 = arith.constant 0.000000e+00 : f32
        %parallel_loop3A_313 = vector.broadcast %parallel_loop3A_312 : f32 to vector<16xf32>
        %parallel_loop3A_314 = arith.subf %parallel_loop3A_313, %parallel_loop3A_311 : vector<16xf32>
        %parallel_loop3A_315 = math.exp %parallel_loop3A_314 : vector<16xf32>
        %parallel_loop3A_316 = arith.constant 1.000000e+00 : f32
        %parallel_loop3A_317 = vector.broadcast %parallel_loop3A_316 : f32 to vector<16xf32>
        %parallel_loop3A_318 = arith.addf %parallel_loop3A_317, %parallel_loop3A_315 : vector<16xf32>
        %parallel_loop3A_319 = arith.constant 1.000000e+00 : f32
        %parallel_loop3A_320 = vector.broadcast %parallel_loop3A_319 : f32 to vector<16xf32>
        %parallel_loop3A_321 = arith.divf %parallel_loop3A_320, %parallel_loop3A_318 : vector<16xf32>
        %parallel_loop3A_322 = arith.cmpi sge, %parallel_loop3A_217, %squeeze3A : i32
        %parallel_loop3A_323 = arith.cmpi slt, %parallel_loop3A_217, %squeeze3A_7 : i32
        %parallel_loop3A_324 = arith.andi %parallel_loop3A_322, %parallel_loop3A_323 : i1
        %parallel_loop3A_325 = arith.constant 1.000000e+00 : f32
        %parallel_loop3A_326 = arith.constant 0.000000e+00 : f32
        %parallel_loop3A_327 = arith.select %parallel_loop3A_324, %parallel_loop3A_325, %parallel_loop3A_326 : f32
        %parallel_loop3A_328 = vector.broadcast %parallel_loop3A_327 : f32 to vector<16xf32>
        %parallel_loop3A_329 = arith.mulf %parallel_loop3A_321, %parallel_loop3A_328 : vector<16xf32>
        %parallel_loop3A_330 = arith.index_cast %parallel_loop3A_216 : i32 to index
        %parallel_loop3A_331 = arith.constant 0 : index
        %parallel_loop3A_332 = tpu.vector_load %arg11[%parallel_loop3A_330, %parallel_loop3A_331] {strides = array<i32>} : memref<80x256xf32, #tpu.memory_space<vmem>>, vector<16xf32>,
        %parallel_loop3A_333 = arith.index_cast %parallel_loop3A_216 : i32 to index
        %parallel_loop3A_334 = arith.constant 16 : index
        %parallel_loop3A_335 = tpu.vector_load %arg11[%parallel_loop3A_333, %parallel_loop3A_334] {strides = array<i32>} : memref<80x256xf32, #tpu.memory_space<vmem>>, vector<16xf32>,
        %parallel_loop3A_336 = arith.index_cast %parallel_loop3A_216 : i32 to index
        %parallel_loop3A_337 = arith.constant 32 : index
        %parallel_loop3A_338 = tpu.vector_load %arg11[%parallel_loop3A_336, %parallel_loop3A_337] {strides = array<i32>} : memref<80x256xf32, #tpu.memory_space<vmem>>, vector<16xf32>,
        %parallel_loop3A_339 = arith.index_cast %parallel_loop3A_216 : i32 to index
        %parallel_loop3A_340 = arith.constant 48 : index
        %parallel_loop3A_341 = tpu.vector_load %arg11[%parallel_loop3A_339, %parallel_loop3A_340] {strides = array<i32>} : memref<80x256xf32, #tpu.memory_space<vmem>>, vector<16xf32>,
        %parallel_loop3A_342 = arith.index_cast %parallel_loop3A_216 : i32 to index
        %parallel_loop3A_343 = arith.constant 64 : index
        %parallel_loop3A_344 = tpu.vector_load %arg11[%parallel_loop3A_342, %parallel_loop3A_343] {strides = array<i32>} : memref<80x256xf32, #tpu.memory_space<vmem>>, vector<16xf32>,
        %parallel_loop3A_345 = arith.index_cast %parallel_loop3A_216 : i32 to index
        %parallel_loop3A_346 = arith.constant 80 : index
        %parallel_loop3A_347 = tpu.vector_load %arg11[%parallel_loop3A_345, %parallel_loop3A_346] {strides = array<i32>} : memref<80x256xf32, #tpu.memory_space<vmem>>, vector<16xf32>,
        %parallel_loop3A_348 = arith.index_cast %parallel_loop3A_216 : i32 to index
        %parallel_loop3A_349 = arith.constant 96 : index
        %parallel_loop3A_350 = tpu.vector_load %arg11[%parallel_loop3A_348, %parallel_loop3A_349] {strides = array<i32>} : memref<80x256xf32, #tpu.memory_space<vmem>>, vector<16xf32>,
        %parallel_loop3A_351 = arith.index_cast %parallel_loop3A_216 : i32 to index
        %parallel_loop3A_352 = arith.constant 112 : index
        %parallel_loop3A_353 = tpu.vector_load %arg11[%parallel_loop3A_351, %parallel_loop3A_352] {strides = array<i32>} : memref<80x256xf32, #tpu.memory_space<vmem>>, vector<16xf32>,
        %parallel_loop3A_354 = arith.index_cast %parallel_loop3A_216 : i32 to index
        %parallel_loop3A_355 = arith.constant 128 : index
        %parallel_loop3A_356 = tpu.vector_load %arg11[%parallel_loop3A_354, %parallel_loop3A_355] {strides = array<i32>} : memref<80x256xf32, #tpu.memory_space<vmem>>, vector<16xf32>,
        %parallel_loop3A_357 = arith.index_cast %parallel_loop3A_216 : i32 to index
        %parallel_loop3A_358 = arith.constant 144 : index
        %parallel_loop3A_359 = tpu.vector_load %arg11[%parallel_loop3A_357, %parallel_loop3A_358] {strides = array<i32>} : memref<80x256xf32, #tpu.memory_space<vmem>>, vector<16xf32>,
        %parallel_loop3A_360 = arith.index_cast %parallel_loop3A_216 : i32 to index
        %parallel_loop3A_361 = arith.constant 160 : index
        %parallel_loop3A_362 = tpu.vector_load %arg11[%parallel_loop3A_360, %parallel_loop3A_361] {strides = array<i32>} : memref<80x256xf32, #tpu.memory_space<vmem>>, vector<16xf32>,
        %parallel_loop3A_363 = arith.index_cast %parallel_loop3A_216 : i32 to index
        %parallel_loop3A_364 = arith.constant 176 : index
        %parallel_loop3A_365 = tpu.vector_load %arg11[%parallel_loop3A_363, %parallel_loop3A_364] {strides = array<i32>} : memref<80x256xf32, #tpu.memory_space<vmem>>, vector<16xf32>,
        %parallel_loop3A_366 = arith.index_cast %parallel_loop3A_216 : i32 to index
        %parallel_loop3A_367 = arith.constant 192 : index
        %parallel_loop3A_368 = tpu.vector_load %arg11[%parallel_loop3A_366, %parallel_loop3A_367] {strides = array<i32>} : memref<80x256xf32, #tpu.memory_space<vmem>>, vector<16xf32>,
        %parallel_loop3A_369 = arith.index_cast %parallel_loop3A_216 : i32 to index
        %parallel_loop3A_370 = arith.constant 208 : index
        %parallel_loop3A_371 = tpu.vector_load %arg11[%parallel_loop3A_369, %parallel_loop3A_370] {strides = array<i32>} : memref<80x256xf32, #tpu.memory_space<vmem>>, vector<16xf32>,
        %parallel_loop3A_372 = arith.index_cast %parallel_loop3A_216 : i32 to index
        %parallel_loop3A_373 = arith.constant 224 : index
        %parallel_loop3A_374 = tpu.vector_load %arg11[%parallel_loop3A_372, %parallel_loop3A_373] {strides = array<i32>} : memref<80x256xf32, #tpu.memory_space<vmem>>, vector<16xf32>,
        %parallel_loop3A_375 = arith.index_cast %parallel_loop3A_216 : i32 to index
        %parallel_loop3A_376 = arith.constant 240 : index
        %parallel_loop3A_377 = tpu.vector_load %arg11[%parallel_loop3A_375, %parallel_loop3A_376] {strides = array<i32>} : memref<80x256xf32, #tpu.memory_space<vmem>>, vector<16xf32>,
        %parallel_loop3A_378 = arith.mulf %parallel_loop3A_329, %parallel_loop3A_332 : vector<16xf32>
        %parallel_loop3A_379 = arith.mulf %parallel_loop3A_329, %parallel_loop3A_335 : vector<16xf32>
        %parallel_loop3A_380 = arith.mulf %parallel_loop3A_329, %parallel_loop3A_338 : vector<16xf32>
        %parallel_loop3A_381 = arith.mulf %parallel_loop3A_329, %parallel_loop3A_341 : vector<16xf32>
        %parallel_loop3A_382 = arith.mulf %parallel_loop3A_329, %parallel_loop3A_344 : vector<16xf32>
        %parallel_loop3A_383 = arith.mulf %parallel_loop3A_329, %parallel_loop3A_347 : vector<16xf32>
        %parallel_loop3A_384 = arith.mulf %parallel_loop3A_329, %parallel_loop3A_350 : vector<16xf32>
        %parallel_loop3A_385 = arith.mulf %parallel_loop3A_329, %parallel_loop3A_353 : vector<16xf32>
        %parallel_loop3A_386 = arith.mulf %parallel_loop3A_329, %parallel_loop3A_356 : vector<16xf32>
        %parallel_loop3A_387 = arith.mulf %parallel_loop3A_329, %parallel_loop3A_359 : vector<16xf32>
        %parallel_loop3A_388 = arith.mulf %parallel_loop3A_329, %parallel_loop3A_362 : vector<16xf32>
        %parallel_loop3A_389 = arith.mulf %parallel_loop3A_329, %parallel_loop3A_365 : vector<16xf32>
        %parallel_loop3A_390 = arith.mulf %parallel_loop3A_329, %parallel_loop3A_368 : vector<16xf32>
        %parallel_loop3A_391 = arith.mulf %parallel_loop3A_329, %parallel_loop3A_371 : vector<16xf32>
        %parallel_loop3A_392 = arith.mulf %parallel_loop3A_329, %parallel_loop3A_374 : vector<16xf32>
        %parallel_loop3A_393 = arith.mulf %parallel_loop3A_329, %parallel_loop3A_377 : vector<16xf32>
        %parallel_loop3A_394 = arith.index_cast %parallel_loop3A_226 : i32 to index
        %parallel_loop3A_395 = arith.constant 0 : index
        %parallel_loop3A_396 = tpu.vector_load %arg13[%parallel_loop3A_394, %parallel_loop3A_395] {strides = array<i32>} : memref<320x256xf32, #tpu.memory_space<vmem>>, vector<16xf32>,
        tpu.vector_store %arg13[%parallel_loop3A_394, %parallel_loop3A_395], %parallel_loop3A_378 {add = true, strides = array<i32>} : memref<320x256xf32, #tpu.memory_space<vmem>>, vector<16xf32>,
        %parallel_loop3A_397 = arith.index_cast %parallel_loop3A_226 : i32 to index
        %parallel_loop3A_398 = arith.constant 16 : index
        %parallel_loop3A_399 = tpu.vector_load %arg13[%parallel_loop3A_397, %parallel_loop3A_398] {strides = array<i32>} : memref<320x256xf32, #tpu.memory_space<vmem>>, vector<16xf32>,
        tpu.vector_store %arg13[%parallel_loop3A_397, %parallel_loop3A_398], %parallel_loop3A_379 {add = true, strides = array<i32>} : memref<320x256xf32, #tpu.memory_space<vmem>>, vector<16xf32>,
        %parallel_loop3A_400 = arith.index_cast %parallel_loop3A_226 : i32 to index
        %parallel_loop3A_401 = arith.constant 32 : index
        %parallel_loop3A_402 = tpu.vector_load %arg13[%parallel_loop3A_400, %parallel_loop3A_401] {strides = array<i32>} : memref<320x256xf32, #tpu.memory_space<vmem>>, vector<16xf32>,
        tpu.vector_store %arg13[%parallel_loop3A_400, %parallel_loop3A_401], %parallel_loop3A_380 {add = true, strides = array<i32>} : memref<320x256xf32, #tpu.memory_space<vmem>>, vector<16xf32>,
        %parallel_loop3A_403 = arith.index_cast %parallel_loop3A_226 : i32 to index
        %parallel_loop3A_404 = arith.constant 48 : index
        %parallel_loop3A_405 = tpu.vector_load %arg13[%parallel_loop3A_403, %parallel_loop3A_404] {strides = array<i32>} : memref<320x256xf32, #tpu.memory_space<vmem>>, vector<16xf32>,
        tpu.vector_store %arg13[%parallel_loop3A_403, %parallel_loop3A_404], %parallel_loop3A_381 {add = true, strides = array<i32>} : memref<320x256xf32, #tpu.memory_space<vmem>>, vector<16xf32>,
        %parallel_loop3A_406 = arith.index_cast %parallel_loop3A_226 : i32 to index
        %parallel_loop3A_407 = arith.constant 64 : index
        %parallel_loop3A_408 = tpu.vector_load %arg13[%parallel_loop3A_406, %parallel_loop3A_407] {strides = array<i32>} : memref<320x256xf32, #tpu.memory_space<vmem>>, vector<16xf32>,
        tpu.vector_store %arg13[%parallel_loop3A_406, %parallel_loop3A_407], %parallel_loop3A_382 {add = true, strides = array<i32>} : memref<320x256xf32, #tpu.memory_space<vmem>>, vector<16xf32>,
        %parallel_loop3A_409 = arith.index_cast %parallel_loop3A_226 : i32 to index
        %parallel_loop3A_410 = arith.constant 80 : index
        %parallel_loop3A_411 = tpu.vector_load %arg13[%parallel_loop3A_409, %parallel_loop3A_410] {strides = array<i32>} : memref<320x256xf32, #tpu.memory_space<vmem>>, vector<16xf32>,
        tpu.vector_store %arg13[%parallel_loop3A_409, %parallel_loop3A_410], %parallel_loop3A_383 {add = true, strides = array<i32>} : memref<320x256xf32, #tpu.memory_space<vmem>>, vector<16xf32>,
        %parallel_loop3A_412 = arith.index_cast %parallel_loop3A_226 : i32 to index
        %parallel_loop3A_413 = arith.constant 96 : index
        %parallel_loop3A_414 = tpu.vector_load %arg13[%parallel_loop3A_412, %parallel_loop3A_413] {strides = array<i32>} : memref<320x256xf32, #tpu.memory_space<vmem>>, vector<16xf32>,
        tpu.vector_store %arg13[%parallel_loop3A_412, %parallel_loop3A_413], %parallel_loop3A_384 {add = true, strides = array<i32>} : memref<320x256xf32, #tpu.memory_space<vmem>>, vector<16xf32>,
        %parallel_loop3A_415 = arith.index_cast %parallel_loop3A_226 : i32 to index
        %parallel_loop3A_416 = arith.constant 112 : index
        %parallel_loop3A_417 = tpu.vector_load %arg13[%parallel_loop3A_415, %parallel_loop3A_416] {strides = array<i32>} : memref<320x256xf32, #tpu.memory_space<vmem>>, vector<16xf32>,
        tpu.vector_store %arg13[%parallel_loop3A_415, %parallel_loop3A_416], %parallel_loop3A_385 {add = true, strides = array<i32>} : memref<320x256xf32, #tpu.memory_space<vmem>>, vector<16xf32>,
        %parallel_loop3A_418 = arith.index_cast %parallel_loop3A_226 : i32 to index
        %parallel_loop3A_419 = arith.constant 128 : index
        %parallel_loop3A_420 = tpu.vector_load %arg13[%parallel_loop3A_418, %parallel_loop3A_419] {strides = array<i32>} : memref<320x256xf32, #tpu.memory_space<vmem>>, vector<16xf32>,
        tpu.vector_store %arg13[%parallel_loop3A_418, %parallel_loop3A_419], %parallel_loop3A_386 {add = true, strides = array<i32>} : memref<320x256xf32, #tpu.memory_space<vmem>>, vector<16xf32>,
        %parallel_loop3A_421 = arith.index_cast %parallel_loop3A_226 : i32 to index
        %parallel_loop3A_422 = arith.constant 144 : index
        %parallel_loop3A_423 = tpu.vector_load %arg13[%parallel_loop3A_421, %parallel_loop3A_422] {strides = array<i32>} : memref<320x256xf32, #tpu.memory_space<vmem>>, vector<16xf32>,
        tpu.vector_store %arg13[%parallel_loop3A_421, %parallel_loop3A_422], %parallel_loop3A_387 {add = true, strides = array<i32>} : memref<320x256xf32, #tpu.memory_space<vmem>>, vector<16xf32>,
        %parallel_loop3A_424 = arith.index_cast %parallel_loop3A_226 : i32 to index
        %parallel_loop3A_425 = arith.constant 160 : index
        %parallel_loop3A_426 = tpu.vector_load %arg13[%parallel_loop3A_424, %parallel_loop3A_425] {strides = array<i32>} : memref<320x256xf32, #tpu.memory_space<vmem>>, vector<16xf32>,
        tpu.vector_store %arg13[%parallel_loop3A_424, %parallel_loop3A_425], %parallel_loop3A_388 {add = true, strides = array<i32>} : memref<320x256xf32, #tpu.memory_space<vmem>>, vector<16xf32>,
        %parallel_loop3A_427 = arith.index_cast %parallel_loop3A_226 : i32 to index
        %parallel_loop3A_428 = arith.constant 176 : index
        %parallel_loop3A_429 = tpu.vector_load %arg13[%parallel_loop3A_427, %parallel_loop3A_428] {strides = array<i32>} : memref<320x256xf32, #tpu.memory_space<vmem>>, vector<16xf32>,
        tpu.vector_store %arg13[%parallel_loop3A_427, %parallel_loop3A_428], %parallel_loop3A_389 {add = true, strides = array<i32>} : memref<320x256xf32, #tpu.memory_space<vmem>>, vector<16xf32>,
        %parallel_loop3A_430 = arith.index_cast %parallel_loop3A_226 : i32 to index
        %parallel_loop3A_431 = arith.constant 192 : index
        %parallel_loop3A_432 = tpu.vector_load %arg13[%parallel_loop3A_430, %parallel_loop3A_431] {strides = array<i32>} : memref<320x256xf32, #tpu.memory_space<vmem>>, vector<16xf32>,
        tpu.vector_store %arg13[%parallel_loop3A_430, %parallel_loop3A_431], %parallel_loop3A_390 {add = true, strides = array<i32>} : memref<320x256xf32, #tpu.memory_space<vmem>>, vector<16xf32>,
        %parallel_loop3A_433 = arith.index_cast %parallel_loop3A_226 : i32 to index
        %parallel_loop3A_434 = arith.constant 208 : index
        %parallel_loop3A_435 = tpu.vector_load %arg13[%parallel_loop3A_433, %parallel_loop3A_434] {strides = array<i32>} : memref<320x256xf32, #tpu.memory_space<vmem>>, vector<16xf32>,
        tpu.vector_store %arg13[%parallel_loop3A_433, %parallel_loop3A_434], %parallel_loop3A_391 {add = true, strides = array<i32>} : memref<320x256xf32, #tpu.memory_space<vmem>>, vector<16xf32>,
        %parallel_loop3A_436 = arith.index_cast %parallel_loop3A_226 : i32 to index
        %parallel_loop3A_437 = arith.constant 224 : index
        %parallel_loop3A_438 = tpu.vector_load %arg13[%parallel_loop3A_436, %parallel_loop3A_437] {strides = array<i32>} : memref<320x256xf32, #tpu.memory_space<vmem>>, vector<16xf32>,
        tpu.vector_store %arg13[%parallel_loop3A_436, %parallel_loop3A_437], %parallel_loop3A_392 {add = true, strides = array<i32>} : memref<320x256xf32, #tpu.memory_space<vmem>>, vector<16xf32>,
        %parallel_loop3A_439 = arith.index_cast %parallel_loop3A_226 : i32 to index
        %parallel_loop3A_440 = arith.constant 240 : index
        %parallel_loop3A_441 = tpu.vector_load %arg13[%parallel_loop3A_439, %parallel_loop3A_440] {strides = array<i32>} : memref<320x256xf32, #tpu.memory_space<vmem>>, vector<16xf32>,
        tpu.vector_store %arg13[%parallel_loop3A_439, %parallel_loop3A_440], %parallel_loop3A_393 {add = true, strides = array<i32>} : memref<320x256xf32, #tpu.memory_space<vmem>>, vector<16xf32>,
      } {sc.loop_unroll_factor = 1 : i64, sc.parallel_access}
      %add3A_177 = arith.constant 2 : i32
      %add3A_178 = arith.addi %add3A_142, %add3A_177 : i32
      %min3A_179 = arith.constant 1999 : i32
      %min3A_180 = arith.minsi %add3A_178, %min3A_179 : i32
      %mul3A_181 = arith.constant 80 : i32
      %mul3A_182 = arith.muli %min3A_180, %mul3A_181 : i32
      %dma_start3A_183 = arith.constant 0 : i32
      %dma_start3A_184 = tpu.memref_slice %arg2[%mul3A_182, %dma_start3A_183] : memref<160000x256xf32, #tpu.memory_space<hbm>> -> memref<80x256xf32, #tpu.memory_space<hbm>>
      %dma_start3A_185 = arith.constant 0 : i32
      %dma_start3A_186 = tpu.memref_slice %arg2[%mul3A_182, %dma_start3A_185] : memref<160000x256xf32, #tpu.memory_space<hbm>> -> memref<80x256xf32, #tpu.memory_space<hbm>>
      tpu.enqueue_dma source(%dma_start3A_186 : memref<80x256xf32, #tpu.memory_space<hbm>>) target(%arg11 : memref<80x256xf32, #tpu.memory_space<vmem>>) target_semaphore(%arg14 : memref<!tpu.dma_semaphore, #tpu.memory_space<semaphore_mem>>)
      %dma_start3A_187 = arith.constant 0 : i32
      %dma_start3A_188 = tpu.memref_slice %arg9[%dma_start3A_187] : memref<96xi32, #tpu.memory_space<vmem>> -> memref<80xi32, #tpu.memory_space<vmem>>
      %dma_start3A_189 = tpu.memref_slice %arg3[%mul3A_182] : memref<160000xi32, #tpu.memory_space<hbm>> -> memref<80xi32, #tpu.memory_space<hbm>>
      %dma_start3A_190 = arith.constant 0 : i32
      %dma_start3A_191 = tpu.memref_slice %arg9[%dma_start3A_190] : memref<96xi32, #tpu.memory_space<vmem>> -> memref<80xi32, #tpu.memory_space<vmem>>
      %dma_start3A_192 = tpu.memref_slice %arg3[%mul3A_182] : memref<160000xi32, #tpu.memory_space<hbm>> -> memref<80xi32, #tpu.memory_space<hbm>>
      tpu.enqueue_dma source(%dma_start3A_192 : memref<80xi32, #tpu.memory_space<hbm>>) target(%dma_start3A_191 : memref<80xi32, #tpu.memory_space<vmem>>) target_semaphore(%arg16 : memref<!tpu.dma_semaphore, #tpu.memory_space<semaphore_mem>>)
      %add3A_193 = arith.constant 1 : i32
      %add3A_194 = arith.addi %add3A_142, %add3A_193 : i32
      %min3A_195 = arith.constant 1999 : i32
      %min3A_196 = arith.minsi %add3A_194, %min3A_195 : i32
      %mul3A_197 = arith.constant 80 : i32
      %mul3A_198 = arith.muli %min3A_196, %mul3A_197 : i32
      %dma_wait3A_199 = arith.constant 0 : i32
      %dma_wait3A_200 = tpu.memref_slice %arg2[%mul3A_198, %dma_wait3A_199] : memref<160000x256xf32, #tpu.memory_space<hbm>> -> memref<80x256xf32, #tpu.memory_space<hbm>>
      %dma_wait3A_201 = arith.constant 0 : i32
      %dma_wait3A_202 = tpu.memref_slice %arg2[%mul3A_198, %dma_wait3A_201] : memref<160000x256xf32, #tpu.memory_space<hbm>> -> memref<80x256xf32, #tpu.memory_space<hbm>>
      tpu.wait_dma2 semaphore(%arg15 : memref<!tpu.dma_semaphore, #tpu.memory_space<semaphore_mem>>) src(%dma_wait3A_202 : memref<80x256xf32, #tpu.memory_space<hbm>>) dst(%arg12 : memref<80x256xf32, #tpu.memory_space<vmem>>)
      %dma_wait3A_203 = arith.constant 0 : i32
      %dma_wait3A_204 = tpu.memref_slice %arg10[%dma_wait3A_203] : memref<96xi32, #tpu.memory_space<vmem>> -> memref<80xi32, #tpu.memory_space<vmem>>
      %dma_wait3A_205 = tpu.memref_slice %arg3[%mul3A_198] : memref<160000xi32, #tpu.memory_space<hbm>> -> memref<80xi32, #tpu.memory_space<hbm>>
      %dma_wait3A_206 = arith.constant 0 : i32
      %dma_wait3A_207 = tpu.memref_slice %arg10[%dma_wait3A_206] : memref<96xi32, #tpu.memory_space<vmem>> -> memref<80xi32, #tpu.memory_space<vmem>>
      %dma_wait3A_208 = tpu.memref_slice %arg3[%mul3A_198] : memref<160000xi32, #tpu.memory_space<hbm>> -> memref<80xi32, #tpu.memory_space<hbm>>
      tpu.wait_dma2 semaphore(%arg17 : memref<!tpu.dma_semaphore, #tpu.memory_space<semaphore_mem>>) src(%dma_wait3A_208 : memref<80xi32, #tpu.memory_space<hbm>>) dst(%dma_wait3A_207 : memref<80xi32, #tpu.memory_space<vmem>>)
      %add3A_209 = arith.constant 1 : i32
      %add3A_210 = arith.addi %add3A_142, %add3A_209 : i32
      %mul3A_211 = arith.constant 80 : i32
      %mul3A_212 = arith.muli %add3A_210, %mul3A_211 : i32
      %parallel_loop3A_213 = arith.constant 0 : i32
      %parallel_loop3A_214 = arith.constant 80 : i32
      %parallel_loop3A_215 = arith.constant 1 : i32
      scf.for %parallel_loop3A_216 = %parallel_loop3A_213 to %parallel_loop3A_214 step %parallel_loop3A_215  : i32 {
        %parallel_loop3A_217 = arith.addi %mul3A_212, %parallel_loop3A_216 : i32
        %parallel_loop3A_218 = arith.index_cast %parallel_loop3A_216 : i32 to index
        %parallel_loop3A_219 = tpu.vector_load %arg10[%parallel_loop3A_218] {strides = array<i32>} : memref<96xi32, #tpu.memory_space<vmem>>, vector<16xi32>,
        %parallel_loop3A_220 = vector.extract_strided_slice %parallel_loop3A_219 {offsets = [0], sizes = [1], strides = [1]} : vector<16xi32> to vector<1xi32>
        %parallel_loop3A_221 = vector.extract %parallel_loop3A_220[0] : i32 from vector<1xi32>
        %parallel_loop3A_222 = arith.subi %parallel_loop3A_221, %mul3A_9 : i32
        %parallel_loop3A_223 = arith.constant 0 : i32
        %parallel_loop3A_224 = arith.maxsi %parallel_loop3A_222, %parallel_loop3A_223 : i32
        %parallel_loop3A_225 = arith.constant 319 : i32
        %parallel_loop3A_226 = arith.minsi %parallel_loop3A_224, %parallel_loop3A_225 : i32
        %parallel_loop3A_227 = arith.index_cast %parallel_loop3A_216 : i32 to index
        %parallel_loop3A_228 = arith.constant 0 : index
        %parallel_loop3A_229 = tpu.vector_load %arg12[%parallel_loop3A_227, %parallel_loop3A_228] {strides = array<i32>} : memref<80x256xf32, #tpu.memory_space<vmem>>, vector<16xf32>,
        %parallel_loop3A_230 = arith.index_cast %parallel_loop3A_216 : i32 to index
        %parallel_loop3A_231 = arith.constant 16 : index
        %parallel_loop3A_232 = tpu.vector_load %arg12[%parallel_loop3A_230, %parallel_loop3A_231] {strides = array<i32>} : memref<80x256xf32, #tpu.memory_space<vmem>>, vector<16xf32>,
        %parallel_loop3A_233 = arith.index_cast %parallel_loop3A_216 : i32 to index
        %parallel_loop3A_234 = arith.constant 32 : index
        %parallel_loop3A_235 = tpu.vector_load %arg12[%parallel_loop3A_233, %parallel_loop3A_234] {strides = array<i32>} : memref<80x256xf32, #tpu.memory_space<vmem>>, vector<16xf32>,
        %parallel_loop3A_236 = arith.index_cast %parallel_loop3A_216 : i32 to index
        %parallel_loop3A_237 = arith.constant 48 : index
        %parallel_loop3A_238 = tpu.vector_load %arg12[%parallel_loop3A_236, %parallel_loop3A_237] {strides = array<i32>} : memref<80x256xf32, #tpu.memory_space<vmem>>, vector<16xf32>,
        %parallel_loop3A_239 = arith.index_cast %parallel_loop3A_216 : i32 to index
        %parallel_loop3A_240 = arith.constant 64 : index
        %parallel_loop3A_241 = tpu.vector_load %arg12[%parallel_loop3A_239, %parallel_loop3A_240] {strides = array<i32>} : memref<80x256xf32, #tpu.memory_space<vmem>>, vector<16xf32>,
        %parallel_loop3A_242 = arith.index_cast %parallel_loop3A_216 : i32 to index
        %parallel_loop3A_243 = arith.constant 80 : index
        %parallel_loop3A_244 = tpu.vector_load %arg12[%parallel_loop3A_242, %parallel_loop3A_243] {strides = array<i32>} : memref<80x256xf32, #tpu.memory_space<vmem>>, vector<16xf32>,
        %parallel_loop3A_245 = arith.index_cast %parallel_loop3A_216 : i32 to index
        %parallel_loop3A_246 = arith.constant 96 : index
        %parallel_loop3A_247 = tpu.vector_load %arg12[%parallel_loop3A_245, %parallel_loop3A_246] {strides = array<i32>} : memref<80x256xf32, #tpu.memory_space<vmem>>, vector<16xf32>,
        %parallel_loop3A_248 = arith.index_cast %parallel_loop3A_216 : i32 to index
        %parallel_loop3A_249 = arith.constant 112 : index
        %parallel_loop3A_250 = tpu.vector_load %arg12[%parallel_loop3A_248, %parallel_loop3A_249] {strides = array<i32>} : memref<80x256xf32, #tpu.memory_space<vmem>>, vector<16xf32>,
        %parallel_loop3A_251 = arith.index_cast %parallel_loop3A_216 : i32 to index
        %parallel_loop3A_252 = arith.constant 128 : index
        %parallel_loop3A_253 = tpu.vector_load %arg12[%parallel_loop3A_251, %parallel_loop3A_252] {strides = array<i32>} : memref<80x256xf32, #tpu.memory_space<vmem>>, vector<16xf32>,
        %parallel_loop3A_254 = arith.index_cast %parallel_loop3A_216 : i32 to index
        %parallel_loop3A_255 = arith.constant 144 : index
        %parallel_loop3A_256 = tpu.vector_load %arg12[%parallel_loop3A_254, %parallel_loop3A_255] {strides = array<i32>} : memref<80x256xf32, #tpu.memory_space<vmem>>, vector<16xf32>,
        %parallel_loop3A_257 = arith.index_cast %parallel_loop3A_216 : i32 to index
        %parallel_loop3A_258 = arith.constant 160 : index
        %parallel_loop3A_259 = tpu.vector_load %arg12[%parallel_loop3A_257, %parallel_loop3A_258] {strides = array<i32>} : memref<80x256xf32, #tpu.memory_space<vmem>>, vector<16xf32>,
        %parallel_loop3A_260 = arith.index_cast %parallel_loop3A_216 : i32 to index
        %parallel_loop3A_261 = arith.constant 176 : index
        %parallel_loop3A_262 = tpu.vector_load %arg12[%parallel_loop3A_260, %parallel_loop3A_261] {strides = array<i32>} : memref<80x256xf32, #tpu.memory_space<vmem>>, vector<16xf32>,
        %parallel_loop3A_263 = arith.index_cast %parallel_loop3A_216 : i32 to index
        %parallel_loop3A_264 = arith.constant 192 : index
        %parallel_loop3A_265 = tpu.vector_load %arg12[%parallel_loop3A_263, %parallel_loop3A_264] {strides = array<i32>} : memref<80x256xf32, #tpu.memory_space<vmem>>, vector<16xf32>,
        %parallel_loop3A_266 = arith.index_cast %parallel_loop3A_216 : i32 to index
        %parallel_loop3A_267 = arith.constant 208 : index
        %parallel_loop3A_268 = tpu.vector_load %arg12[%parallel_loop3A_266, %parallel_loop3A_267] {strides = array<i32>} : memref<80x256xf32, #tpu.memory_space<vmem>>, vector<16xf32>,
        %parallel_loop3A_269 = arith.index_cast %parallel_loop3A_216 : i32 to index
        %parallel_loop3A_270 = arith.constant 224 : index
        %parallel_loop3A_271 = tpu.vector_load %arg12[%parallel_loop3A_269, %parallel_loop3A_270] {strides = array<i32>} : memref<80x256xf32, #tpu.memory_space<vmem>>, vector<16xf32>,
        %parallel_loop3A_272 = arith.index_cast %parallel_loop3A_216 : i32 to index
        %parallel_loop3A_273 = arith.constant 240 : index
        %parallel_loop3A_274 = tpu.vector_load %arg12[%parallel_loop3A_272, %parallel_loop3A_273] {strides = array<i32>} : memref<80x256xf32, #tpu.memory_space<vmem>>, vector<16xf32>,
        %parallel_loop3A_275 = arith.mulf %parallel_loop3A_229, %get3A_11 : vector<16xf32>
        %parallel_loop3A_276 = arith.mulf %parallel_loop3A_232, %get3A_13 : vector<16xf32>
        %parallel_loop3A_277 = arith.mulf %parallel_loop3A_235, %get3A_15 : vector<16xf32>
        %parallel_loop3A_278 = arith.mulf %parallel_loop3A_238, %get3A_17 : vector<16xf32>
        %parallel_loop3A_279 = arith.mulf %parallel_loop3A_241, %get3A_19 : vector<16xf32>
        %parallel_loop3A_280 = arith.mulf %parallel_loop3A_244, %get3A_21 : vector<16xf32>
        %parallel_loop3A_281 = arith.mulf %parallel_loop3A_247, %get3A_23 : vector<16xf32>
        %parallel_loop3A_282 = arith.mulf %parallel_loop3A_250, %get3A_25 : vector<16xf32>
        %parallel_loop3A_283 = arith.mulf %parallel_loop3A_253, %get3A_27 : vector<16xf32>
        %parallel_loop3A_284 = arith.mulf %parallel_loop3A_256, %get3A_29 : vector<16xf32>
        %parallel_loop3A_285 = arith.mulf %parallel_loop3A_259, %get3A_31 : vector<16xf32>
        %parallel_loop3A_286 = arith.mulf %parallel_loop3A_262, %get3A_33 : vector<16xf32>
        %parallel_loop3A_287 = arith.mulf %parallel_loop3A_265, %get3A_35 : vector<16xf32>
        %parallel_loop3A_288 = arith.mulf %parallel_loop3A_268, %get3A_37 : vector<16xf32>
        %parallel_loop3A_289 = arith.mulf %parallel_loop3A_271, %get3A_39 : vector<16xf32>
        %parallel_loop3A_290 = arith.mulf %parallel_loop3A_274, %get3A_41 : vector<16xf32>
        %parallel_loop3A_291 = arith.addf %parallel_loop3A_275, %parallel_loop3A_276 : vector<16xf32>
        %parallel_loop3A_292 = arith.addf %parallel_loop3A_277, %parallel_loop3A_278 : vector<16xf32>
        %parallel_loop3A_293 = arith.addf %parallel_loop3A_279, %parallel_loop3A_280 : vector<16xf32>
        %parallel_loop3A_294 = arith.addf %parallel_loop3A_281, %parallel_loop3A_282 : vector<16xf32>
        %parallel_loop3A_295 = arith.addf %parallel_loop3A_283, %parallel_loop3A_284 : vector<16xf32>
        %parallel_loop3A_296 = arith.addf %parallel_loop3A_285, %parallel_loop3A_286 : vector<16xf32>
        %parallel_loop3A_297 = arith.addf %parallel_loop3A_287, %parallel_loop3A_288 : vector<16xf32>
        %parallel_loop3A_298 = arith.addf %parallel_loop3A_289, %parallel_loop3A_290 : vector<16xf32>
        %parallel_loop3A_299 = arith.addf %parallel_loop3A_291, %parallel_loop3A_292 : vector<16xf32>
        %parallel_loop3A_300 = arith.addf %parallel_loop3A_293, %parallel_loop3A_294 : vector<16xf32>
        %parallel_loop3A_301 = arith.addf %parallel_loop3A_295, %parallel_loop3A_296 : vector<16xf32>
        %parallel_loop3A_302 = arith.addf %parallel_loop3A_297, %parallel_loop3A_298 : vector<16xf32>
        %parallel_loop3A_303 = arith.addf %parallel_loop3A_299, %parallel_loop3A_300 : vector<16xf32>
        %parallel_loop3A_304 = arith.addf %parallel_loop3A_301, %parallel_loop3A_302 : vector<16xf32>
        %parallel_loop3A_305 = arith.addf %parallel_loop3A_303, %parallel_loop3A_304 : vector<16xf32>
        %parallel_loop3A_306 = arith.constant true
        %parallel_loop3A_307 = vector.broadcast %parallel_loop3A_306 : i1 to vector<16xi1>
        %parallel_loop3A_308 = tpu.scan <sum>, %parallel_loop3A_305 masked %parallel_loop3A_307 : vector<16xf32>, vector<16xi1> -> vector<16xf32>
        %parallel_loop3A_309 = vector.extract %parallel_loop3A_308[15] : f32 from vector<16xf32>
        %parallel_loop3A_310 = vector.broadcast %parallel_loop3A_309 : f32 to vector<16xf32>
        %parallel_loop3A_311 = arith.addf %parallel_loop3A_310, %get3A_43 : vector<16xf32>
        %parallel_loop3A_312 = arith.constant 0.000000e+00 : f32
        %parallel_loop3A_313 = vector.broadcast %parallel_loop3A_312 : f32 to vector<16xf32>
        %parallel_loop3A_314 = arith.subf %parallel_loop3A_313, %parallel_loop3A_311 : vector<16xf32>
        %parallel_loop3A_315 = math.exp %parallel_loop3A_314 : vector<16xf32>
        %parallel_loop3A_316 = arith.constant 1.000000e+00 : f32
        %parallel_loop3A_317 = vector.broadcast %parallel_loop3A_316 : f32 to vector<16xf32>
        %parallel_loop3A_318 = arith.addf %parallel_loop3A_317, %parallel_loop3A_315 : vector<16xf32>
        %parallel_loop3A_319 = arith.constant 1.000000e+00 : f32
        %parallel_loop3A_320 = vector.broadcast %parallel_loop3A_319 : f32 to vector<16xf32>
        %parallel_loop3A_321 = arith.divf %parallel_loop3A_320, %parallel_loop3A_318 : vector<16xf32>
        %parallel_loop3A_322 = arith.cmpi sge, %parallel_loop3A_217, %squeeze3A : i32
        %parallel_loop3A_323 = arith.cmpi slt, %parallel_loop3A_217, %squeeze3A_7 : i32
        %parallel_loop3A_324 = arith.andi %parallel_loop3A_322, %parallel_loop3A_323 : i1
        %parallel_loop3A_325 = arith.constant 1.000000e+00 : f32
        %parallel_loop3A_326 = arith.constant 0.000000e+00 : f32
        %parallel_loop3A_327 = arith.select %parallel_loop3A_324, %parallel_loop3A_325, %parallel_loop3A_326 : f32
        %parallel_loop3A_328 = vector.broadcast %parallel_loop3A_327 : f32 to vector<16xf32>
        %parallel_loop3A_329 = arith.mulf %parallel_loop3A_321, %parallel_loop3A_328 : vector<16xf32>
        %parallel_loop3A_330 = arith.index_cast %parallel_loop3A_216 : i32 to index
        %parallel_loop3A_331 = arith.constant 0 : index
        %parallel_loop3A_332 = tpu.vector_load %arg12[%parallel_loop3A_330, %parallel_loop3A_331] {strides = array<i32>} : memref<80x256xf32, #tpu.memory_space<vmem>>, vector<16xf32>,
        %parallel_loop3A_333 = arith.index_cast %parallel_loop3A_216 : i32 to index
        %parallel_loop3A_334 = arith.constant 16 : index
        %parallel_loop3A_335 = tpu.vector_load %arg12[%parallel_loop3A_333, %parallel_loop3A_334] {strides = array<i32>} : memref<80x256xf32, #tpu.memory_space<vmem>>, vector<16xf32>,
        %parallel_loop3A_336 = arith.index_cast %parallel_loop3A_216 : i32 to index
        %parallel_loop3A_337 = arith.constant 32 : index
        %parallel_loop3A_338 = tpu.vector_load %arg12[%parallel_loop3A_336, %parallel_loop3A_337] {strides = array<i32>} : memref<80x256xf32, #tpu.memory_space<vmem>>, vector<16xf32>,
        %parallel_loop3A_339 = arith.index_cast %parallel_loop3A_216 : i32 to index
        %parallel_loop3A_340 = arith.constant 48 : index
        %parallel_loop3A_341 = tpu.vector_load %arg12[%parallel_loop3A_339, %parallel_loop3A_340] {strides = array<i32>} : memref<80x256xf32, #tpu.memory_space<vmem>>, vector<16xf32>,
        %parallel_loop3A_342 = arith.index_cast %parallel_loop3A_216 : i32 to index
        %parallel_loop3A_343 = arith.constant 64 : index
        %parallel_loop3A_344 = tpu.vector_load %arg12[%parallel_loop3A_342, %parallel_loop3A_343] {strides = array<i32>} : memref<80x256xf32, #tpu.memory_space<vmem>>, vector<16xf32>,
        %parallel_loop3A_345 = arith.index_cast %parallel_loop3A_216 : i32 to index
        %parallel_loop3A_346 = arith.constant 80 : index
        %parallel_loop3A_347 = tpu.vector_load %arg12[%parallel_loop3A_345, %parallel_loop3A_346] {strides = array<i32>} : memref<80x256xf32, #tpu.memory_space<vmem>>, vector<16xf32>,
        %parallel_loop3A_348 = arith.index_cast %parallel_loop3A_216 : i32 to index
        %parallel_loop3A_349 = arith.constant 96 : index
        %parallel_loop3A_350 = tpu.vector_load %arg12[%parallel_loop3A_348, %parallel_loop3A_349] {strides = array<i32>} : memref<80x256xf32, #tpu.memory_space<vmem>>, vector<16xf32>,
        %parallel_loop3A_351 = arith.index_cast %parallel_loop3A_216 : i32 to index
        %parallel_loop3A_352 = arith.constant 112 : index
        %parallel_loop3A_353 = tpu.vector_load %arg12[%parallel_loop3A_351, %parallel_loop3A_352] {strides = array<i32>} : memref<80x256xf32, #tpu.memory_space<vmem>>, vector<16xf32>,
        %parallel_loop3A_354 = arith.index_cast %parallel_loop3A_216 : i32 to index
        %parallel_loop3A_355 = arith.constant 128 : index
        %parallel_loop3A_356 = tpu.vector_load %arg12[%parallel_loop3A_354, %parallel_loop3A_355] {strides = array<i32>} : memref<80x256xf32, #tpu.memory_space<vmem>>, vector<16xf32>,
        %parallel_loop3A_357 = arith.index_cast %parallel_loop3A_216 : i32 to index
        %parallel_loop3A_358 = arith.constant 144 : index
        %parallel_loop3A_359 = tpu.vector_load %arg12[%parallel_loop3A_357, %parallel_loop3A_358] {strides = array<i32>} : memref<80x256xf32, #tpu.memory_space<vmem>>, vector<16xf32>,
        %parallel_loop3A_360 = arith.index_cast %parallel_loop3A_216 : i32 to index
        %parallel_loop3A_361 = arith.constant 160 : index
        %parallel_loop3A_362 = tpu.vector_load %arg12[%parallel_loop3A_360, %parallel_loop3A_361] {strides = array<i32>} : memref<80x256xf32, #tpu.memory_space<vmem>>, vector<16xf32>,
        %parallel_loop3A_363 = arith.index_cast %parallel_loop3A_216 : i32 to index
        %parallel_loop3A_364 = arith.constant 176 : index
        %parallel_loop3A_365 = tpu.vector_load %arg12[%parallel_loop3A_363, %parallel_loop3A_364] {strides = array<i32>} : memref<80x256xf32, #tpu.memory_space<vmem>>, vector<16xf32>,
        %parallel_loop3A_366 = arith.index_cast %parallel_loop3A_216 : i32 to index
        %parallel_loop3A_367 = arith.constant 192 : index
        %parallel_loop3A_368 = tpu.vector_load %arg12[%parallel_loop3A_366, %parallel_loop3A_367] {strides = array<i32>} : memref<80x256xf32, #tpu.memory_space<vmem>>, vector<16xf32>,
        %parallel_loop3A_369 = arith.index_cast %parallel_loop3A_216 : i32 to index
        %parallel_loop3A_370 = arith.constant 208 : index
        %parallel_loop3A_371 = tpu.vector_load %arg12[%parallel_loop3A_369, %parallel_loop3A_370] {strides = array<i32>} : memref<80x256xf32, #tpu.memory_space<vmem>>, vector<16xf32>,
        %parallel_loop3A_372 = arith.index_cast %parallel_loop3A_216 : i32 to index
        %parallel_loop3A_373 = arith.constant 224 : index
        %parallel_loop3A_374 = tpu.vector_load %arg12[%parallel_loop3A_372, %parallel_loop3A_373] {strides = array<i32>} : memref<80x256xf32, #tpu.memory_space<vmem>>, vector<16xf32>,
        %parallel_loop3A_375 = arith.index_cast %parallel_loop3A_216 : i32 to index
        %parallel_loop3A_376 = arith.constant 240 : index
        %parallel_loop3A_377 = tpu.vector_load %arg12[%parallel_loop3A_375, %parallel_loop3A_376] {strides = array<i32>} : memref<80x256xf32, #tpu.memory_space<vmem>>, vector<16xf32>,
        %parallel_loop3A_378 = arith.mulf %parallel_loop3A_329, %parallel_loop3A_332 : vector<16xf32>
        %parallel_loop3A_379 = arith.mulf %parallel_loop3A_329, %parallel_loop3A_335 : vector<16xf32>
        %parallel_loop3A_380 = arith.mulf %parallel_loop3A_329, %parallel_loop3A_338 : vector<16xf32>
        %parallel_loop3A_381 = arith.mulf %parallel_loop3A_329, %parallel_loop3A_341 : vector<16xf32>
        %parallel_loop3A_382 = arith.mulf %parallel_loop3A_329, %parallel_loop3A_344 : vector<16xf32>
        %parallel_loop3A_383 = arith.mulf %parallel_loop3A_329, %parallel_loop3A_347 : vector<16xf32>
        %parallel_loop3A_384 = arith.mulf %parallel_loop3A_329, %parallel_loop3A_350 : vector<16xf32>
        %parallel_loop3A_385 = arith.mulf %parallel_loop3A_329, %parallel_loop3A_353 : vector<16xf32>
        %parallel_loop3A_386 = arith.mulf %parallel_loop3A_329, %parallel_loop3A_356 : vector<16xf32>
        %parallel_loop3A_387 = arith.mulf %parallel_loop3A_329, %parallel_loop3A_359 : vector<16xf32>
        %parallel_loop3A_388 = arith.mulf %parallel_loop3A_329, %parallel_loop3A_362 : vector<16xf32>
        %parallel_loop3A_389 = arith.mulf %parallel_loop3A_329, %parallel_loop3A_365 : vector<16xf32>
        %parallel_loop3A_390 = arith.mulf %parallel_loop3A_329, %parallel_loop3A_368 : vector<16xf32>
        %parallel_loop3A_391 = arith.mulf %parallel_loop3A_329, %parallel_loop3A_371 : vector<16xf32>
        %parallel_loop3A_392 = arith.mulf %parallel_loop3A_329, %parallel_loop3A_374 : vector<16xf32>
        %parallel_loop3A_393 = arith.mulf %parallel_loop3A_329, %parallel_loop3A_377 : vector<16xf32>
        %parallel_loop3A_394 = arith.index_cast %parallel_loop3A_226 : i32 to index
        %parallel_loop3A_395 = arith.constant 0 : index
        %parallel_loop3A_396 = tpu.vector_load %arg13[%parallel_loop3A_394, %parallel_loop3A_395] {strides = array<i32>} : memref<320x256xf32, #tpu.memory_space<vmem>>, vector<16xf32>,
        tpu.vector_store %arg13[%parallel_loop3A_394, %parallel_loop3A_395], %parallel_loop3A_378 {add = true, strides = array<i32>} : memref<320x256xf32, #tpu.memory_space<vmem>>, vector<16xf32>,
        %parallel_loop3A_397 = arith.index_cast %parallel_loop3A_226 : i32 to index
        %parallel_loop3A_398 = arith.constant 16 : index
        %parallel_loop3A_399 = tpu.vector_load %arg13[%parallel_loop3A_397, %parallel_loop3A_398] {strides = array<i32>} : memref<320x256xf32, #tpu.memory_space<vmem>>, vector<16xf32>,
        tpu.vector_store %arg13[%parallel_loop3A_397, %parallel_loop3A_398], %parallel_loop3A_379 {add = true, strides = array<i32>} : memref<320x256xf32, #tpu.memory_space<vmem>>, vector<16xf32>,
        %parallel_loop3A_400 = arith.index_cast %parallel_loop3A_226 : i32 to index
        %parallel_loop3A_401 = arith.constant 32 : index
        %parallel_loop3A_402 = tpu.vector_load %arg13[%parallel_loop3A_400, %parallel_loop3A_401] {strides = array<i32>} : memref<320x256xf32, #tpu.memory_space<vmem>>, vector<16xf32>,
        tpu.vector_store %arg13[%parallel_loop3A_400, %parallel_loop3A_401], %parallel_loop3A_380 {add = true, strides = array<i32>} : memref<320x256xf32, #tpu.memory_space<vmem>>, vector<16xf32>,
        %parallel_loop3A_403 = arith.index_cast %parallel_loop3A_226 : i32 to index
        %parallel_loop3A_404 = arith.constant 48 : index
        %parallel_loop3A_405 = tpu.vector_load %arg13[%parallel_loop3A_403, %parallel_loop3A_404] {strides = array<i32>} : memref<320x256xf32, #tpu.memory_space<vmem>>, vector<16xf32>,
        tpu.vector_store %arg13[%parallel_loop3A_403, %parallel_loop3A_404], %parallel_loop3A_381 {add = true, strides = array<i32>} : memref<320x256xf32, #tpu.memory_space<vmem>>, vector<16xf32>,
        %parallel_loop3A_406 = arith.index_cast %parallel_loop3A_226 : i32 to index
        %parallel_loop3A_407 = arith.constant 64 : index
        %parallel_loop3A_408 = tpu.vector_load %arg13[%parallel_loop3A_406, %parallel_loop3A_407] {strides = array<i32>} : memref<320x256xf32, #tpu.memory_space<vmem>>, vector<16xf32>,
        tpu.vector_store %arg13[%parallel_loop3A_406, %parallel_loop3A_407], %parallel_loop3A_382 {add = true, strides = array<i32>} : memref<320x256xf32, #tpu.memory_space<vmem>>, vector<16xf32>,
        %parallel_loop3A_409 = arith.index_cast %parallel_loop3A_226 : i32 to index
        %parallel_loop3A_410 = arith.constant 80 : index
        %parallel_loop3A_411 = tpu.vector_load %arg13[%parallel_loop3A_409, %parallel_loop3A_410] {strides = array<i32>} : memref<320x256xf32, #tpu.memory_space<vmem>>, vector<16xf32>,
        tpu.vector_store %arg13[%parallel_loop3A_409, %parallel_loop3A_410], %parallel_loop3A_383 {add = true, strides = array<i32>} : memref<320x256xf32, #tpu.memory_space<vmem>>, vector<16xf32>,
        %parallel_loop3A_412 = arith.index_cast %parallel_loop3A_226 : i32 to index
        %parallel_loop3A_413 = arith.constant 96 : index
        %parallel_loop3A_414 = tpu.vector_load %arg13[%parallel_loop3A_412, %parallel_loop3A_413] {strides = array<i32>} : memref<320x256xf32, #tpu.memory_space<vmem>>, vector<16xf32>,
        tpu.vector_store %arg13[%parallel_loop3A_412, %parallel_loop3A_413], %parallel_loop3A_384 {add = true, strides = array<i32>} : memref<320x256xf32, #tpu.memory_space<vmem>>, vector<16xf32>,
        %parallel_loop3A_415 = arith.index_cast %parallel_loop3A_226 : i32 to index
        %parallel_loop3A_416 = arith.constant 112 : index
        %parallel_loop3A_417 = tpu.vector_load %arg13[%parallel_loop3A_415, %parallel_loop3A_416] {strides = array<i32>} : memref<320x256xf32, #tpu.memory_space<vmem>>, vector<16xf32>,
        tpu.vector_store %arg13[%parallel_loop3A_415, %parallel_loop3A_416], %parallel_loop3A_385 {add = true, strides = array<i32>} : memref<320x256xf32, #tpu.memory_space<vmem>>, vector<16xf32>,
        %parallel_loop3A_418 = arith.index_cast %parallel_loop3A_226 : i32 to index
        %parallel_loop3A_419 = arith.constant 128 : index
        %parallel_loop3A_420 = tpu.vector_load %arg13[%parallel_loop3A_418, %parallel_loop3A_419] {strides = array<i32>} : memref<320x256xf32, #tpu.memory_space<vmem>>, vector<16xf32>,
        tpu.vector_store %arg13[%parallel_loop3A_418, %parallel_loop3A_419], %parallel_loop3A_386 {add = true, strides = array<i32>} : memref<320x256xf32, #tpu.memory_space<vmem>>, vector<16xf32>,
        %parallel_loop3A_421 = arith.index_cast %parallel_loop3A_226 : i32 to index
        %parallel_loop3A_422 = arith.constant 144 : index
        %parallel_loop3A_423 = tpu.vector_load %arg13[%parallel_loop3A_421, %parallel_loop3A_422] {strides = array<i32>} : memref<320x256xf32, #tpu.memory_space<vmem>>, vector<16xf32>,
        tpu.vector_store %arg13[%parallel_loop3A_421, %parallel_loop3A_422], %parallel_loop3A_387 {add = true, strides = array<i32>} : memref<320x256xf32, #tpu.memory_space<vmem>>, vector<16xf32>,
        %parallel_loop3A_424 = arith.index_cast %parallel_loop3A_226 : i32 to index
        %parallel_loop3A_425 = arith.constant 160 : index
        %parallel_loop3A_426 = tpu.vector_load %arg13[%parallel_loop3A_424, %parallel_loop3A_425] {strides = array<i32>} : memref<320x256xf32, #tpu.memory_space<vmem>>, vector<16xf32>,
        tpu.vector_store %arg13[%parallel_loop3A_424, %parallel_loop3A_425], %parallel_loop3A_388 {add = true, strides = array<i32>} : memref<320x256xf32, #tpu.memory_space<vmem>>, vector<16xf32>,
        %parallel_loop3A_427 = arith.index_cast %parallel_loop3A_226 : i32 to index
        %parallel_loop3A_428 = arith.constant 176 : index
        %parallel_loop3A_429 = tpu.vector_load %arg13[%parallel_loop3A_427, %parallel_loop3A_428] {strides = array<i32>} : memref<320x256xf32, #tpu.memory_space<vmem>>, vector<16xf32>,
        tpu.vector_store %arg13[%parallel_loop3A_427, %parallel_loop3A_428], %parallel_loop3A_389 {add = true, strides = array<i32>} : memref<320x256xf32, #tpu.memory_space<vmem>>, vector<16xf32>,
        %parallel_loop3A_430 = arith.index_cast %parallel_loop3A_226 : i32 to index
        %parallel_loop3A_431 = arith.constant 192 : index
        %parallel_loop3A_432 = tpu.vector_load %arg13[%parallel_loop3A_430, %parallel_loop3A_431] {strides = array<i32>} : memref<320x256xf32, #tpu.memory_space<vmem>>, vector<16xf32>,
        tpu.vector_store %arg13[%parallel_loop3A_430, %parallel_loop3A_431], %parallel_loop3A_390 {add = true, strides = array<i32>} : memref<320x256xf32, #tpu.memory_space<vmem>>, vector<16xf32>,
        %parallel_loop3A_433 = arith.index_cast %parallel_loop3A_226 : i32 to index
        %parallel_loop3A_434 = arith.constant 208 : index
        %parallel_loop3A_435 = tpu.vector_load %arg13[%parallel_loop3A_433, %parallel_loop3A_434] {strides = array<i32>} : memref<320x256xf32, #tpu.memory_space<vmem>>, vector<16xf32>,
        tpu.vector_store %arg13[%parallel_loop3A_433, %parallel_loop3A_434], %parallel_loop3A_391 {add = true, strides = array<i32>} : memref<320x256xf32, #tpu.memory_space<vmem>>, vector<16xf32>,
        %parallel_loop3A_436 = arith.index_cast %parallel_loop3A_226 : i32 to index
        %parallel_loop3A_437 = arith.constant 224 : index
        %parallel_loop3A_438 = tpu.vector_load %arg13[%parallel_loop3A_436, %parallel_loop3A_437] {strides = array<i32>} : memref<320x256xf32, #tpu.memory_space<vmem>>, vector<16xf32>,
        tpu.vector_store %arg13[%parallel_loop3A_436, %parallel_loop3A_437], %parallel_loop3A_392 {add = true, strides = array<i32>} : memref<320x256xf32, #tpu.memory_space<vmem>>, vector<16xf32>,
        %parallel_loop3A_439 = arith.index_cast %parallel_loop3A_226 : i32 to index
        %parallel_loop3A_440 = arith.constant 240 : index
        %parallel_loop3A_441 = tpu.vector_load %arg13[%parallel_loop3A_439, %parallel_loop3A_440] {strides = array<i32>} : memref<320x256xf32, #tpu.memory_space<vmem>>, vector<16xf32>,
        tpu.vector_store %arg13[%parallel_loop3A_439, %parallel_loop3A_440], %parallel_loop3A_393 {add = true, strides = array<i32>} : memref<320x256xf32, #tpu.memory_space<vmem>>, vector<16xf32>,
      } {sc.loop_unroll_factor = 1 : i64, sc.parallel_access}
    }
    %while3A_119 = arith.constant 1 : i32
    scf.for %while3A_139 = %while3A_117 to %while3A_113 step %while3A_119  : i32 {
      %mul3A_140 = arith.constant 2 : i32
      %mul3A_141 = arith.muli %mul3A_140, %while3A_139 : i32
      %add3A_142 = arith.addi %select_n3A, %mul3A_141 : i32
      %add3A_143 = arith.constant 1 : i32
      %add3A_144 = arith.addi %add3A_142, %add3A_143 : i32
      %min3A_145 = arith.constant 1999 : i32
      %min3A_146 = arith.minsi %add3A_144, %min3A_145 : i32
      %mul3A_147 = arith.constant 80 : i32
      %mul3A_148 = arith.muli %min3A_146, %mul3A_147 : i32
      %dma_start3A_149 = arith.constant 0 : i32
      %dma_start3A_150 = tpu.memref_slice %arg2[%mul3A_148, %dma_start3A_149] : memref<160000x256xf32, #tpu.memory_space<hbm>> -> memref<80x256xf32, #tpu.memory_space<hbm>>
      %dma_start3A_151 = arith.constant 0 : i32
      %dma_start3A_152 = tpu.memref_slice %arg2[%mul3A_148, %dma_start3A_151] : memref<160000x256xf32, #tpu.memory_space<hbm>> -> memref<80x256xf32, #tpu.memory_space<hbm>>
      tpu.enqueue_dma source(%dma_start3A_152 : memref<80x256xf32, #tpu.memory_space<hbm>>) target(%arg12 : memref<80x256xf32, #tpu.memory_space<vmem>>) target_semaphore(%arg15 : memref<!tpu.dma_semaphore, #tpu.memory_space<semaphore_mem>>)
      %dma_start3A_153 = arith.constant 0 : i32
      %dma_start3A_154 = tpu.memref_slice %arg10[%dma_start3A_153] : memref<96xi32, #tpu.memory_space<vmem>> -> memref<80xi32, #tpu.memory_space<vmem>>
      %dma_start3A_155 = tpu.memref_slice %arg3[%mul3A_148] : memref<160000xi32, #tpu.memory_space<hbm>> -> memref<80xi32, #tpu.memory_space<hbm>>
      %dma_start3A_156 = arith.constant 0 : i32
      %dma_start3A_157 = tpu.memref_slice %arg10[%dma_start3A_156] : memref<96xi32, #tpu.memory_space<vmem>> -> memref<80xi32, #tpu.memory_space<vmem>>
      %dma_start3A_158 = tpu.memref_slice %arg3[%mul3A_148] : memref<160000xi32, #tpu.memory_space<hbm>> -> memref<80xi32, #tpu.memory_space<hbm>>
      tpu.enqueue_dma source(%dma_start3A_158 : memref<80xi32, #tpu.memory_space<hbm>>) target(%dma_start3A_157 : memref<80xi32, #tpu.memory_space<vmem>>) target_semaphore(%arg17 : memref<!tpu.dma_semaphore, #tpu.memory_space<semaphore_mem>>)
      %min3A_159 = arith.constant 1999 : i32
      %min3A_160 = arith.minsi %add3A_142, %min3A_159 : i32
      %mul3A_161 = arith.constant 80 : i32
      %mul3A_162 = arith.muli %min3A_160, %mul3A_161 : i32
      %dma_wait3A_163 = arith.constant 0 : i32
      %dma_wait3A_164 = tpu.memref_slice %arg2[%mul3A_162, %dma_wait3A_163] : memref<160000x256xf32, #tpu.memory_space<hbm>> -> memref<80x256xf32, #tpu.memory_space<hbm>>
      %dma_wait3A_165 = arith.constant 0 : i32
      %dma_wait3A_166 = tpu.memref_slice %arg2[%mul3A_162, %dma_wait3A_165] : memref<160000x256xf32, #tpu.memory_space<hbm>> -> memref<80x256xf32, #tpu.memory_space<hbm>>
      tpu.wait_dma2 semaphore(%arg14 : memref<!tpu.dma_semaphore, #tpu.memory_space<semaphore_mem>>) src(%dma_wait3A_166 : memref<80x256xf32, #tpu.memory_space<hbm>>) dst(%arg11 : memref<80x256xf32, #tpu.memory_space<vmem>>)
      %dma_wait3A_167 = arith.constant 0 : i32
      %dma_wait3A_168 = tpu.memref_slice %arg9[%dma_wait3A_167] : memref<96xi32, #tpu.memory_space<vmem>> -> memref<80xi32, #tpu.memory_space<vmem>>
      %dma_wait3A_169 = tpu.memref_slice %arg3[%mul3A_162] : memref<160000xi32, #tpu.memory_space<hbm>> -> memref<80xi32, #tpu.memory_space<hbm>>
      %dma_wait3A_170 = arith.constant 0 : i32
      %dma_wait3A_171 = tpu.memref_slice %arg9[%dma_wait3A_170] : memref<96xi32, #tpu.memory_space<vmem>> -> memref<80xi32, #tpu.memory_space<vmem>>
      %dma_wait3A_172 = tpu.memref_slice %arg3[%mul3A_162] : memref<160000xi32, #tpu.memory_space<hbm>> -> memref<80xi32, #tpu.memory_space<hbm>>
      tpu.wait_dma2 semaphore(%arg16 : memref<!tpu.dma_semaphore, #tpu.memory_space<semaphore_mem>>) src(%dma_wait3A_172 : memref<80xi32, #tpu.memory_space<hbm>>) dst(%dma_wait3A_171 : memref<80xi32, #tpu.memory_space<vmem>>)
      %mul3A_173 = arith.constant 80 : i32
      %mul3A_174 = arith.muli %add3A_142, %mul3A_173 : i32
      %parallel_loop3A = arith.constant 0 : i32
      %parallel_loop3A_175 = arith.constant 80 : i32
      %parallel_loop3A_176 = arith.constant 1 : i32
      scf.for %parallel_loop3A_216 = %parallel_loop3A to %parallel_loop3A_175 step %parallel_loop3A_176  : i32 {
        %parallel_loop3A_217 = arith.addi %mul3A_174, %parallel_loop3A_216 : i32
        %parallel_loop3A_218 = arith.index_cast %parallel_loop3A_216 : i32 to index
        %parallel_loop3A_219 = tpu.vector_load %arg9[%parallel_loop3A_218] {strides = array<i32>} : memref<96xi32, #tpu.memory_space<vmem>>, vector<16xi32>,
        %parallel_loop3A_220 = vector.extract_strided_slice %parallel_loop3A_219 {offsets = [0], sizes = [1], strides = [1]} : vector<16xi32> to vector<1xi32>
        %parallel_loop3A_221 = vector.extract %parallel_loop3A_220[0] : i32 from vector<1xi32>
        %parallel_loop3A_222 = arith.subi %parallel_loop3A_221, %mul3A_9 : i32
        %parallel_loop3A_223 = arith.constant 0 : i32
        %parallel_loop3A_224 = arith.maxsi %parallel_loop3A_222, %parallel_loop3A_223 : i32
        %parallel_loop3A_225 = arith.constant 319 : i32
        %parallel_loop3A_226 = arith.minsi %parallel_loop3A_224, %parallel_loop3A_225 : i32
        %parallel_loop3A_227 = arith.index_cast %parallel_loop3A_216 : i32 to index
        %parallel_loop3A_228 = arith.constant 0 : index
        %parallel_loop3A_229 = tpu.vector_load %arg11[%parallel_loop3A_227, %parallel_loop3A_228] {strides = array<i32>} : memref<80x256xf32, #tpu.memory_space<vmem>>, vector<16xf32>,
        %parallel_loop3A_230 = arith.index_cast %parallel_loop3A_216 : i32 to index
        %parallel_loop3A_231 = arith.constant 16 : index
        %parallel_loop3A_232 = tpu.vector_load %arg11[%parallel_loop3A_230, %parallel_loop3A_231] {strides = array<i32>} : memref<80x256xf32, #tpu.memory_space<vmem>>, vector<16xf32>,
        %parallel_loop3A_233 = arith.index_cast %parallel_loop3A_216 : i32 to index
        %parallel_loop3A_234 = arith.constant 32 : index
        %parallel_loop3A_235 = tpu.vector_load %arg11[%parallel_loop3A_233, %parallel_loop3A_234] {strides = array<i32>} : memref<80x256xf32, #tpu.memory_space<vmem>>, vector<16xf32>,
        %parallel_loop3A_236 = arith.index_cast %parallel_loop3A_216 : i32 to index
        %parallel_loop3A_237 = arith.constant 48 : index
        %parallel_loop3A_238 = tpu.vector_load %arg11[%parallel_loop3A_236, %parallel_loop3A_237] {strides = array<i32>} : memref<80x256xf32, #tpu.memory_space<vmem>>, vector<16xf32>,
        %parallel_loop3A_239 = arith.index_cast %parallel_loop3A_216 : i32 to index
        %parallel_loop3A_240 = arith.constant 64 : index
        %parallel_loop3A_241 = tpu.vector_load %arg11[%parallel_loop3A_239, %parallel_loop3A_240] {strides = array<i32>} : memref<80x256xf32, #tpu.memory_space<vmem>>, vector<16xf32>,
        %parallel_loop3A_242 = arith.index_cast %parallel_loop3A_216 : i32 to index
        %parallel_loop3A_243 = arith.constant 80 : index
        %parallel_loop3A_244 = tpu.vector_load %arg11[%parallel_loop3A_242, %parallel_loop3A_243] {strides = array<i32>} : memref<80x256xf32, #tpu.memory_space<vmem>>, vector<16xf32>,
        %parallel_loop3A_245 = arith.index_cast %parallel_loop3A_216 : i32 to index
        %parallel_loop3A_246 = arith.constant 96 : index
        %parallel_loop3A_247 = tpu.vector_load %arg11[%parallel_loop3A_245, %parallel_loop3A_246] {strides = array<i32>} : memref<80x256xf32, #tpu.memory_space<vmem>>, vector<16xf32>,
        %parallel_loop3A_248 = arith.index_cast %parallel_loop3A_216 : i32 to index
        %parallel_loop3A_249 = arith.constant 112 : index
        %parallel_loop3A_250 = tpu.vector_load %arg11[%parallel_loop3A_248, %parallel_loop3A_249] {strides = array<i32>} : memref<80x256xf32, #tpu.memory_space<vmem>>, vector<16xf32>,
        %parallel_loop3A_251 = arith.index_cast %parallel_loop3A_216 : i32 to index
        %parallel_loop3A_252 = arith.constant 128 : index
        %parallel_loop3A_253 = tpu.vector_load %arg11[%parallel_loop3A_251, %parallel_loop3A_252] {strides = array<i32>} : memref<80x256xf32, #tpu.memory_space<vmem>>, vector<16xf32>,
        %parallel_loop3A_254 = arith.index_cast %parallel_loop3A_216 : i32 to index
        %parallel_loop3A_255 = arith.constant 144 : index
        %parallel_loop3A_256 = tpu.vector_load %arg11[%parallel_loop3A_254, %parallel_loop3A_255] {strides = array<i32>} : memref<80x256xf32, #tpu.memory_space<vmem>>, vector<16xf32>,
        %parallel_loop3A_257 = arith.index_cast %parallel_loop3A_216 : i32 to index
        %parallel_loop3A_258 = arith.constant 160 : index
        %parallel_loop3A_259 = tpu.vector_load %arg11[%parallel_loop3A_257, %parallel_loop3A_258] {strides = array<i32>} : memref<80x256xf32, #tpu.memory_space<vmem>>, vector<16xf32>,
        %parallel_loop3A_260 = arith.index_cast %parallel_loop3A_216 : i32 to index
        %parallel_loop3A_261 = arith.constant 176 : index
        %parallel_loop3A_262 = tpu.vector_load %arg11[%parallel_loop3A_260, %parallel_loop3A_261] {strides = array<i32>} : memref<80x256xf32, #tpu.memory_space<vmem>>, vector<16xf32>,
        %parallel_loop3A_263 = arith.index_cast %parallel_loop3A_216 : i32 to index
        %parallel_loop3A_264 = arith.constant 192 : index
        %parallel_loop3A_265 = tpu.vector_load %arg11[%parallel_loop3A_263, %parallel_loop3A_264] {strides = array<i32>} : memref<80x256xf32, #tpu.memory_space<vmem>>, vector<16xf32>,
        %parallel_loop3A_266 = arith.index_cast %parallel_loop3A_216 : i32 to index
        %parallel_loop3A_267 = arith.constant 208 : index
        %parallel_loop3A_268 = tpu.vector_load %arg11[%parallel_loop3A_266, %parallel_loop3A_267] {strides = array<i32>} : memref<80x256xf32, #tpu.memory_space<vmem>>, vector<16xf32>,
        %parallel_loop3A_269 = arith.index_cast %parallel_loop3A_216 : i32 to index
        %parallel_loop3A_270 = arith.constant 224 : index
        %parallel_loop3A_271 = tpu.vector_load %arg11[%parallel_loop3A_269, %parallel_loop3A_270] {strides = array<i32>} : memref<80x256xf32, #tpu.memory_space<vmem>>, vector<16xf32>,
        %parallel_loop3A_272 = arith.index_cast %parallel_loop3A_216 : i32 to index
        %parallel_loop3A_273 = arith.constant 240 : index
        %parallel_loop3A_274 = tpu.vector_load %arg11[%parallel_loop3A_272, %parallel_loop3A_273] {strides = array<i32>} : memref<80x256xf32, #tpu.memory_space<vmem>>, vector<16xf32>,
        %parallel_loop3A_275 = arith.mulf %parallel_loop3A_229, %get3A_11 : vector<16xf32>
        %parallel_loop3A_276 = arith.mulf %parallel_loop3A_232, %get3A_13 : vector<16xf32>
        %parallel_loop3A_277 = arith.mulf %parallel_loop3A_235, %get3A_15 : vector<16xf32>
        %parallel_loop3A_278 = arith.mulf %parallel_loop3A_238, %get3A_17 : vector<16xf32>
        %parallel_loop3A_279 = arith.mulf %parallel_loop3A_241, %get3A_19 : vector<16xf32>
        %parallel_loop3A_280 = arith.mulf %parallel_loop3A_244, %get3A_21 : vector<16xf32>
        %parallel_loop3A_281 = arith.mulf %parallel_loop3A_247, %get3A_23 : vector<16xf32>
        %parallel_loop3A_282 = arith.mulf %parallel_loop3A_250, %get3A_25 : vector<16xf32>
        %parallel_loop3A_283 = arith.mulf %parallel_loop3A_253, %get3A_27 : vector<16xf32>
        %parallel_loop3A_284 = arith.mulf %parallel_loop3A_256, %get3A_29 : vector<16xf32>
        %parallel_loop3A_285 = arith.mulf %parallel_loop3A_259, %get3A_31 : vector<16xf32>
        %parallel_loop3A_286 = arith.mulf %parallel_loop3A_262, %get3A_33 : vector<16xf32>
        %parallel_loop3A_287 = arith.mulf %parallel_loop3A_265, %get3A_35 : vector<16xf32>
        %parallel_loop3A_288 = arith.mulf %parallel_loop3A_268, %get3A_37 : vector<16xf32>
        %parallel_loop3A_289 = arith.mulf %parallel_loop3A_271, %get3A_39 : vector<16xf32>
        %parallel_loop3A_290 = arith.mulf %parallel_loop3A_274, %get3A_41 : vector<16xf32>
        %parallel_loop3A_291 = arith.addf %parallel_loop3A_275, %parallel_loop3A_276 : vector<16xf32>
        %parallel_loop3A_292 = arith.addf %parallel_loop3A_277, %parallel_loop3A_278 : vector<16xf32>
        %parallel_loop3A_293 = arith.addf %parallel_loop3A_279, %parallel_loop3A_280 : vector<16xf32>
        %parallel_loop3A_294 = arith.addf %parallel_loop3A_281, %parallel_loop3A_282 : vector<16xf32>
        %parallel_loop3A_295 = arith.addf %parallel_loop3A_283, %parallel_loop3A_284 : vector<16xf32>
        %parallel_loop3A_296 = arith.addf %parallel_loop3A_285, %parallel_loop3A_286 : vector<16xf32>
        %parallel_loop3A_297 = arith.addf %parallel_loop3A_287, %parallel_loop3A_288 : vector<16xf32>
        %parallel_loop3A_298 = arith.addf %parallel_loop3A_289, %parallel_loop3A_290 : vector<16xf32>
        %parallel_loop3A_299 = arith.addf %parallel_loop3A_291, %parallel_loop3A_292 : vector<16xf32>
        %parallel_loop3A_300 = arith.addf %parallel_loop3A_293, %parallel_loop3A_294 : vector<16xf32>
        %parallel_loop3A_301 = arith.addf %parallel_loop3A_295, %parallel_loop3A_296 : vector<16xf32>
        %parallel_loop3A_302 = arith.addf %parallel_loop3A_297, %parallel_loop3A_298 : vector<16xf32>
        %parallel_loop3A_303 = arith.addf %parallel_loop3A_299, %parallel_loop3A_300 : vector<16xf32>
        %parallel_loop3A_304 = arith.addf %parallel_loop3A_301, %parallel_loop3A_302 : vector<16xf32>
        %parallel_loop3A_305 = arith.addf %parallel_loop3A_303, %parallel_loop3A_304 : vector<16xf32>
        %parallel_loop3A_306 = arith.constant true
        %parallel_loop3A_307 = vector.broadcast %parallel_loop3A_306 : i1 to vector<16xi1>
        %parallel_loop3A_308 = tpu.scan <sum>, %parallel_loop3A_305 masked %parallel_loop3A_307 : vector<16xf32>, vector<16xi1> -> vector<16xf32>
        %parallel_loop3A_309 = vector.extract %parallel_loop3A_308[15] : f32 from vector<16xf32>
        %parallel_loop3A_310 = vector.broadcast %parallel_loop3A_309 : f32 to vector<16xf32>
        %parallel_loop3A_311 = arith.addf %parallel_loop3A_310, %get3A_43 : vector<16xf32>
        %parallel_loop3A_312 = arith.constant 0.000000e+00 : f32
        %parallel_loop3A_313 = vector.broadcast %parallel_loop3A_312 : f32 to vector<16xf32>
        %parallel_loop3A_314 = arith.subf %parallel_loop3A_313, %parallel_loop3A_311 : vector<16xf32>
        %parallel_loop3A_315 = math.exp %parallel_loop3A_314 : vector<16xf32>
        %parallel_loop3A_316 = arith.constant 1.000000e+00 : f32
        %parallel_loop3A_317 = vector.broadcast %parallel_loop3A_316 : f32 to vector<16xf32>
        %parallel_loop3A_318 = arith.addf %parallel_loop3A_317, %parallel_loop3A_315 : vector<16xf32>
        %parallel_loop3A_319 = arith.constant 1.000000e+00 : f32
        %parallel_loop3A_320 = vector.broadcast %parallel_loop3A_319 : f32 to vector<16xf32>
        %parallel_loop3A_321 = arith.divf %parallel_loop3A_320, %parallel_loop3A_318 : vector<16xf32>
        %parallel_loop3A_322 = arith.cmpi sge, %parallel_loop3A_217, %squeeze3A : i32
        %parallel_loop3A_323 = arith.cmpi slt, %parallel_loop3A_217, %squeeze3A_7 : i32
        %parallel_loop3A_324 = arith.andi %parallel_loop3A_322, %parallel_loop3A_323 : i1
        %parallel_loop3A_325 = arith.constant 1.000000e+00 : f32
        %parallel_loop3A_326 = arith.constant 0.000000e+00 : f32
        %parallel_loop3A_327 = arith.select %parallel_loop3A_324, %parallel_loop3A_325, %parallel_loop3A_326 : f32
        %parallel_loop3A_328 = vector.broadcast %parallel_loop3A_327 : f32 to vector<16xf32>
        %parallel_loop3A_329 = arith.mulf %parallel_loop3A_321, %parallel_loop3A_328 : vector<16xf32>
        %parallel_loop3A_330 = arith.index_cast %parallel_loop3A_216 : i32 to index
        %parallel_loop3A_331 = arith.constant 0 : index
        %parallel_loop3A_332 = tpu.vector_load %arg11[%parallel_loop3A_330, %parallel_loop3A_331] {strides = array<i32>} : memref<80x256xf32, #tpu.memory_space<vmem>>, vector<16xf32>,
        %parallel_loop3A_333 = arith.index_cast %parallel_loop3A_216 : i32 to index
        %parallel_loop3A_334 = arith.constant 16 : index
        %parallel_loop3A_335 = tpu.vector_load %arg11[%parallel_loop3A_333, %parallel_loop3A_334] {strides = array<i32>} : memref<80x256xf32, #tpu.memory_space<vmem>>, vector<16xf32>,
        %parallel_loop3A_336 = arith.index_cast %parallel_loop3A_216 : i32 to index
        %parallel_loop3A_337 = arith.constant 32 : index
        %parallel_loop3A_338 = tpu.vector_load %arg11[%parallel_loop3A_336, %parallel_loop3A_337] {strides = array<i32>} : memref<80x256xf32, #tpu.memory_space<vmem>>, vector<16xf32>,
        %parallel_loop3A_339 = arith.index_cast %parallel_loop3A_216 : i32 to index
        %parallel_loop3A_340 = arith.constant 48 : index
        %parallel_loop3A_341 = tpu.vector_load %arg11[%parallel_loop3A_339, %parallel_loop3A_340] {strides = array<i32>} : memref<80x256xf32, #tpu.memory_space<vmem>>, vector<16xf32>,
        %parallel_loop3A_342 = arith.index_cast %parallel_loop3A_216 : i32 to index
        %parallel_loop3A_343 = arith.constant 64 : index
        %parallel_loop3A_344 = tpu.vector_load %arg11[%parallel_loop3A_342, %parallel_loop3A_343] {strides = array<i32>} : memref<80x256xf32, #tpu.memory_space<vmem>>, vector<16xf32>,
        %parallel_loop3A_345 = arith.index_cast %parallel_loop3A_216 : i32 to index
        %parallel_loop3A_346 = arith.constant 80 : index
        %parallel_loop3A_347 = tpu.vector_load %arg11[%parallel_loop3A_345, %parallel_loop3A_346] {strides = array<i32>} : memref<80x256xf32, #tpu.memory_space<vmem>>, vector<16xf32>,
        %parallel_loop3A_348 = arith.index_cast %parallel_loop3A_216 : i32 to index
        %parallel_loop3A_349 = arith.constant 96 : index
        %parallel_loop3A_350 = tpu.vector_load %arg11[%parallel_loop3A_348, %parallel_loop3A_349] {strides = array<i32>} : memref<80x256xf32, #tpu.memory_space<vmem>>, vector<16xf32>,
        %parallel_loop3A_351 = arith.index_cast %parallel_loop3A_216 : i32 to index
        %parallel_loop3A_352 = arith.constant 112 : index
        %parallel_loop3A_353 = tpu.vector_load %arg11[%parallel_loop3A_351, %parallel_loop3A_352] {strides = array<i32>} : memref<80x256xf32, #tpu.memory_space<vmem>>, vector<16xf32>,
        %parallel_loop3A_354 = arith.index_cast %parallel_loop3A_216 : i32 to index
        %parallel_loop3A_355 = arith.constant 128 : index
        %parallel_loop3A_356 = tpu.vector_load %arg11[%parallel_loop3A_354, %parallel_loop3A_355] {strides = array<i32>} : memref<80x256xf32, #tpu.memory_space<vmem>>, vector<16xf32>,
        %parallel_loop3A_357 = arith.index_cast %parallel_loop3A_216 : i32 to index
        %parallel_loop3A_358 = arith.constant 144 : index
        %parallel_loop3A_359 = tpu.vector_load %arg11[%parallel_loop3A_357, %parallel_loop3A_358] {strides = array<i32>} : memref<80x256xf32, #tpu.memory_space<vmem>>, vector<16xf32>,
        %parallel_loop3A_360 = arith.index_cast %parallel_loop3A_216 : i32 to index
        %parallel_loop3A_361 = arith.constant 160 : index
        %parallel_loop3A_362 = tpu.vector_load %arg11[%parallel_loop3A_360, %parallel_loop3A_361] {strides = array<i32>} : memref<80x256xf32, #tpu.memory_space<vmem>>, vector<16xf32>,
        %parallel_loop3A_363 = arith.index_cast %parallel_loop3A_216 : i32 to index
        %parallel_loop3A_364 = arith.constant 176 : index
        %parallel_loop3A_365 = tpu.vector_load %arg11[%parallel_loop3A_363, %parallel_loop3A_364] {strides = array<i32>} : memref<80x256xf32, #tpu.memory_space<vmem>>, vector<16xf32>,
        %parallel_loop3A_366 = arith.index_cast %parallel_loop3A_216 : i32 to index
        %parallel_loop3A_367 = arith.constant 192 : index
        %parallel_loop3A_368 = tpu.vector_load %arg11[%parallel_loop3A_366, %parallel_loop3A_367] {strides = array<i32>} : memref<80x256xf32, #tpu.memory_space<vmem>>, vector<16xf32>,
        %parallel_loop3A_369 = arith.index_cast %parallel_loop3A_216 : i32 to index
        %parallel_loop3A_370 = arith.constant 208 : index
        %parallel_loop3A_371 = tpu.vector_load %arg11[%parallel_loop3A_369, %parallel_loop3A_370] {strides = array<i32>} : memref<80x256xf32, #tpu.memory_space<vmem>>, vector<16xf32>,
        %parallel_loop3A_372 = arith.index_cast %parallel_loop3A_216 : i32 to index
        %parallel_loop3A_373 = arith.constant 224 : index
        %parallel_loop3A_374 = tpu.vector_load %arg11[%parallel_loop3A_372, %parallel_loop3A_373] {strides = array<i32>} : memref<80x256xf32, #tpu.memory_space<vmem>>, vector<16xf32>,
        %parallel_loop3A_375 = arith.index_cast %parallel_loop3A_216 : i32 to index
        %parallel_loop3A_376 = arith.constant 240 : index
        %parallel_loop3A_377 = tpu.vector_load %arg11[%parallel_loop3A_375, %parallel_loop3A_376] {strides = array<i32>} : memref<80x256xf32, #tpu.memory_space<vmem>>, vector<16xf32>,
        %parallel_loop3A_378 = arith.mulf %parallel_loop3A_329, %parallel_loop3A_332 : vector<16xf32>
        %parallel_loop3A_379 = arith.mulf %parallel_loop3A_329, %parallel_loop3A_335 : vector<16xf32>
        %parallel_loop3A_380 = arith.mulf %parallel_loop3A_329, %parallel_loop3A_338 : vector<16xf32>
        %parallel_loop3A_381 = arith.mulf %parallel_loop3A_329, %parallel_loop3A_341 : vector<16xf32>
        %parallel_loop3A_382 = arith.mulf %parallel_loop3A_329, %parallel_loop3A_344 : vector<16xf32>
        %parallel_loop3A_383 = arith.mulf %parallel_loop3A_329, %parallel_loop3A_347 : vector<16xf32>
        %parallel_loop3A_384 = arith.mulf %parallel_loop3A_329, %parallel_loop3A_350 : vector<16xf32>
        %parallel_loop3A_385 = arith.mulf %parallel_loop3A_329, %parallel_loop3A_353 : vector<16xf32>
        %parallel_loop3A_386 = arith.mulf %parallel_loop3A_329, %parallel_loop3A_356 : vector<16xf32>
        %parallel_loop3A_387 = arith.mulf %parallel_loop3A_329, %parallel_loop3A_359 : vector<16xf32>
        %parallel_loop3A_388 = arith.mulf %parallel_loop3A_329, %parallel_loop3A_362 : vector<16xf32>
        %parallel_loop3A_389 = arith.mulf %parallel_loop3A_329, %parallel_loop3A_365 : vector<16xf32>
        %parallel_loop3A_390 = arith.mulf %parallel_loop3A_329, %parallel_loop3A_368 : vector<16xf32>
        %parallel_loop3A_391 = arith.mulf %parallel_loop3A_329, %parallel_loop3A_371 : vector<16xf32>
        %parallel_loop3A_392 = arith.mulf %parallel_loop3A_329, %parallel_loop3A_374 : vector<16xf32>
        %parallel_loop3A_393 = arith.mulf %parallel_loop3A_329, %parallel_loop3A_377 : vector<16xf32>
        %parallel_loop3A_394 = arith.index_cast %parallel_loop3A_226 : i32 to index
        %parallel_loop3A_395 = arith.constant 0 : index
        %parallel_loop3A_396 = tpu.vector_load %arg13[%parallel_loop3A_394, %parallel_loop3A_395] {strides = array<i32>} : memref<320x256xf32, #tpu.memory_space<vmem>>, vector<16xf32>,
        tpu.vector_store %arg13[%parallel_loop3A_394, %parallel_loop3A_395], %parallel_loop3A_378 {add = true, strides = array<i32>} : memref<320x256xf32, #tpu.memory_space<vmem>>, vector<16xf32>,
        %parallel_loop3A_397 = arith.index_cast %parallel_loop3A_226 : i32 to index
        %parallel_loop3A_398 = arith.constant 16 : index
        %parallel_loop3A_399 = tpu.vector_load %arg13[%parallel_loop3A_397, %parallel_loop3A_398] {strides = array<i32>} : memref<320x256xf32, #tpu.memory_space<vmem>>, vector<16xf32>,
        tpu.vector_store %arg13[%parallel_loop3A_397, %parallel_loop3A_398], %parallel_loop3A_379 {add = true, strides = array<i32>} : memref<320x256xf32, #tpu.memory_space<vmem>>, vector<16xf32>,
        %parallel_loop3A_400 = arith.index_cast %parallel_loop3A_226 : i32 to index
        %parallel_loop3A_401 = arith.constant 32 : index
        %parallel_loop3A_402 = tpu.vector_load %arg13[%parallel_loop3A_400, %parallel_loop3A_401] {strides = array<i32>} : memref<320x256xf32, #tpu.memory_space<vmem>>, vector<16xf32>,
        tpu.vector_store %arg13[%parallel_loop3A_400, %parallel_loop3A_401], %parallel_loop3A_380 {add = true, strides = array<i32>} : memref<320x256xf32, #tpu.memory_space<vmem>>, vector<16xf32>,
        %parallel_loop3A_403 = arith.index_cast %parallel_loop3A_226 : i32 to index
        %parallel_loop3A_404 = arith.constant 48 : index
        %parallel_loop3A_405 = tpu.vector_load %arg13[%parallel_loop3A_403, %parallel_loop3A_404] {strides = array<i32>} : memref<320x256xf32, #tpu.memory_space<vmem>>, vector<16xf32>,
        tpu.vector_store %arg13[%parallel_loop3A_403, %parallel_loop3A_404], %parallel_loop3A_381 {add = true, strides = array<i32>} : memref<320x256xf32, #tpu.memory_space<vmem>>, vector<16xf32>,
        %parallel_loop3A_406 = arith.index_cast %parallel_loop3A_226 : i32 to index
        %parallel_loop3A_407 = arith.constant 64 : index
        %parallel_loop3A_408 = tpu.vector_load %arg13[%parallel_loop3A_406, %parallel_loop3A_407] {strides = array<i32>} : memref<320x256xf32, #tpu.memory_space<vmem>>, vector<16xf32>,
        tpu.vector_store %arg13[%parallel_loop3A_406, %parallel_loop3A_407], %parallel_loop3A_382 {add = true, strides = array<i32>} : memref<320x256xf32, #tpu.memory_space<vmem>>, vector<16xf32>,
        %parallel_loop3A_409 = arith.index_cast %parallel_loop3A_226 : i32 to index
        %parallel_loop3A_410 = arith.constant 80 : index
        %parallel_loop3A_411 = tpu.vector_load %arg13[%parallel_loop3A_409, %parallel_loop3A_410] {strides = array<i32>} : memref<320x256xf32, #tpu.memory_space<vmem>>, vector<16xf32>,
        tpu.vector_store %arg13[%parallel_loop3A_409, %parallel_loop3A_410], %parallel_loop3A_383 {add = true, strides = array<i32>} : memref<320x256xf32, #tpu.memory_space<vmem>>, vector<16xf32>,
        %parallel_loop3A_412 = arith.index_cast %parallel_loop3A_226 : i32 to index
        %parallel_loop3A_413 = arith.constant 96 : index
        %parallel_loop3A_414 = tpu.vector_load %arg13[%parallel_loop3A_412, %parallel_loop3A_413] {strides = array<i32>} : memref<320x256xf32, #tpu.memory_space<vmem>>, vector<16xf32>,
        tpu.vector_store %arg13[%parallel_loop3A_412, %parallel_loop3A_413], %parallel_loop3A_384 {add = true, strides = array<i32>} : memref<320x256xf32, #tpu.memory_space<vmem>>, vector<16xf32>,
        %parallel_loop3A_415 = arith.index_cast %parallel_loop3A_226 : i32 to index
        %parallel_loop3A_416 = arith.constant 112 : index
        %parallel_loop3A_417 = tpu.vector_load %arg13[%parallel_loop3A_415, %parallel_loop3A_416] {strides = array<i32>} : memref<320x256xf32, #tpu.memory_space<vmem>>, vector<16xf32>,
        tpu.vector_store %arg13[%parallel_loop3A_415, %parallel_loop3A_416], %parallel_loop3A_385 {add = true, strides = array<i32>} : memref<320x256xf32, #tpu.memory_space<vmem>>, vector<16xf32>,
        %parallel_loop3A_418 = arith.index_cast %parallel_loop3A_226 : i32 to index
        %parallel_loop3A_419 = arith.constant 128 : index
        %parallel_loop3A_420 = tpu.vector_load %arg13[%parallel_loop3A_418, %parallel_loop3A_419] {strides = array<i32>} : memref<320x256xf32, #tpu.memory_space<vmem>>, vector<16xf32>,
        tpu.vector_store %arg13[%parallel_loop3A_418, %parallel_loop3A_419], %parallel_loop3A_386 {add = true, strides = array<i32>} : memref<320x256xf32, #tpu.memory_space<vmem>>, vector<16xf32>,
        %parallel_loop3A_421 = arith.index_cast %parallel_loop3A_226 : i32 to index
        %parallel_loop3A_422 = arith.constant 144 : index
        %parallel_loop3A_423 = tpu.vector_load %arg13[%parallel_loop3A_421, %parallel_loop3A_422] {strides = array<i32>} : memref<320x256xf32, #tpu.memory_space<vmem>>, vector<16xf32>,
        tpu.vector_store %arg13[%parallel_loop3A_421, %parallel_loop3A_422], %parallel_loop3A_387 {add = true, strides = array<i32>} : memref<320x256xf32, #tpu.memory_space<vmem>>, vector<16xf32>,
        %parallel_loop3A_424 = arith.index_cast %parallel_loop3A_226 : i32 to index
        %parallel_loop3A_425 = arith.constant 160 : index
        %parallel_loop3A_426 = tpu.vector_load %arg13[%parallel_loop3A_424, %parallel_loop3A_425] {strides = array<i32>} : memref<320x256xf32, #tpu.memory_space<vmem>>, vector<16xf32>,
        tpu.vector_store %arg13[%parallel_loop3A_424, %parallel_loop3A_425], %parallel_loop3A_388 {add = true, strides = array<i32>} : memref<320x256xf32, #tpu.memory_space<vmem>>, vector<16xf32>,
        %parallel_loop3A_427 = arith.index_cast %parallel_loop3A_226 : i32 to index
        %parallel_loop3A_428 = arith.constant 176 : index
        %parallel_loop3A_429 = tpu.vector_load %arg13[%parallel_loop3A_427, %parallel_loop3A_428] {strides = array<i32>} : memref<320x256xf32, #tpu.memory_space<vmem>>, vector<16xf32>,
        tpu.vector_store %arg13[%parallel_loop3A_427, %parallel_loop3A_428], %parallel_loop3A_389 {add = true, strides = array<i32>} : memref<320x256xf32, #tpu.memory_space<vmem>>, vector<16xf32>,
        %parallel_loop3A_430 = arith.index_cast %parallel_loop3A_226 : i32 to index
        %parallel_loop3A_431 = arith.constant 192 : index
        %parallel_loop3A_432 = tpu.vector_load %arg13[%parallel_loop3A_430, %parallel_loop3A_431] {strides = array<i32>} : memref<320x256xf32, #tpu.memory_space<vmem>>, vector<16xf32>,
        tpu.vector_store %arg13[%parallel_loop3A_430, %parallel_loop3A_431], %parallel_loop3A_390 {add = true, strides = array<i32>} : memref<320x256xf32, #tpu.memory_space<vmem>>, vector<16xf32>,
        %parallel_loop3A_433 = arith.index_cast %parallel_loop3A_226 : i32 to index
        %parallel_loop3A_434 = arith.constant 208 : index
        %parallel_loop3A_435 = tpu.vector_load %arg13[%parallel_loop3A_433, %parallel_loop3A_434] {strides = array<i32>} : memref<320x256xf32, #tpu.memory_space<vmem>>, vector<16xf32>,
        tpu.vector_store %arg13[%parallel_loop3A_433, %parallel_loop3A_434], %parallel_loop3A_391 {add = true, strides = array<i32>} : memref<320x256xf32, #tpu.memory_space<vmem>>, vector<16xf32>,
        %parallel_loop3A_436 = arith.index_cast %parallel_loop3A_226 : i32 to index
        %parallel_loop3A_437 = arith.constant 224 : index
        %parallel_loop3A_438 = tpu.vector_load %arg13[%parallel_loop3A_436, %parallel_loop3A_437] {strides = array<i32>} : memref<320x256xf32, #tpu.memory_space<vmem>>, vector<16xf32>,
        tpu.vector_store %arg13[%parallel_loop3A_436, %parallel_loop3A_437], %parallel_loop3A_392 {add = true, strides = array<i32>} : memref<320x256xf32, #tpu.memory_space<vmem>>, vector<16xf32>,
        %parallel_loop3A_439 = arith.index_cast %parallel_loop3A_226 : i32 to index
        %parallel_loop3A_440 = arith.constant 240 : index
        %parallel_loop3A_441 = tpu.vector_load %arg13[%parallel_loop3A_439, %parallel_loop3A_440] {strides = array<i32>} : memref<320x256xf32, #tpu.memory_space<vmem>>, vector<16xf32>,
        tpu.vector_store %arg13[%parallel_loop3A_439, %parallel_loop3A_440], %parallel_loop3A_393 {add = true, strides = array<i32>} : memref<320x256xf32, #tpu.memory_space<vmem>>, vector<16xf32>,
      } {sc.loop_unroll_factor = 1 : i64, sc.parallel_access}
      %add3A_177 = arith.constant 2 : i32
      %add3A_178 = arith.addi %add3A_142, %add3A_177 : i32
      %min3A_179 = arith.constant 1999 : i32
      %min3A_180 = arith.minsi %add3A_178, %min3A_179 : i32
      %mul3A_181 = arith.constant 80 : i32
      %mul3A_182 = arith.muli %min3A_180, %mul3A_181 : i32
      %dma_start3A_183 = arith.constant 0 : i32
      %dma_start3A_184 = tpu.memref_slice %arg2[%mul3A_182, %dma_start3A_183] : memref<160000x256xf32, #tpu.memory_space<hbm>> -> memref<80x256xf32, #tpu.memory_space<hbm>>
      %dma_start3A_185 = arith.constant 0 : i32
      %dma_start3A_186 = tpu.memref_slice %arg2[%mul3A_182, %dma_start3A_185] : memref<160000x256xf32, #tpu.memory_space<hbm>> -> memref<80x256xf32, #tpu.memory_space<hbm>>
      tpu.enqueue_dma source(%dma_start3A_186 : memref<80x256xf32, #tpu.memory_space<hbm>>) target(%arg11 : memref<80x256xf32, #tpu.memory_space<vmem>>) target_semaphore(%arg14 : memref<!tpu.dma_semaphore, #tpu.memory_space<semaphore_mem>>)
      %dma_start3A_187 = arith.constant 0 : i32
      %dma_start3A_188 = tpu.memref_slice %arg9[%dma_start3A_187] : memref<96xi32, #tpu.memory_space<vmem>> -> memref<80xi32, #tpu.memory_space<vmem>>
      %dma_start3A_189 = tpu.memref_slice %arg3[%mul3A_182] : memref<160000xi32, #tpu.memory_space<hbm>> -> memref<80xi32, #tpu.memory_space<hbm>>
      %dma_start3A_190 = arith.constant 0 : i32
      %dma_start3A_191 = tpu.memref_slice %arg9[%dma_start3A_190] : memref<96xi32, #tpu.memory_space<vmem>> -> memref<80xi32, #tpu.memory_space<vmem>>
      %dma_start3A_192 = tpu.memref_slice %arg3[%mul3A_182] : memref<160000xi32, #tpu.memory_space<hbm>> -> memref<80xi32, #tpu.memory_space<hbm>>
      tpu.enqueue_dma source(%dma_start3A_192 : memref<80xi32, #tpu.memory_space<hbm>>) target(%dma_start3A_191 : memref<80xi32, #tpu.memory_space<vmem>>) target_semaphore(%arg16 : memref<!tpu.dma_semaphore, #tpu.memory_space<semaphore_mem>>)
      %add3A_193 = arith.constant 1 : i32
      %add3A_194 = arith.addi %add3A_142, %add3A_193 : i32
      %min3A_195 = arith.constant 1999 : i32
      %min3A_196 = arith.minsi %add3A_194, %min3A_195 : i32
      %mul3A_197 = arith.constant 80 : i32
      %mul3A_198 = arith.muli %min3A_196, %mul3A_197 : i32
      %dma_wait3A_199 = arith.constant 0 : i32
      %dma_wait3A_200 = tpu.memref_slice %arg2[%mul3A_198, %dma_wait3A_199] : memref<160000x256xf32, #tpu.memory_space<hbm>> -> memref<80x256xf32, #tpu.memory_space<hbm>>
      %dma_wait3A_201 = arith.constant 0 : i32
      %dma_wait3A_202 = tpu.memref_slice %arg2[%mul3A_198, %dma_wait3A_201] : memref<160000x256xf32, #tpu.memory_space<hbm>> -> memref<80x256xf32, #tpu.memory_space<hbm>>
      tpu.wait_dma2 semaphore(%arg15 : memref<!tpu.dma_semaphore, #tpu.memory_space<semaphore_mem>>) src(%dma_wait3A_202 : memref<80x256xf32, #tpu.memory_space<hbm>>) dst(%arg12 : memref<80x256xf32, #tpu.memory_space<vmem>>)
      %dma_wait3A_203 = arith.constant 0 : i32
      %dma_wait3A_204 = tpu.memref_slice %arg10[%dma_wait3A_203] : memref<96xi32, #tpu.memory_space<vmem>> -> memref<80xi32, #tpu.memory_space<vmem>>
      %dma_wait3A_205 = tpu.memref_slice %arg3[%mul3A_198] : memref<160000xi32, #tpu.memory_space<hbm>> -> memref<80xi32, #tpu.memory_space<hbm>>
      %dma_wait3A_206 = arith.constant 0 : i32
      %dma_wait3A_207 = tpu.memref_slice %arg10[%dma_wait3A_206] : memref<96xi32, #tpu.memory_space<vmem>> -> memref<80xi32, #tpu.memory_space<vmem>>
      %dma_wait3A_208 = tpu.memref_slice %arg3[%mul3A_198] : memref<160000xi32, #tpu.memory_space<hbm>> -> memref<80xi32, #tpu.memory_space<hbm>>
      tpu.wait_dma2 semaphore(%arg17 : memref<!tpu.dma_semaphore, #tpu.memory_space<semaphore_mem>>) src(%dma_wait3A_208 : memref<80xi32, #tpu.memory_space<hbm>>) dst(%dma_wait3A_207 : memref<80xi32, #tpu.memory_space<vmem>>)
      %add3A_209 = arith.constant 1 : i32
      %add3A_210 = arith.addi %add3A_142, %add3A_209 : i32
      %mul3A_211 = arith.constant 80 : i32
      %mul3A_212 = arith.muli %add3A_210, %mul3A_211 : i32
      %parallel_loop3A_213 = arith.constant 0 : i32
      %parallel_loop3A_214 = arith.constant 80 : i32
      %parallel_loop3A_215 = arith.constant 1 : i32
      scf.for %parallel_loop3A_216 = %parallel_loop3A_213 to %parallel_loop3A_214 step %parallel_loop3A_215  : i32 {
        %parallel_loop3A_217 = arith.addi %mul3A_212, %parallel_loop3A_216 : i32
        %parallel_loop3A_218 = arith.index_cast %parallel_loop3A_216 : i32 to index
        %parallel_loop3A_219 = tpu.vector_load %arg10[%parallel_loop3A_218] {strides = array<i32>} : memref<96xi32, #tpu.memory_space<vmem>>, vector<16xi32>,
        %parallel_loop3A_220 = vector.extract_strided_slice %parallel_loop3A_219 {offsets = [0], sizes = [1], strides = [1]} : vector<16xi32> to vector<1xi32>
        %parallel_loop3A_221 = vector.extract %parallel_loop3A_220[0] : i32 from vector<1xi32>
        %parallel_loop3A_222 = arith.subi %parallel_loop3A_221, %mul3A_9 : i32
        %parallel_loop3A_223 = arith.constant 0 : i32
        %parallel_loop3A_224 = arith.maxsi %parallel_loop3A_222, %parallel_loop3A_223 : i32
        %parallel_loop3A_225 = arith.constant 319 : i32
        %parallel_loop3A_226 = arith.minsi %parallel_loop3A_224, %parallel_loop3A_225 : i32
        %parallel_loop3A_227 = arith.index_cast %parallel_loop3A_216 : i32 to index
        %parallel_loop3A_228 = arith.constant 0 : index
        %parallel_loop3A_229 = tpu.vector_load %arg12[%parallel_loop3A_227, %parallel_loop3A_228] {strides = array<i32>} : memref<80x256xf32, #tpu.memory_space<vmem>>, vector<16xf32>,
        %parallel_loop3A_230 = arith.index_cast %parallel_loop3A_216 : i32 to index
        %parallel_loop3A_231 = arith.constant 16 : index
        %parallel_loop3A_232 = tpu.vector_load %arg12[%parallel_loop3A_230, %parallel_loop3A_231] {strides = array<i32>} : memref<80x256xf32, #tpu.memory_space<vmem>>, vector<16xf32>,
        %parallel_loop3A_233 = arith.index_cast %parallel_loop3A_216 : i32 to index
        %parallel_loop3A_234 = arith.constant 32 : index
        %parallel_loop3A_235 = tpu.vector_load %arg12[%parallel_loop3A_233, %parallel_loop3A_234] {strides = array<i32>} : memref<80x256xf32, #tpu.memory_space<vmem>>, vector<16xf32>,
        %parallel_loop3A_236 = arith.index_cast %parallel_loop3A_216 : i32 to index
        %parallel_loop3A_237 = arith.constant 48 : index
        %parallel_loop3A_238 = tpu.vector_load %arg12[%parallel_loop3A_236, %parallel_loop3A_237] {strides = array<i32>} : memref<80x256xf32, #tpu.memory_space<vmem>>, vector<16xf32>,
        %parallel_loop3A_239 = arith.index_cast %parallel_loop3A_216 : i32 to index
        %parallel_loop3A_240 = arith.constant 64 : index
        %parallel_loop3A_241 = tpu.vector_load %arg12[%parallel_loop3A_239, %parallel_loop3A_240] {strides = array<i32>} : memref<80x256xf32, #tpu.memory_space<vmem>>, vector<16xf32>,
        %parallel_loop3A_242 = arith.index_cast %parallel_loop3A_216 : i32 to index
        %parallel_loop3A_243 = arith.constant 80 : index
        %parallel_loop3A_244 = tpu.vector_load %arg12[%parallel_loop3A_242, %parallel_loop3A_243] {strides = array<i32>} : memref<80x256xf32, #tpu.memory_space<vmem>>, vector<16xf32>,
        %parallel_loop3A_245 = arith.index_cast %parallel_loop3A_216 : i32 to index
        %parallel_loop3A_246 = arith.constant 96 : index
        %parallel_loop3A_247 = tpu.vector_load %arg12[%parallel_loop3A_245, %parallel_loop3A_246] {strides = array<i32>} : memref<80x256xf32, #tpu.memory_space<vmem>>, vector<16xf32>,
        %parallel_loop3A_248 = arith.index_cast %parallel_loop3A_216 : i32 to index
        %parallel_loop3A_249 = arith.constant 112 : index
        %parallel_loop3A_250 = tpu.vector_load %arg12[%parallel_loop3A_248, %parallel_loop3A_249] {strides = array<i32>} : memref<80x256xf32, #tpu.memory_space<vmem>>, vector<16xf32>,
        %parallel_loop3A_251 = arith.index_cast %parallel_loop3A_216 : i32 to index
        %parallel_loop3A_252 = arith.constant 128 : index
        %parallel_loop3A_253 = tpu.vector_load %arg12[%parallel_loop3A_251, %parallel_loop3A_252] {strides = array<i32>} : memref<80x256xf32, #tpu.memory_space<vmem>>, vector<16xf32>,
        %parallel_loop3A_254 = arith.index_cast %parallel_loop3A_216 : i32 to index
        %parallel_loop3A_255 = arith.constant 144 : index
        %parallel_loop3A_256 = tpu.vector_load %arg12[%parallel_loop3A_254, %parallel_loop3A_255] {strides = array<i32>} : memref<80x256xf32, #tpu.memory_space<vmem>>, vector<16xf32>,
        %parallel_loop3A_257 = arith.index_cast %parallel_loop3A_216 : i32 to index
        %parallel_loop3A_258 = arith.constant 160 : index
        %parallel_loop3A_259 = tpu.vector_load %arg12[%parallel_loop3A_257, %parallel_loop3A_258] {strides = array<i32>} : memref<80x256xf32, #tpu.memory_space<vmem>>, vector<16xf32>,
        %parallel_loop3A_260 = arith.index_cast %parallel_loop3A_216 : i32 to index
        %parallel_loop3A_261 = arith.constant 176 : index
        %parallel_loop3A_262 = tpu.vector_load %arg12[%parallel_loop3A_260, %parallel_loop3A_261] {strides = array<i32>} : memref<80x256xf32, #tpu.memory_space<vmem>>, vector<16xf32>,
        %parallel_loop3A_263 = arith.index_cast %parallel_loop3A_216 : i32 to index
        %parallel_loop3A_264 = arith.constant 192 : index
        %parallel_loop3A_265 = tpu.vector_load %arg12[%parallel_loop3A_263, %parallel_loop3A_264] {strides = array<i32>} : memref<80x256xf32, #tpu.memory_space<vmem>>, vector<16xf32>,
        %parallel_loop3A_266 = arith.index_cast %parallel_loop3A_216 : i32 to index
        %parallel_loop3A_267 = arith.constant 208 : index
        %parallel_loop3A_268 = tpu.vector_load %arg12[%parallel_loop3A_266, %parallel_loop3A_267] {strides = array<i32>} : memref<80x256xf32, #tpu.memory_space<vmem>>, vector<16xf32>,
        %parallel_loop3A_269 = arith.index_cast %parallel_loop3A_216 : i32 to index
        %parallel_loop3A_270 = arith.constant 224 : index
        %parallel_loop3A_271 = tpu.vector_load %arg12[%parallel_loop3A_269, %parallel_loop3A_270] {strides = array<i32>} : memref<80x256xf32, #tpu.memory_space<vmem>>, vector<16xf32>,
        %parallel_loop3A_272 = arith.index_cast %parallel_loop3A_216 : i32 to index
        %parallel_loop3A_273 = arith.constant 240 : index
        %parallel_loop3A_274 = tpu.vector_load %arg12[%parallel_loop3A_272, %parallel_loop3A_273] {strides = array<i32>} : memref<80x256xf32, #tpu.memory_space<vmem>>, vector<16xf32>,
        %parallel_loop3A_275 = arith.mulf %parallel_loop3A_229, %get3A_11 : vector<16xf32>
        %parallel_loop3A_276 = arith.mulf %parallel_loop3A_232, %get3A_13 : vector<16xf32>
        %parallel_loop3A_277 = arith.mulf %parallel_loop3A_235, %get3A_15 : vector<16xf32>
        %parallel_loop3A_278 = arith.mulf %parallel_loop3A_238, %get3A_17 : vector<16xf32>
        %parallel_loop3A_279 = arith.mulf %parallel_loop3A_241, %get3A_19 : vector<16xf32>
        %parallel_loop3A_280 = arith.mulf %parallel_loop3A_244, %get3A_21 : vector<16xf32>
        %parallel_loop3A_281 = arith.mulf %parallel_loop3A_247, %get3A_23 : vector<16xf32>
        %parallel_loop3A_282 = arith.mulf %parallel_loop3A_250, %get3A_25 : vector<16xf32>
        %parallel_loop3A_283 = arith.mulf %parallel_loop3A_253, %get3A_27 : vector<16xf32>
        %parallel_loop3A_284 = arith.mulf %parallel_loop3A_256, %get3A_29 : vector<16xf32>
        %parallel_loop3A_285 = arith.mulf %parallel_loop3A_259, %get3A_31 : vector<16xf32>
        %parallel_loop3A_286 = arith.mulf %parallel_loop3A_262, %get3A_33 : vector<16xf32>
        %parallel_loop3A_287 = arith.mulf %parallel_loop3A_265, %get3A_35 : vector<16xf32>
        %parallel_loop3A_288 = arith.mulf %parallel_loop3A_268, %get3A_37 : vector<16xf32>
        %parallel_loop3A_289 = arith.mulf %parallel_loop3A_271, %get3A_39 : vector<16xf32>
        %parallel_loop3A_290 = arith.mulf %parallel_loop3A_274, %get3A_41 : vector<16xf32>
        %parallel_loop3A_291 = arith.addf %parallel_loop3A_275, %parallel_loop3A_276 : vector<16xf32>
        %parallel_loop3A_292 = arith.addf %parallel_loop3A_277, %parallel_loop3A_278 : vector<16xf32>
        %parallel_loop3A_293 = arith.addf %parallel_loop3A_279, %parallel_loop3A_280 : vector<16xf32>
        %parallel_loop3A_294 = arith.addf %parallel_loop3A_281, %parallel_loop3A_282 : vector<16xf32>
        %parallel_loop3A_295 = arith.addf %parallel_loop3A_283, %parallel_loop3A_284 : vector<16xf32>
        %parallel_loop3A_296 = arith.addf %parallel_loop3A_285, %parallel_loop3A_286 : vector<16xf32>
        %parallel_loop3A_297 = arith.addf %parallel_loop3A_287, %parallel_loop3A_288 : vector<16xf32>
        %parallel_loop3A_298 = arith.addf %parallel_loop3A_289, %parallel_loop3A_290 : vector<16xf32>
        %parallel_loop3A_299 = arith.addf %parallel_loop3A_291, %parallel_loop3A_292 : vector<16xf32>
        %parallel_loop3A_300 = arith.addf %parallel_loop3A_293, %parallel_loop3A_294 : vector<16xf32>
        %parallel_loop3A_301 = arith.addf %parallel_loop3A_295, %parallel_loop3A_296 : vector<16xf32>
        %parallel_loop3A_302 = arith.addf %parallel_loop3A_297, %parallel_loop3A_298 : vector<16xf32>
        %parallel_loop3A_303 = arith.addf %parallel_loop3A_299, %parallel_loop3A_300 : vector<16xf32>
        %parallel_loop3A_304 = arith.addf %parallel_loop3A_301, %parallel_loop3A_302 : vector<16xf32>
        %parallel_loop3A_305 = arith.addf %parallel_loop3A_303, %parallel_loop3A_304 : vector<16xf32>
        %parallel_loop3A_306 = arith.constant true
        %parallel_loop3A_307 = vector.broadcast %parallel_loop3A_306 : i1 to vector<16xi1>
        %parallel_loop3A_308 = tpu.scan <sum>, %parallel_loop3A_305 masked %parallel_loop3A_307 : vector<16xf32>, vector<16xi1> -> vector<16xf32>
        %parallel_loop3A_309 = vector.extract %parallel_loop3A_308[15] : f32 from vector<16xf32>
        %parallel_loop3A_310 = vector.broadcast %parallel_loop3A_309 : f32 to vector<16xf32>
        %parallel_loop3A_311 = arith.addf %parallel_loop3A_310, %get3A_43 : vector<16xf32>
        %parallel_loop3A_312 = arith.constant 0.000000e+00 : f32
        %parallel_loop3A_313 = vector.broadcast %parallel_loop3A_312 : f32 to vector<16xf32>
        %parallel_loop3A_314 = arith.subf %parallel_loop3A_313, %parallel_loop3A_311 : vector<16xf32>
        %parallel_loop3A_315 = math.exp %parallel_loop3A_314 : vector<16xf32>
        %parallel_loop3A_316 = arith.constant 1.000000e+00 : f32
        %parallel_loop3A_317 = vector.broadcast %parallel_loop3A_316 : f32 to vector<16xf32>
        %parallel_loop3A_318 = arith.addf %parallel_loop3A_317, %parallel_loop3A_315 : vector<16xf32>
        %parallel_loop3A_319 = arith.constant 1.000000e+00 : f32
        %parallel_loop3A_320 = vector.broadcast %parallel_loop3A_319 : f32 to vector<16xf32>
        %parallel_loop3A_321 = arith.divf %parallel_loop3A_320, %parallel_loop3A_318 : vector<16xf32>
        %parallel_loop3A_322 = arith.cmpi sge, %parallel_loop3A_217, %squeeze3A : i32
        %parallel_loop3A_323 = arith.cmpi slt, %parallel_loop3A_217, %squeeze3A_7 : i32
        %parallel_loop3A_324 = arith.andi %parallel_loop3A_322, %parallel_loop3A_323 : i1
        %parallel_loop3A_325 = arith.constant 1.000000e+00 : f32
        %parallel_loop3A_326 = arith.constant 0.000000e+00 : f32
        %parallel_loop3A_327 = arith.select %parallel_loop3A_324, %parallel_loop3A_325, %parallel_loop3A_326 : f32
        %parallel_loop3A_328 = vector.broadcast %parallel_loop3A_327 : f32 to vector<16xf32>
        %parallel_loop3A_329 = arith.mulf %parallel_loop3A_321, %parallel_loop3A_328 : vector<16xf32>
        %parallel_loop3A_330 = arith.index_cast %parallel_loop3A_216 : i32 to index
        %parallel_loop3A_331 = arith.constant 0 : index
        %parallel_loop3A_332 = tpu.vector_load %arg12[%parallel_loop3A_330, %parallel_loop3A_331] {strides = array<i32>} : memref<80x256xf32, #tpu.memory_space<vmem>>, vector<16xf32>,
        %parallel_loop3A_333 = arith.index_cast %parallel_loop3A_216 : i32 to index
        %parallel_loop3A_334 = arith.constant 16 : index
        %parallel_loop3A_335 = tpu.vector_load %arg12[%parallel_loop3A_333, %parallel_loop3A_334] {strides = array<i32>} : memref<80x256xf32, #tpu.memory_space<vmem>>, vector<16xf32>,
        %parallel_loop3A_336 = arith.index_cast %parallel_loop3A_216 : i32 to index
        %parallel_loop3A_337 = arith.constant 32 : index
        %parallel_loop3A_338 = tpu.vector_load %arg12[%parallel_loop3A_336, %parallel_loop3A_337] {strides = array<i32>} : memref<80x256xf32, #tpu.memory_space<vmem>>, vector<16xf32>,
        %parallel_loop3A_339 = arith.index_cast %parallel_loop3A_216 : i32 to index
        %parallel_loop3A_340 = arith.constant 48 : index
        %parallel_loop3A_341 = tpu.vector_load %arg12[%parallel_loop3A_339, %parallel_loop3A_340] {strides = array<i32>} : memref<80x256xf32, #tpu.memory_space<vmem>>, vector<16xf32>,
        %parallel_loop3A_342 = arith.index_cast %parallel_loop3A_216 : i32 to index
        %parallel_loop3A_343 = arith.constant 64 : index
        %parallel_loop3A_344 = tpu.vector_load %arg12[%parallel_loop3A_342, %parallel_loop3A_343] {strides = array<i32>} : memref<80x256xf32, #tpu.memory_space<vmem>>, vector<16xf32>,
        %parallel_loop3A_345 = arith.index_cast %parallel_loop3A_216 : i32 to index
        %parallel_loop3A_346 = arith.constant 80 : index
        %parallel_loop3A_347 = tpu.vector_load %arg12[%parallel_loop3A_345, %parallel_loop3A_346] {strides = array<i32>} : memref<80x256xf32, #tpu.memory_space<vmem>>, vector<16xf32>,
        %parallel_loop3A_348 = arith.index_cast %parallel_loop3A_216 : i32 to index
        %parallel_loop3A_349 = arith.constant 96 : index
        %parallel_loop3A_350 = tpu.vector_load %arg12[%parallel_loop3A_348, %parallel_loop3A_349] {strides = array<i32>} : memref<80x256xf32, #tpu.memory_space<vmem>>, vector<16xf32>,
        %parallel_loop3A_351 = arith.index_cast %parallel_loop3A_216 : i32 to index
        %parallel_loop3A_352 = arith.constant 112 : index
        %parallel_loop3A_353 = tpu.vector_load %arg12[%parallel_loop3A_351, %parallel_loop3A_352] {strides = array<i32>} : memref<80x256xf32, #tpu.memory_space<vmem>>, vector<16xf32>,
        %parallel_loop3A_354 = arith.index_cast %parallel_loop3A_216 : i32 to index
        %parallel_loop3A_355 = arith.constant 128 : index
        %parallel_loop3A_356 = tpu.vector_load %arg12[%parallel_loop3A_354, %parallel_loop3A_355] {strides = array<i32>} : memref<80x256xf32, #tpu.memory_space<vmem>>, vector<16xf32>,
        %parallel_loop3A_357 = arith.index_cast %parallel_loop3A_216 : i32 to index
        %parallel_loop3A_358 = arith.constant 144 : index
        %parallel_loop3A_359 = tpu.vector_load %arg12[%parallel_loop3A_357, %parallel_loop3A_358] {strides = array<i32>} : memref<80x256xf32, #tpu.memory_space<vmem>>, vector<16xf32>,
        %parallel_loop3A_360 = arith.index_cast %parallel_loop3A_216 : i32 to index
        %parallel_loop3A_361 = arith.constant 160 : index
        %parallel_loop3A_362 = tpu.vector_load %arg12[%parallel_loop3A_360, %parallel_loop3A_361] {strides = array<i32>} : memref<80x256xf32, #tpu.memory_space<vmem>>, vector<16xf32>,
        %parallel_loop3A_363 = arith.index_cast %parallel_loop3A_216 : i32 to index
        %parallel_loop3A_364 = arith.constant 176 : index
        %parallel_loop3A_365 = tpu.vector_load %arg12[%parallel_loop3A_363, %parallel_loop3A_364] {strides = array<i32>} : memref<80x256xf32, #tpu.memory_space<vmem>>, vector<16xf32>,
        %parallel_loop3A_366 = arith.index_cast %parallel_loop3A_216 : i32 to index
        %parallel_loop3A_367 = arith.constant 192 : index
        %parallel_loop3A_368 = tpu.vector_load %arg12[%parallel_loop3A_366, %parallel_loop3A_367] {strides = array<i32>} : memref<80x256xf32, #tpu.memory_space<vmem>>, vector<16xf32>,
        %parallel_loop3A_369 = arith.index_cast %parallel_loop3A_216 : i32 to index
        %parallel_loop3A_370 = arith.constant 208 : index
        %parallel_loop3A_371 = tpu.vector_load %arg12[%parallel_loop3A_369, %parallel_loop3A_370] {strides = array<i32>} : memref<80x256xf32, #tpu.memory_space<vmem>>, vector<16xf32>,
        %parallel_loop3A_372 = arith.index_cast %parallel_loop3A_216 : i32 to index
        %parallel_loop3A_373 = arith.constant 224 : index
        %parallel_loop3A_374 = tpu.vector_load %arg12[%parallel_loop3A_372, %parallel_loop3A_373] {strides = array<i32>} : memref<80x256xf32, #tpu.memory_space<vmem>>, vector<16xf32>,
        %parallel_loop3A_375 = arith.index_cast %parallel_loop3A_216 : i32 to index
        %parallel_loop3A_376 = arith.constant 240 : index
        %parallel_loop3A_377 = tpu.vector_load %arg12[%parallel_loop3A_375, %parallel_loop3A_376] {strides = array<i32>} : memref<80x256xf32, #tpu.memory_space<vmem>>, vector<16xf32>,
        %parallel_loop3A_378 = arith.mulf %parallel_loop3A_329, %parallel_loop3A_332 : vector<16xf32>
        %parallel_loop3A_379 = arith.mulf %parallel_loop3A_329, %parallel_loop3A_335 : vector<16xf32>
        %parallel_loop3A_380 = arith.mulf %parallel_loop3A_329, %parallel_loop3A_338 : vector<16xf32>
        %parallel_loop3A_381 = arith.mulf %parallel_loop3A_329, %parallel_loop3A_341 : vector<16xf32>
        %parallel_loop3A_382 = arith.mulf %parallel_loop3A_329, %parallel_loop3A_344 : vector<16xf32>
        %parallel_loop3A_383 = arith.mulf %parallel_loop3A_329, %parallel_loop3A_347 : vector<16xf32>
        %parallel_loop3A_384 = arith.mulf %parallel_loop3A_329, %parallel_loop3A_350 : vector<16xf32>
        %parallel_loop3A_385 = arith.mulf %parallel_loop3A_329, %parallel_loop3A_353 : vector<16xf32>
        %parallel_loop3A_386 = arith.mulf %parallel_loop3A_329, %parallel_loop3A_356 : vector<16xf32>
        %parallel_loop3A_387 = arith.mulf %parallel_loop3A_329, %parallel_loop3A_359 : vector<16xf32>
        %parallel_loop3A_388 = arith.mulf %parallel_loop3A_329, %parallel_loop3A_362 : vector<16xf32>
        %parallel_loop3A_389 = arith.mulf %parallel_loop3A_329, %parallel_loop3A_365 : vector<16xf32>
        %parallel_loop3A_390 = arith.mulf %parallel_loop3A_329, %parallel_loop3A_368 : vector<16xf32>
        %parallel_loop3A_391 = arith.mulf %parallel_loop3A_329, %parallel_loop3A_371 : vector<16xf32>
        %parallel_loop3A_392 = arith.mulf %parallel_loop3A_329, %parallel_loop3A_374 : vector<16xf32>
        %parallel_loop3A_393 = arith.mulf %parallel_loop3A_329, %parallel_loop3A_377 : vector<16xf32>
        %parallel_loop3A_394 = arith.index_cast %parallel_loop3A_226 : i32 to index
        %parallel_loop3A_395 = arith.constant 0 : index
        %parallel_loop3A_396 = tpu.vector_load %arg13[%parallel_loop3A_394, %parallel_loop3A_395] {strides = array<i32>} : memref<320x256xf32, #tpu.memory_space<vmem>>, vector<16xf32>,
        tpu.vector_store %arg13[%parallel_loop3A_394, %parallel_loop3A_395], %parallel_loop3A_378 {add = true, strides = array<i32>} : memref<320x256xf32, #tpu.memory_space<vmem>>, vector<16xf32>,
        %parallel_loop3A_397 = arith.index_cast %parallel_loop3A_226 : i32 to index
        %parallel_loop3A_398 = arith.constant 16 : index
        %parallel_loop3A_399 = tpu.vector_load %arg13[%parallel_loop3A_397, %parallel_loop3A_398] {strides = array<i32>} : memref<320x256xf32, #tpu.memory_space<vmem>>, vector<16xf32>,
        tpu.vector_store %arg13[%parallel_loop3A_397, %parallel_loop3A_398], %parallel_loop3A_379 {add = true, strides = array<i32>} : memref<320x256xf32, #tpu.memory_space<vmem>>, vector<16xf32>,
        %parallel_loop3A_400 = arith.index_cast %parallel_loop3A_226 : i32 to index
        %parallel_loop3A_401 = arith.constant 32 : index
        %parallel_loop3A_402 = tpu.vector_load %arg13[%parallel_loop3A_400, %parallel_loop3A_401] {strides = array<i32>} : memref<320x256xf32, #tpu.memory_space<vmem>>, vector<16xf32>,
        tpu.vector_store %arg13[%parallel_loop3A_400, %parallel_loop3A_401], %parallel_loop3A_380 {add = true, strides = array<i32>} : memref<320x256xf32, #tpu.memory_space<vmem>>, vector<16xf32>,
        %parallel_loop3A_403 = arith.index_cast %parallel_loop3A_226 : i32 to index
        %parallel_loop3A_404 = arith.constant 48 : index
        %parallel_loop3A_405 = tpu.vector_load %arg13[%parallel_loop3A_403, %parallel_loop3A_404] {strides = array<i32>} : memref<320x256xf32, #tpu.memory_space<vmem>>, vector<16xf32>,
        tpu.vector_store %arg13[%parallel_loop3A_403, %parallel_loop3A_404], %parallel_loop3A_381 {add = true, strides = array<i32>} : memref<320x256xf32, #tpu.memory_space<vmem>>, vector<16xf32>,
        %parallel_loop3A_406 = arith.index_cast %parallel_loop3A_226 : i32 to index
        %parallel_loop3A_407 = arith.constant 64 : index
        %parallel_loop3A_408 = tpu.vector_load %arg13[%parallel_loop3A_406, %parallel_loop3A_407] {strides = array<i32>} : memref<320x256xf32, #tpu.memory_space<vmem>>, vector<16xf32>,
        tpu.vector_store %arg13[%parallel_loop3A_406, %parallel_loop3A_407], %parallel_loop3A_382 {add = true, strides = array<i32>} : memref<320x256xf32, #tpu.memory_space<vmem>>, vector<16xf32>,
        %parallel_loop3A_409 = arith.index_cast %parallel_loop3A_226 : i32 to index
        %parallel_loop3A_410 = arith.constant 80 : index
        %parallel_loop3A_411 = tpu.vector_load %arg13[%parallel_loop3A_409, %parallel_loop3A_410] {strides = array<i32>} : memref<320x256xf32, #tpu.memory_space<vmem>>, vector<16xf32>,
        tpu.vector_store %arg13[%parallel_loop3A_409, %parallel_loop3A_410], %parallel_loop3A_383 {add = true, strides = array<i32>} : memref<320x256xf32, #tpu.memory_space<vmem>>, vector<16xf32>,
        %parallel_loop3A_412 = arith.index_cast %parallel_loop3A_226 : i32 to index
        %parallel_loop3A_413 = arith.constant 96 : index
        %parallel_loop3A_414 = tpu.vector_load %arg13[%parallel_loop3A_412, %parallel_loop3A_413] {strides = array<i32>} : memref<320x256xf32, #tpu.memory_space<vmem>>, vector<16xf32>,
        tpu.vector_store %arg13[%parallel_loop3A_412, %parallel_loop3A_413], %parallel_loop3A_384 {add = true, strides = array<i32>} : memref<320x256xf32, #tpu.memory_space<vmem>>, vector<16xf32>,
        %parallel_loop3A_415 = arith.index_cast %parallel_loop3A_226 : i32 to index
        %parallel_loop3A_416 = arith.constant 112 : index
        %parallel_loop3A_417 = tpu.vector_load %arg13[%parallel_loop3A_415, %parallel_loop3A_416] {strides = array<i32>} : memref<320x256xf32, #tpu.memory_space<vmem>>, vector<16xf32>,
        tpu.vector_store %arg13[%parallel_loop3A_415, %parallel_loop3A_416], %parallel_loop3A_385 {add = true, strides = array<i32>} : memref<320x256xf32, #tpu.memory_space<vmem>>, vector<16xf32>,
        %parallel_loop3A_418 = arith.index_cast %parallel_loop3A_226 : i32 to index
        %parallel_loop3A_419 = arith.constant 128 : index
        %parallel_loop3A_420 = tpu.vector_load %arg13[%parallel_loop3A_418, %parallel_loop3A_419] {strides = array<i32>} : memref<320x256xf32, #tpu.memory_space<vmem>>, vector<16xf32>,
        tpu.vector_store %arg13[%parallel_loop3A_418, %parallel_loop3A_419], %parallel_loop3A_386 {add = true, strides = array<i32>} : memref<320x256xf32, #tpu.memory_space<vmem>>, vector<16xf32>,
        %parallel_loop3A_421 = arith.index_cast %parallel_loop3A_226 : i32 to index
        %parallel_loop3A_422 = arith.constant 144 : index
        %parallel_loop3A_423 = tpu.vector_load %arg13[%parallel_loop3A_421, %parallel_loop3A_422] {strides = array<i32>} : memref<320x256xf32, #tpu.memory_space<vmem>>, vector<16xf32>,
        tpu.vector_store %arg13[%parallel_loop3A_421, %parallel_loop3A_422], %parallel_loop3A_387 {add = true, strides = array<i32>} : memref<320x256xf32, #tpu.memory_space<vmem>>, vector<16xf32>,
        %parallel_loop3A_424 = arith.index_cast %parallel_loop3A_226 : i32 to index
        %parallel_loop3A_425 = arith.constant 160 : index
        %parallel_loop3A_426 = tpu.vector_load %arg13[%parallel_loop3A_424, %parallel_loop3A_425] {strides = array<i32>} : memref<320x256xf32, #tpu.memory_space<vmem>>, vector<16xf32>,
        tpu.vector_store %arg13[%parallel_loop3A_424, %parallel_loop3A_425], %parallel_loop3A_388 {add = true, strides = array<i32>} : memref<320x256xf32, #tpu.memory_space<vmem>>, vector<16xf32>,
        %parallel_loop3A_427 = arith.index_cast %parallel_loop3A_226 : i32 to index
        %parallel_loop3A_428 = arith.constant 176 : index
        %parallel_loop3A_429 = tpu.vector_load %arg13[%parallel_loop3A_427, %parallel_loop3A_428] {strides = array<i32>} : memref<320x256xf32, #tpu.memory_space<vmem>>, vector<16xf32>,
        tpu.vector_store %arg13[%parallel_loop3A_427, %parallel_loop3A_428], %parallel_loop3A_389 {add = true, strides = array<i32>} : memref<320x256xf32, #tpu.memory_space<vmem>>, vector<16xf32>,
        %parallel_loop3A_430 = arith.index_cast %parallel_loop3A_226 : i32 to index
        %parallel_loop3A_431 = arith.constant 192 : index
        %parallel_loop3A_432 = tpu.vector_load %arg13[%parallel_loop3A_430, %parallel_loop3A_431] {strides = array<i32>} : memref<320x256xf32, #tpu.memory_space<vmem>>, vector<16xf32>,
        tpu.vector_store %arg13[%parallel_loop3A_430, %parallel_loop3A_431], %parallel_loop3A_390 {add = true, strides = array<i32>} : memref<320x256xf32, #tpu.memory_space<vmem>>, vector<16xf32>,
        %parallel_loop3A_433 = arith.index_cast %parallel_loop3A_226 : i32 to index
        %parallel_loop3A_434 = arith.constant 208 : index
        %parallel_loop3A_435 = tpu.vector_load %arg13[%parallel_loop3A_433, %parallel_loop3A_434] {strides = array<i32>} : memref<320x256xf32, #tpu.memory_space<vmem>>, vector<16xf32>,
        tpu.vector_store %arg13[%parallel_loop3A_433, %parallel_loop3A_434], %parallel_loop3A_391 {add = true, strides = array<i32>} : memref<320x256xf32, #tpu.memory_space<vmem>>, vector<16xf32>,
        %parallel_loop3A_436 = arith.index_cast %parallel_loop3A_226 : i32 to index
        %parallel_loop3A_437 = arith.constant 224 : index
        %parallel_loop3A_438 = tpu.vector_load %arg13[%parallel_loop3A_436, %parallel_loop3A_437] {strides = array<i32>} : memref<320x256xf32, #tpu.memory_space<vmem>>, vector<16xf32>,
        tpu.vector_store %arg13[%parallel_loop3A_436, %parallel_loop3A_437], %parallel_loop3A_392 {add = true, strides = array<i32>} : memref<320x256xf32, #tpu.memory_space<vmem>>, vector<16xf32>,
        %parallel_loop3A_439 = arith.index_cast %parallel_loop3A_226 : i32 to index
        %parallel_loop3A_440 = arith.constant 240 : index
        %parallel_loop3A_441 = tpu.vector_load %arg13[%parallel_loop3A_439, %parallel_loop3A_440] {strides = array<i32>} : memref<320x256xf32, #tpu.memory_space<vmem>>, vector<16xf32>,
        tpu.vector_store %arg13[%parallel_loop3A_439, %parallel_loop3A_440], %parallel_loop3A_393 {add = true, strides = array<i32>} : memref<320x256xf32, #tpu.memory_space<vmem>>, vector<16xf32>,
      } {sc.loop_unroll_factor = 1 : i64, sc.parallel_access}
    }
    %min3A_120 = arith.constant 1999 : i32
    %min3A_121 = arith.minsi %select_n3A, %min3A_120 : i32
    %mul3A_122 = arith.constant 80 : i32
    %mul3A_123 = arith.muli %min3A_121, %mul3A_122 : i32
    %dma_wait3A = arith.constant 0 : i32
    %dma_wait3A_124 = tpu.memref_slice %arg2[%mul3A_123, %dma_wait3A] : memref<160000x256xf32, #tpu.memory_space<hbm>> -> memref<80x256xf32, #tpu.memory_space<hbm>>
    %dma_wait3A_125 = arith.constant 0 : i32
    %dma_wait3A_126 = tpu.memref_slice %arg2[%mul3A_123, %dma_wait3A_125] : memref<160000x256xf32, #tpu.memory_space<hbm>> -> memref<80x256xf32, #tpu.memory_space<hbm>>
    tpu.wait_dma2 semaphore(%arg14 : memref<!tpu.dma_semaphore, #tpu.memory_space<semaphore_mem>>) src(%dma_wait3A_126 : memref<80x256xf32, #tpu.memory_space<hbm>>) dst(%arg11 : memref<80x256xf32, #tpu.memory_space<vmem>>)
    %dma_wait3A_127 = arith.constant 0 : i32
    %dma_wait3A_128 = tpu.memref_slice %arg9[%dma_wait3A_127] : memref<96xi32, #tpu.memory_space<vmem>> -> memref<80xi32, #tpu.memory_space<vmem>>
    %dma_wait3A_129 = tpu.memref_slice %arg3[%mul3A_123] : memref<160000xi32, #tpu.memory_space<hbm>> -> memref<80xi32, #tpu.memory_space<hbm>>
    %dma_wait3A_130 = arith.constant 0 : i32
    %dma_wait3A_131 = tpu.memref_slice %arg9[%dma_wait3A_130] : memref<96xi32, #tpu.memory_space<vmem>> -> memref<80xi32, #tpu.memory_space<vmem>>
    %dma_wait3A_132 = tpu.memref_slice %arg3[%mul3A_123] : memref<160000xi32, #tpu.memory_space<hbm>> -> memref<80xi32, #tpu.memory_space<hbm>>
    tpu.wait_dma2 semaphore(%arg16 : memref<!tpu.dma_semaphore, #tpu.memory_space<semaphore_mem>>) src(%dma_wait3A_132 : memref<80xi32, #tpu.memory_space<hbm>>) dst(%dma_wait3A_131 : memref<80xi32, #tpu.memory_space<vmem>>)
    %lt3A = arith.constant 31 : i32
    %lt3A_133 = arith.cmpi slt, %add3A, %lt3A : i32
    %convert_element_type3A = arith.extui %lt3A_133 : i1 to i32
    %cond3A = arith.constant 0 : i32
    %cond3A_134 = arith.cmpi ne, %convert_element_type3A, %cond3A : i32
    scf.if %cond3A_134 {
      "tpu.region"() ({
        %run_scoped3A = tpu.sem_alloc : memref<!tpu.dma_semaphore, #tpu.memory_space<semaphore_mem>>
        %dma_start3A_139 = arith.constant 0 : i32
        %dma_start3A_140 = tpu.memref_slice %arg6[%mul3A_9, %dma_start3A_139] : memref<10000x256xf32, #tpu.memory_space<hbm>> -> memref<320x256xf32, #tpu.memory_space<hbm>>
        %dma_start3A_141 = arith.constant 0 : i32
        %dma_start3A_142 = tpu.memref_slice %arg6[%mul3A_9, %dma_start3A_141] : memref<10000x256xf32, #tpu.memory_space<hbm>> -> memref<320x256xf32, #tpu.memory_space<hbm>>
        tpu.enqueue_dma source(%arg13 : memref<320x256xf32, #tpu.memory_space<vmem>>) target(%dma_start3A_142 : memref<320x256xf32, #tpu.memory_space<hbm>>) target_semaphore(%run_scoped3A : memref<!tpu.dma_semaphore, #tpu.memory_space<semaphore_mem>>)
        %dma_wait3A_143 = arith.constant 0 : i32
        %dma_wait3A_144 = tpu.memref_slice %arg6[%mul3A_9, %dma_wait3A_143] : memref<10000x256xf32, #tpu.memory_space<hbm>> -> memref<320x256xf32, #tpu.memory_space<hbm>>
        %dma_wait3A_145 = arith.constant 0 : i32
        %dma_wait3A_146 = tpu.memref_slice %arg6[%mul3A_9, %dma_wait3A_145] : memref<10000x256xf32, #tpu.memory_space<hbm>> -> memref<320x256xf32, #tpu.memory_space<hbm>>
        tpu.wait_dma2 semaphore(%run_scoped3A : memref<!tpu.dma_semaphore, #tpu.memory_space<semaphore_mem>>) src(%arg13 : memref<320x256xf32, #tpu.memory_space<vmem>>) dst(%dma_wait3A_146 : memref<320x256xf32, #tpu.memory_space<hbm>>)
        tpu.yield
      }) : () -> ()
    } else {
    }
    %eq3A = arith.constant 31 : i32
    %eq3A_135 = arith.cmpi eq, %add3A, %eq3A : i32
    %convert_element_type3A_136 = arith.extui %eq3A_135 : i1 to i32
    %cond3A_137 = arith.constant 0 : i32
    %cond3A_138 = arith.cmpi ne, %convert_element_type3A_136, %cond3A_137 : i32
    scf.if %cond3A_138 {
      "tpu.region"() ({
        %run_scoped3A = tpu.sem_alloc : memref<!tpu.dma_semaphore, #tpu.memory_space<semaphore_mem>>
        %dma_start3A_139 = arith.constant 0 : i32
        %dma_start3A_140 = arith.constant 0 : i32
        %dma_start3A_141 = tpu.memref_slice %arg13[%dma_start3A_139, %dma_start3A_140] : memref<320x256xf32, #tpu.memory_space<vmem>> -> memref<80x256xf32, #tpu.memory_space<vmem>>
        %dma_start3A_142 = arith.constant 0 : i32
        %dma_start3A_143 = tpu.memref_slice %arg6[%mul3A_9, %dma_start3A_142] : memref<10000x256xf32, #tpu.memory_space<hbm>> -> memref<80x256xf32, #tpu.memory_space<hbm>>
        %dma_start3A_144 = arith.constant 0 : i32
        %dma_start3A_145 = tpu.memref_slice %arg6[%mul3A_9, %dma_start3A_144] : memref<10000x256xf32, #tpu.memory_space<hbm>> -> memref<80x256xf32, #tpu.memory_space<hbm>>
        %dma_start3A_146 = arith.constant 0 : i32
        %dma_start3A_147 = arith.constant 0 : i32
        %dma_start3A_148 = tpu.memref_slice %arg13[%dma_start3A_146, %dma_start3A_147] : memref<320x256xf32, #tpu.memory_space<vmem>> -> memref<80x256xf32, #tpu.memory_space<vmem>>
        tpu.enqueue_dma source(%dma_start3A_148 : memref<80x256xf32, #tpu.memory_space<vmem>>) target(%dma_start3A_145 : memref<80x256xf32, #tpu.memory_space<hbm>>) target_semaphore(%run_scoped3A : memref<!tpu.dma_semaphore, #tpu.memory_space<semaphore_mem>>)
        %dma_wait3A_149 = arith.constant 0 : i32
        %dma_wait3A_150 = arith.constant 0 : i32
        %dma_wait3A_151 = tpu.memref_slice %arg13[%dma_wait3A_149, %dma_wait3A_150] : memref<320x256xf32, #tpu.memory_space<vmem>> -> memref<80x256xf32, #tpu.memory_space<vmem>>
        %dma_wait3A_152 = arith.constant 0 : i32
        %dma_wait3A_153 = tpu.memref_slice %arg6[%mul3A_9, %dma_wait3A_152] : memref<10000x256xf32, #tpu.memory_space<hbm>> -> memref<80x256xf32, #tpu.memory_space<hbm>>
        %dma_wait3A_154 = arith.constant 0 : i32
        %dma_wait3A_155 = tpu.memref_slice %arg6[%mul3A_9, %dma_wait3A_154] : memref<10000x256xf32, #tpu.memory_space<hbm>> -> memref<80x256xf32, #tpu.memory_space<hbm>>
        %dma_wait3A_156 = arith.constant 0 : i32
        %dma_wait3A_157 = arith.constant 0 : i32
        %dma_wait3A_158 = tpu.memref_slice %arg13[%dma_wait3A_156, %dma_wait3A_157] : memref<320x256xf32, #tpu.memory_space<vmem>> -> memref<80x256xf32, #tpu.memory_space<vmem>>
        tpu.wait_dma2 semaphore(%run_scoped3A : memref<!tpu.dma_semaphore, #tpu.memory_space<semaphore_mem>>) src(%dma_wait3A_158 : memref<80x256xf32, #tpu.memory_space<vmem>>) dst(%dma_wait3A_155 : memref<80x256xf32, #tpu.memory_space<hbm>>)
        tpu.yield
      }) : () -> ()
    } else {
    }
    return
  }
}

</mosaic_0001>

<sc_bundles>
// kernel: kernel.3.cloned.1.call-start
scs
__scs_entry_jumppad:
0x0: {  	(pc) =	sbr.rel $0x88, $3  }
0x1: {  	(tag) =	ssettag $0x0;
	lr =	simm.s32 $0x1  }
0x2: {  	[smem:$0x3F9D] =	sst lr;
	_ =	strace $0xD0000000  }
0x3: {  	_ = 	snop  }
0x4: {  	_ = 	snop  }
0x5: {  	_ = 	snop  }
0x6: {  	_ = 	snop  }
0x7: {  	_ = 	snop  }
__scs_overlays_trampoline_lowered:
0x8: {  	[smem:$0x3FAC] =	sst s0  }
0x9: {  	[smem:$0x3FAD] =	sst s1  }
0xa: {  	[smem:$0x3FAE] =	sst s2  }
0xb: {  	[smem:$0x3FAF] =	sst s3  }
0xc: {  	[smem:$0x3FB0] =	sst s4  }
0xd: {  	[smem:$0x3FB1] =	sst s5  }
0xe: {  	[smem:$0x3FB2] =	sst s6  }
0xf: {  	[smem:$0x3FB3] =	sst s7  }
0x10: {  	[smem:$0x3FB4] =	sst s8  }
0x11: {  	[smem:$0x3FB5] =	sst s9;
	s0 =	simm.s32 @!p0 $0x0  }
0x12: {  	s1 =	sld [smem:$0x3F9B];
	s0 =	simm.s32 @p0 $0x1  }
0x13: {  	[smem:$0x3FB6] =	sst s0;
	s0 =	simm.s32 @!p1 $0x0  }
0x14: {  	s2 =	sld [smem:$0x3F9A];
	s0 =	simm.s32 @p1 $0x1  }
0x15: {  	[smem:$0x3FB7] =	sst s0;
	s0 =	simm.s32 @!p2 $0x0  }
0x16: {  	s3 =	sld [smem:$0x3FDB];
	s0 =	simm.s32 @p2 $0x1  }
0x17: {  	s4 =	simm.s32 $0x1BF5;
	[smem:$0x3FB9] =	sst s0  }
0x18: {  	s0 =	sld [smem:$0x3F9C];
	_ =	swait.ge [sflag:s4], $0x0  }
0x19: {  	s7 =	sld [smem:$0x3F9D]  }
0x1a: {  	s8 =	sadd.s32 $0xFFFFE003, lr  }
0x1b: {  	s9 =	sadd.s32 $0xFFFFFEF7, lr;
	s5 =	simm.s32 $0xFFFFFFFF;
	p2 =	slt.u32 s8, $0xFFFFF086  }
0x1c: {  	p1 =	slt.u32 s9, $0xF7A;
	s5 =	simm.s32 @!p2 $0x0  }
0x1d: {  	s5 =	simm.s32 @p1 $0x1;
	p0 =	seq.s32 s7, s2  }
0x1e: {  	s7 =	smul.u32 @!p0 $0xF7A, s2;
	p2 =	seq.s32 @!p0 s5, $0x0  }
0x1f: {  	s9 =	smul.u32 $0xF7A, s1;
	s8 =	simm.s32 @!p0 $0x1BF5;
	p2 =	por !p2, p0  }
0x20: {  	[sflag:s8] =	ssyncset.s32 @!p0 $0xFFFFF086;
	s6 =	sadd.s32 @!p0 s3, s7;
	s7 =	simm.s32 @!p0 $0x108  }
0x21: {  	s3 =	sadd.s32 s3, s9;
	s6 =	sadd.s32 @!p0 $0x88, s6;
	s7 =	simm.s32 @p2 $0x1082  }
0x22: {  	[simem:s7], [sflag:s8] =	dma.local @!p0 [hbm:s6], $0xF7A  }
0x23: {  	s9 =	sor.u32 $0xD0000000, s2;
	s6 =	simm.s32 $0x108;
	_ =	swait.ge @!p0 [sflag:s8], $0x0  }
0x24: {  	s3 =	sadd.s32 $0x88, s3;
	s6 =	simm.s32 @!p1 $0x1082;
	[sflag:s4] =	ssyncset.s32 $0xFFFFF086  }
0x25: {  	[simem:s6], [sflag:s4] =	dma.local [hbm:s3], $0xF7A  }
0x26: {  	[smem:$0x3F9D] =	sst s1;
	(tag) =	ssettag s2;
	_ =	strace s9  }
0x27: {  	s1 =	sld [smem:$0x3FAD]  }
0x28: {  	s2 =	sld [smem:$0x3FAE]  }
0x29: {  	s4 =	sld [smem:$0x3FB0]  }
0x2a: {  	p0 =	seq.s32 s5, $0x0;
	s5 =	sld [smem:$0x3FB1]  }
0x2b: {  	s6 =	sld [smem:$0x3FB2]  }
0x2c: {  	s7 =	sld [smem:$0x3FB3]  }
0x2d: {  	s3 =	simm.s32 $0x108;
	s8 =	sld [smem:$0x3FB4]  }
0x2e: {  	s3 =	simm.s32 @!p0 $0x1082;
	s9 =	sld [smem:$0x3FB5]  }
0x2f: {  	lr =	sadd.s32 s0, s3;
	s0 =	sld [smem:$0x3FAC]  }
0x30: {  	s3 =	sld [smem:$0x3FAF]  }
0x31: {  	[smem:$0x3FB8] =	sst s10  }
0x32: {  	s10 =	sld [smem:$0x3FB6];
	_ =	sdelay $0x3  }
0x33: {  	p0 =	seq.s32 s10, $0x1;
	s10 =	sld [smem:$0x3FB8];
	_ =	sdelay $0x3  }
0x34: {  	[smem:$0x3FB8] =	sst s10  }
0x35: {  	s10 =	sld [smem:$0x3FB7];
	_ =	sdelay $0x3  }
0x36: {  	p1 =	seq.s32 s10, $0x1;
	s10 =	sld [smem:$0x3FB8];
	_ =	sdelay $0x3  }
0x37: {  	[smem:$0x3FB8] =	sst s10  }
0x38: {  	s10 =	sld [smem:$0x3FB9]  }
0x39: {  	_ = 	snop;
	(pc) =	sbr.ind lr, $3  }
0x3a: {  	_ = 	snop  }
0x3b: {  	_ = 	snop  }
0x3c: {  	p2 =	seq.s32 s10, $0x1;
	s10 =	sld [smem:$0x3FB8]  }
0x3d: {  	_ =	shalt  }
0x3e: {  	_ =	shalt  }
0x3f: {  	_ =	shalt  }
0x40: {  	_ =	shalt  }
0x41: {  	_ =	shalt  }
0x42: {  	_ =	shalt  }
0x43: {  	_ =	shalt  }
0x44: {  	_ =	shalt  }
0x45: {  	_ =	shalt  }
0x46: {  	_ =	shalt  }
0x47: {  	_ =	shalt  }
0x48: {  	_ =	shalt  }
0x49: {  	_ =	shalt  }
0x4a: {  	_ =	shalt  }
0x4b: {  	_ =	shalt  }
0x4c: {  	_ =	shalt  }
0x4d: {  	_ =	shalt  }
0x4e: {  	_ =	shalt  }
0x4f: {  	_ =	shalt  }
0x50: {  	_ =	shalt  }
0x51: {  	_ =	shalt  }
0x52: {  	_ =	shalt  }
0x53: {  	_ =	shalt  }
0x54: {  	_ =	shalt  }
0x55: {  	_ =	shalt  }
0x56: {  	_ =	shalt  }
0x57: {  	_ =	shalt  }
0x58: {  	_ =	shalt  }
0x59: {  	_ =	shalt  }
0x5a: {  	_ =	shalt  }
0x5b: {  	_ =	shalt  }
0x5c: {  	_ =	shalt  }
0x5d: {  	_ =	shalt  }
0x5e: {  	_ =	shalt  }
0x5f: {  	_ =	shalt  }
0x60: {  	_ =	shalt  }
0x61: {  	_ =	shalt  }
0x62: {  	_ =	shalt  }
0x63: {  	_ =	shalt  }
0x64: {  	_ =	shalt  }
0x65: {  	_ =	shalt  }
0x66: {  	_ =	shalt  }
0x67: {  	_ =	shalt  }
0x68: {  	_ =	shalt  }
0x69: {  	_ =	shalt  }
0x6a: {  	_ =	shalt  }
0x6b: {  	_ =	shalt  }
0x6c: {  	_ =	shalt  }
0x6d: {  	_ =	shalt  }
0x6e: {  	_ =	shalt  }
0x6f: {  	_ =	shalt  }
0x70: {  	_ =	shalt  }
0x71: {  	_ =	shalt  }
0x72: {  	_ =	shalt  }
0x73: {  	_ =	shalt  }
0x74: {  	_ =	shalt  }
0x75: {  	_ =	shalt  }
0x76: {  	_ =	shalt  }
0x77: {  	_ =	shalt  }
0x78: {  	_ =	shalt  }
0x79: {  	_ =	shalt  }
0x7a: {  	_ =	shalt  }
0x7b: {  	_ =	shalt  }
0x7c: {  	_ =	shalt  }
0x7d: {  	_ =	shalt  }
0x7e: {  	_ =	shalt  }
0x7f: {  	_ =	shalt  }
0x80: {  	_ =	shalt  }
0x81: {  	_ =	shalt  }
0x82: {  	_ =	shalt  }
0x83: {  	_ =	shalt  }
0x84: {  	_ =	shalt  }
0x85: {  	_ =	shalt  }
0x86: {  	_ =	shalt  }
0x87: {  	_ =	shalt  }
.Lfunc_end0:
.L_simem_size_0:
called_computation_lowered:
.L_overlay_start_0:
0x88: {  	s2 =	sld [smem:$0x3FD9]  }
0x89: {  	s3 =	sld [smem:$0x3FFE];
	_ =	sdelay $0x1  }
0x8a: {  	s1 =	srdreg.scid  }
0x8b: {  	s0 =	sand.u32 $0x1, s1  }
0x8c: {  	s17 =	sshll.u32 s0, $0xA;
	s2 =	sadd.s32 s3, s2  }
0x8d: {  	s2 =	sadd.s32 s2, s17  }
0x8e: {  	[smem:$0x3FC4] =	sst s2  }
0x8f: {  	_ = 	snop  }
0x90: {  	s2 =	sld [smem:$0x3FC9]  }
0x91: {  	s18 =	sld [smem:$0x3FC8]  }
0x92: {  	s4 =	sld [smem:$0x3FD0];
	(tm) =	ssettm $0x1  }
0x93: {  	s5 =	sld [smem:$0x3FFB];
	_ =	sdelay $0x3  }
0x94: {  	_ =	strace s5  }
0x95: {  	s5 =	sld [smem:$0x3FFC];
	_ =	sdelay $0x3  }
0x96: {  	_ =	strace s5  }
0x97: {  	s5 =	sld [smem:$0x3FFD];
	_ =	sdelay $0x3  }
0x98: {  	_ =	strace s5  }
0x99: {  	_ =	strace $0x8FFFFFFF  }
0x9a: {  	s19 =	sld [smem:$0x3FDB];
	_ =	sdelay $0x1  }
0x9b: {  	s6 =	simm.s32 $_scs_section_size  }
0x9c: {  	s7 =	simm.s32 $_size__tile_overlayer_lowered;
	s8 =	simm.s32 $_tile_overlayer_lowered  }
0x9d: {  	s22 =	simm.s32 $0x1BFF;
	s21 =	sshll.u32 s8, $0x1;
	s5 =	sadd.s32 s6, s19  }
0x9e: {  	s9 =	simm.s32 $0x0;
	s20 =	sshll.u32 s7, $0x1;
	s7 =	sadd.s32 s21, s5  }
0x9f: {  	[timem:s9], [sflag:s22] =	dma.local [hbm:s7], s20  }
0xa0: {  	_ =	swait.ge [sflag:s22], s20  }
0xa1: {  	s6 =	ssub.s32 $0x0, s20;
	[sflag:s22] =	ssyncset.done $0x0  }
0xa2: {  	[sflag:s22] =	ssyncadd.s32 s6;
	_ =	sdelay $0x1  }
0xa3: {  	s23 =	simm.s32 $0x1B8B  }
0xa4: {  	_ =	swait.ge [sflag:s23], $0x1  }
0xa5: {  	[sflag:s23] =	ssyncset.done $0x0  }
0xa6: {  	s25 =	simm.s32 $0x1B8E;
	s24 =	sld [smem:$0x3FFE];
	[sflag:s23] =	ssyncadd.s32 $0xFFFFFFFF  }
0xa7: {  	s26 =	simm.s32 $execute0_lowered;
	[smem:$0x3FD2] =	sst s25  }
0xa8: {  	s7 =	sshll.u32 s26, $0x1;
	_ =	strace $0x80000046;
	[dreg:$0x1] =	wrdreg $0xFFFFFFFF  }
0xa9: {  	s28 =	simm.s32 $_size_execute0_lowered;
	s5 =	sadd.s32 s5, s7;
	[dreg:$0x0] =	wrdreg $0x0  }
0xaa: {  	s7 =	sshll.u32 s28, $0x1;
	[dreg:$0x2] =	wrdreg s5  }
0xab: {  	[dreg:$0x3] =	wrdreg s7  }
0xac: {  	[dreg:$0x4] =	wrdreg $0xC0  }
0xad: {  	_ =	task [dreg:s9], $0x5FFFF  }
0xae: {  	[dreg:$0x1] =	wrdreg $0xFFFFFFFF  }
0xaf: {  	[dreg:$0x0] =	wrdreg $0x60  }
0xb0: {  	[dreg:$0x2] =	wrdreg s2  }
0xb1: {  	[dreg:$0x3] =	wrdreg s18  }
0xb2: {  	[dreg:$0x4] =	wrdreg s24  }
0xb3: {  	[dreg:$0x5] =	wrdreg s4  }
0xb4: {  	[dreg:$0x6] =	wrdreg $0x9  }
0xb5: {  	_ =	task.clear_ibuf [dreg:s9], $0x7FFFF;
	_ =	strace $0x90000046  }
0xb6: {  	s29 =	simm.s32 $0x9;
	_ =	strace $0x80000048  }
0xb7: {  	_ =	swait.ge [sflag:s29], $0x1  }
0xb8: {  	[sflag:s29] =	ssyncadd.s32 $0xFFFFFFFF  }
0xb9: {  	_ =	strace $0x90000048  }
0xba: {  	_ =	sfence  }
0xbb: {  	s30 =	sld [smem:$0x0];
	_ =	sdelay $0x2  }
0xbc: {  	s31 =	sshll.u32 s1, $0xD;
	s1 =	sshrl.u32 s1, $0x2  }
0xbd: {  	s3 =	sand.u32 $0x4000, s31;
	s1 =	sadd.s32 s1, s30  }
0xbe: {  	s0 =	sor.u32 s3, s0;
	s1 =	sshll.u32 s1, $0x11  }
0xbf: {  	s0 =	sor.u32 s1, s0  }
0xc0: {  	s0 =	sadd.s32 $0x8F2B, s0  }
0xc1: {  	[sflag:s0] =	ssyncadd.remote.s32 $0x1  }
0xc2: {  	_ =	sfence.sel $0xFFFF  }
0xc3: {  	[dreg:$0x0] =	wrdreg $0xFFFFFFFF;
	(pc) =	sbr.abs _section_cstart, $3  }
0xc4: {  	[dreg:$0x1] =	wrdreg $0xFFFFFFFF  }
0xc5: {  	_ =	task.clear_ibuf [dreg:s9], $0x2FFFF;
	_ =	strace $0x9FFFFFFF  }
0xc6: {  	(tm) =	ssettm $0x7FFFFFFF  }
0xc7: {  	_ =	shalt  }
tec
execute0_lowered:
.L_overlay_start_1:
0x0: {  	(tag) =	ssettag $0x1  }
0x1: {  	s1 =	rddreg [dreg:$0x0]  }
0x2: {  	s2 =	rddreg [dreg:$0x1]  }
0x3: {  	s6 =	rddreg [dreg:$0x2]  }
0x4: {  	s0 =	rddreg [dreg:$0x3]  }
0x5: {  	s3 =	srdreg.scid;
	s4 =	stileid.u32  }
0x6: {  	s5 =	simm.s32 $0x0;
	s13 =	simm.s32 $0x5;
	s14 =	simm.s32 $0x1  }
0x7: {  	s15 =	simm.s32 $0x300;
	s16 =	simm.s32 $0x200;
	s17 =	simm.s32 $0x5300  }
0x8: {  	s18 =	simm.s32 $0x280;
	s19 =	simm.s32 $0x3;
	s20 =	simm.s32 $0x2  }
0x9: {  	s21 =	simm.s32 $0x4;
	s3 =	sand.u32 $0x1, s3;
	s4 =	sshll.u32 s4, $0x1  }
0xa: {  	s22 =	simm.s32 $0x0;
	[smem:$0x7FF] =	sst s5;
	s9 =	sor.u32 s3, s4  }
0xb: {  	s6 =	sadd.s32 $0x200, s6;
	s7 =	ssub.s32 $0x2, s3;
	s4 =	smul.u32 $0x2800, s9  }
.Ltmp0:
0xc: {  	_ =	strace $0x80000047;
	[dreg:$0x6] =	wrdreg s6;
	(pc) =	sbr.rel .LBB2_1-.Ltmp0, $4  }
0xd: {  	s29 =	sshrl.u32 s7, $0x1;
	[dreg:$0x5] =	wrdreg s9;
	s4 =	sadd.s32 s0, s4  }
0xe: {  	s3 =	ssub.s32 s7, s29;
	s0 =	sadd.s32 $0x4D800, s0;
	[dreg:$0x7] =	wrdreg s4  }
0xf: {  	s30 =	simm.s32 $0x0;
	s31 =	smax.u32 s3, $0x1;
	[dreg:$0x8] =	wrdreg s0  }
0x10: {  	v2 =	vimm.f32 $0.0e+00;
	s8 =	smul.u32 $0x140, s9;
	p0 =	seq.s32 s9, $0x1F;
	[dreg:$0x9] =	wrdreg s31  }
.LBB2_10:
0x11: {  	_ =	swait.ge [sflag:s14], $0x5000  }
0x12: {  	[sflag:s14] =	ssyncset.done $0x0  }
0x13: {  	[sflag:s14] =	ssyncadd.s32 $0xFFFFB000  }
0x14: {  	_ =	swait.ge [sflag:s19], $0x50  }
0x15: {  	s0 =	simm.s32 @p0 $0x0;
	[sflag:s19] =	ssyncset.done $0x0  }
0x16: {  	s3 =	simm.s32 @p0 $0xA300;
	s4 =	rddreg [dreg:$0x8];
	[sflag:s19] =	ssyncadd.s32 $0xFFFFFFB0  }
0x17: {  	[hbm4b:s4+s0] =	stream.linear.scatter @p0 [tilespmem:s3], [sflag:$0x5], $0x5000, $0x38;
	[tilespmem:$0x1E300] =	vst v63  }
0x18: {  	s0 =	simm.s32 @p0 $0x5  }
0x19: {  	_ =	swait.ge @p0 [sflag:s0], $0x5000  }
0x1a: {  	s3 =	simm.s32 @!p0 $0xA300;
	[sflag:s0] =	ssyncset.done @p0 $0x0  }
0x1b: {  	s4 =	rddreg [dreg:$0x7];
	[sflag:s0] =	ssyncadd.s32 @p0 $0xFFFFB000;
	s0 =	simm.s32 @!p0 $0x0  }
0x1c: {  	[hbm4b:s4+s0] =	stream.linear.scatter @!p0 [tilespmem:s3], [sflag:$0x5], $0x14000, $0x38;
	[tilespmem:$0x1E300] =	vst v63  }
0x1d: {  	s0 =	simm.s32 @!p0 $0x5  }
0x1e: {  	_ =	swait.ge @!p0 [sflag:s0], $0x14000  }
0x1f: {  	s22 =	sadd.s32 $0x1, s22;
	s31 =	rddreg [dreg:$0x9]  }
0x20: {  	p1 =	sne.s32 s22, s31  }
.Ltmp1:
0x21: {  	_ = 	snop;
	(pc) =	sbr.rel @!p1 .LBB2_11-.Ltmp1, $3  }
0x22: {  	_ =	sdelay $0x1  }
0x23: {  	[sflag:s0] =	ssyncset.done @!p0 $0x0  }
0x24: {  	v2 =	vimm.f32 $0.0e+00;
	[sflag:s0] =	ssyncadd.s32 @!p0 $0xFFFEC000  }
.LBB2_1:
0x25: {  	s0 =	rddreg [dreg:$0x2];
	s3 =	simm.s32 $0x180  }
0x26: {  	[tilespmem:s3], [sflag:$0x5] =	stream.linear.gather [hbm4b:s0+s5], $0x80, $0x38;
	[tilespmem:$0x1E300] =	vst v63  }
0x27: {  	_ =	swait.ge [sflag:s13], $0x80  }
0x28: {  	[sflag:s13] =	ssyncset.done $0x0  }
0x29: {  	s26 =	rddreg [dreg:$0x6];
	[sflag:s13] =	ssyncadd.s32 $0xFFFFFF80  }
0x2a: {  	[tilespmem:s5], [sflag:$0x5] =	stream.linear.gather [hbm4b:s26+s5], $0x180, $0x38;
	[tilespmem:$0x1E300] =	vst v63  }
0x2b: {  	_ =	swait.ge [sflag:s13], $0x180  }
0x2c: {  	[sflag:s13] =	ssyncset.done $0x0  }
0x2d: {  	s28 =	rddreg [dreg:$0x5];
	[sflag:s13] =	ssyncadd.s32 $0xFFFFFE80  }
0x2e: {  	v0 =	vld [tilespmem:s28+$0x180]  }
0x2f: {  	v1 =	vld [tilespmem:s28+$0x181]  }
0x30: {  	v15 =	vld [tilespmem:$0x0]  }
0x31: {  	v16 =	vld [tilespmem:$0x10]  }
0x32: {  	v17 =	vld [tilespmem:$0x20]  }
0x33: {  	v56 =	vld [tilespmem:$0x30]  }
0x34: {  	v33 =	vld [tilespmem:$0x40]  }
0x35: {  	v5 =	vld [tilespmem:$0x50]  }
0x36: {  	v10 =	vld [tilespmem:$0x60]  }
0x37: {  	v12 =	vld [tilespmem:$0x70]  }
0x38: {  	v13 =	vld [tilespmem:$0x80]  }
0x39: {  	v14 =	vld [tilespmem:$0x90]  }
0x3a: {  	v44 =	vld [tilespmem:$0xA0]  }
0x3b: {  	v6 =	vld [tilespmem:$0xB0]  }
0x3c: {  	v54 =	vld [tilespmem:$0xC0]  }
0x3d: {  	v55 =	vld [tilespmem:$0xD0]  }
0x3e: {  	s29 =	sand.u32 $0x1F800, s5;
	s31 =	sand.u32 $0x380, s5;
	v29 =	vld [tilespmem:$0xE0]  }
0x3f: {  	s3 =	sor.u32 s31, s29;
	v30 =	vld [tilespmem:$0xF0]  }
0x40: {  	v41 =	vld [tilespmem:$0x100];
	[tilespmem:s3+$0xA770] =	vst v2  }
0x41: {  	[tilespmem:s3+$0xA300] =	vst v2  }
0x42: {  	[tilespmem:s3+$0xA310] =	vst v2  }
0x43: {  	[tilespmem:s3+$0xA320] =	vst v2  }
0x44: {  	[tilespmem:s3+$0xA330] =	vst v2  }
0x45: {  	[tilespmem:s3+$0xA340] =	vst v2  }
0x46: {  	[tilespmem:s3+$0xA350] =	vst v2  }
0x47: {  	[tilespmem:s3+$0xA360] =	vst v2  }
0x48: {  	[tilespmem:s3+$0xA370] =	vst v2  }
0x49: {  	[tilespmem:s3+$0xA700] =	vst v2  }
0x4a: {  	[tilespmem:s3+$0xA710] =	vst v2  }
0x4b: {  	[tilespmem:s3+$0xA720] =	vst v2  }
0x4c: {  	[tilespmem:s3+$0xA730] =	vst v2  }
0x4d: {  	[tilespmem:s3+$0xA740] =	vst v2  }
0x4e: {  	s4 =	simm.s32 $0x100;
	s0 =	simm.s32 $0x80;
	[tilespmem:s3+$0xA750] =	vst v2  }
0x4f: {  	s7 =	sand.u32 $0x1F800, s4;
	s4 =	simm.s32 $0x200;
	s9 =	sand.u32 $0x380, s0;
	[tilespmem:$0x1FFF0] =	vst v6  }
.LBB2_2:
0x50: {  	p1 =	sne.s32 s4, $0x13F00;
	[tilespmem:s3+$0xA760] =	vst v2;
	s3 =	sor.u32 s9, s7  }
0x51: {  	[tilespmem:s3+$0xA770] =	vst v2  }
0x52: {  	[tilespmem:s3+$0xA300] =	vst v2  }
0x53: {  	[tilespmem:s3+$0xA310] =	vst v2  }
0x54: {  	[tilespmem:s3+$0xA320] =	vst v2  }
0x55: {  	[tilespmem:s3+$0xA330] =	vst v2  }
0x56: {  	[tilespmem:s3+$0xA340] =	vst v2  }
0x57: {  	[tilespmem:s3+$0xA350] =	vst v2  }
0x58: {  	[tilespmem:s3+$0xA360] =	vst v2  }
0x59: {  	[tilespmem:s3+$0xA370] =	vst v2  }
0x5a: {  	[tilespmem:s3+$0xA700] =	vst v2  }
.Ltmp2:
0x5b: {  	[tilespmem:s3+$0xA710] =	vst v2;
	(pc) =	sbr.rel @p1 .LBB2_2-.Ltmp2, $4  }
0x5c: {  	[tilespmem:s3+$0xA720] =	vst v2  }
0x5d: {  	[tilespmem:s3+$0xA730] =	vst v2  }
0x5e: {  	s0 =	sadd.s32 $0x80, s0;
	[tilespmem:s3+$0xA740] =	vst v2  }
0x5f: {  	s7 =	sand.u32 $0x1F800, s4;
	s4 =	sadd.s32 $0x100, s4;
	s9 =	sand.u32 $0x380, s0;
	[tilespmem:s3+$0xA750] =	vst v2  }
0x60: {  	(v2sf) =	vpush v0, $0x0;
	_ =	sdelay $0x9  }
0x61: {  	(v2sf) =	vpush v1, $0x0;
	_ =	sdelay $0x4  }
0x62: {  	s23 =	spop (v2sf)  }
0x63: {  	s0 =	smulhi.u32 $0x66666667, s23;
	s4 =	sshra.s32 s23, $0x1F  }
0x64: {  	s4 =	smul.u32 $0x66666667, s4;
	_ =	sdelay $0x1  }
0x65: {  	s0 =	sadd.s32 s4, s0  }
0x66: {  	s4 =	sshrl.u32 s0, $0x1F;
	s0 =	sshra.s32 s0, $0x5  }
0x67: {  	[tilespmem:s3+$0xA760] =	vst v2;
	s0 =	sadd.s32 s4, s0;
	s4 =	sor.u32 s9, s7  }
0x68: {  	[tilespmem:s4+$0xA770] =	vst v2  }
0x69: {  	[tilespmem:s4+$0xA300] =	vst v2  }
0x6a: {  	[tilespmem:s4+$0xA310] =	vst v2  }
0x6b: {  	s24 =	spop (v2sf);
	[tilespmem:s4+$0xA320] =	vst v2  }
0x6c: {  	s25 =	sadd.s32 $0x4F, s24;
	s12 =	smul.u32 $0xFFFFFFB0, s0;
	[tilespmem:s4+$0xA330] =	vst v2  }
0x6d: {  	s26 =	ssub.s32 $0x0, s23;
	s10 =	smulhi.u32 $0x66666667, s25;
	s7 =	sshra.s32 s25, $0x1F;
	[tilespmem:s4+$0xA340] =	vst v2  }
0x6e: {  	p1 =	slt.s32 s23, $0x1;
	s28 =	smul.u32 $0x66666667, s7;
	[tilespmem:s4+$0xA350] =	vst v2;
	p2 =	sne.s32 s12, s26  }
0x6f: {  	[tilespmem:s4+$0xA360] =	vst v2;
	p1 =	por !p1, !p2  }
0x70: {  	s7 =	simm.s32 $0x1;
	[tilespmem:s4+$0xA370] =	vst v2;
	s3 =	sadd.s32 s28, s10;
	p1 =	por !p1, !p1  }
0x71: {  	[tilespmem:s4+$0xA700] =	vst v2;
	s29 =	sshrl.u32 s3, $0x1F;
	s3 =	sshra.s32 s3, $0x5;
	s7 =	simm.s32 @!p1 $0x0  }
0x72: {  	[tilespmem:s4+$0xA710] =	vst v2;
	s3 =	sadd.s32 s29, s3;
	s25 =	ssub.s32 s0, s7  }
0x73: {  	[tilespmem:s4+$0xA720] =	vst v2;
	p2 =	sgt.s32 s3, s25;
	s7 =	smov.u32 s25  }
0x74: {  	[tilespmem:s4+$0xA730] =	vst v2;
	s7 =	smov.u32 @p2 s3  }
0x75: {  	[tilespmem:s4+$0xA740] =	vst v2;
	s3 =	ssub.s32 s7, s25  }
0x76: {  	[tilespmem:s4+$0xA750] =	vst v2;
	s7 =	sadd.s32 $0x1, s3;
	p2 =	slt.u32 s3, $0x7FFFFFFF;
	s3 =	simm.s32 $0x1  }
0x77: {  	[tilespmem:s4+$0xA760] =	vst v2;
	s4 =	simm.s32 $0x1;
	s3 =	simm.s32 @!p2 $0x0;
	s31 =	sshra.s32 s7, $0x1F  }
0x78: {  	s10 =	smov.u32 s25;
	s6 =	sand.u32 $0x1, s7;
	s3 =	sadd.s32 s3, s31  }
0x79: {  	p2 =	slt.s32 s25, $0x7CF;
	p3 =	seq.s32 s6, $0x1;
	p6 =	sne.s32 s3, $0x1  }
0x7a: {  	s12 =	sshrl.u32 s7, $0x1F;
	s10 =	simm.s32 @!p2 $0x7CF;
	p2 =	por !p6, !p3  }
0x7b: {  	s7 =	sadd.s32 s12, s7;
	s26 =	smul.u32 $0x50, s10;
	p2 =	por !p2, !p2  }
0x7c: {  	s28 =	sshra.s32 s7, $0x1;
	s4 =	simm.s32 @!p2 $0x0  }
0x7d: {  	s11 =	smul.u32 $0x5000, s10;
	s29 =	sshrl.u32 s26, $0x3;
	s26 =	ssub.s32 s28, s4  }
0x7e: {  	p2 =	slt.s32 s26, $0x1  }
.Ltmp3:
0x7f: {  	s3 =	sshrl.u32 s11, $0x3;
	(pc) =	sbr.rel @p2 .LBB2_10-.Ltmp3, $4  }
0x80: {  	s3 =	sadd.s32 s1, s3  }
0x81: {  	[tilespmem:s15], [sflag:$0x1] =	stream.linear.gather [hbm4b:s3+s5], $0x5000, $0x38;
	[tilespmem:$0x1E300] =	vst v63  }
0x82: {  	s31 =	sadd.s32 s2, s29  }
0x83: {  	v11 =	vld [tilespmem:$0x1FFF0];
	[tilespmem:s16], [sflag:$0x3] =	stream.linear.gather [hbm4b:s31+s5], $0x50, $0x38  }
0x84: {  	[tilespmem:$0x1FEF0] =	vst v56  }
0x85: {  	[tilespmem:$0x1FF00] =	vst v33  }
0x86: {  	[tilespmem:$0x1FF10] =	vst v5  }
0x87: {  	[tilespmem:$0x1FF20] =	vst v54  }
0x88: {  	[tilespmem:$0x1FF30] =	vst v55  }
0x89: {  	[tilespmem:$0x1FF40] =	vst v29  }
0x8a: {  	[tilespmem:$0x1FF50] =	vst v30  }
0x8b: {  	[tilespmem:$0x1FF60] =	vst v41  }
0x8c: {  	[tilespmem:$0x1FF70] =	vst v44  }
0x8d: {  	[tilespmem:$0x1FF80] =	vst v12  }
0x8e: {  	s3 =	simm.s32 $0xFFFFFFFF;
	[tilespmem:$0x1FF90] =	vst v10  }
0x8f: {  	[tilespmem:$0x1FFA0] =	vst v17;
	s3 =	simm.s32 @!p1 $0x0  }
0x90: {  	[tilespmem:$0x1FFB0] =	vst v16;
	s0 =	sadd.s32 s3, s0  }
0x91: {  	[tilespmem:$0x1FFC0] =	vst v15;
	s0 =	smul.u32 $0x50, s0  }
0x92: {  	[tilespmem:$0x1FFD0] =	vst v13  }
0x93: {  	s28 =	smul.u32 $0x50, s25;
	s31 =	simm.s32 $0x0;
	[tilespmem:$0x1FFE0] =	vst v14;
	s29 =	sadd.s32 $0x50, s0  }
.LBB2_5:
0x94: {  	s0 =	sshll.u32 s31, $0x1  }
0x95: {  	s0 =	sadd.s32 s25, s0  }
0x96: {  	s3 =	sadd.s32 $0x1, s0  }
0x97: {  	p1 =	slt.s32 s3, $0x7CF  }
0x98: {  	s3 =	simm.s32 @!p1 $0x7CF  }
0x99: {  	s4 =	smul.u32 $0x5000, s3  }
0x9a: {  	s3 =	smul.u32 $0x50, s3  }
0x9b: {  	s4 =	sshrl.u32 s4, $0x3  }
0x9c: {  	s3 =	sshrl.u32 s3, $0x3;
	s4 =	sadd.s32 s1, s4  }
0x9d: {  	[tilespmem:s17], [sflag:$0x2] =	stream.linear.gather [hbm4b:s4+s30], $0x5000, $0x38;
	[tilespmem:$0x1E300] =	vst v63  }
0x9e: {  	s3 =	sadd.s32 s2, s3  }
0x9f: {  	[tilespmem:s18], [sflag:$0x4] =	stream.linear.gather [hbm4b:s3+s30], $0x50, $0x38;
	[tilespmem:$0x1E300] =	vst v63  }
0xa0: {  	_ =	swait.ge [sflag:s14], $0x5000  }
0xa1: {  	[sflag:s14] =	ssyncset.done $0x0  }
0xa2: {  	[sflag:s14] =	ssyncadd.s32 $0xFFFFB000  }
0xa3: {  	_ =	swait.ge [sflag:s19], $0x50  }
0xa4: {  	s11 =	sand.u32 $0x7800, s30;
	s12 =	sand.u32 $0x380, s30;
	[sflag:s19] =	ssyncset.done $0x0  }
0xa5: {  	s3 =	sor.u32 s12, s11;
	[sflag:s19] =	ssyncadd.s32 $0xFFFFFFB0  }
0xa6: {  	v19 =	vld [tilespmem:s3+$0x300]  }
0xa7: {  	v34 =	vld [tilespmem:s3+$0x310]  }
0xa8: {  	v26 =	vld [tilespmem:s3+$0x320]  }
0xa9: {  	v27 =	vld [tilespmem:s3+$0x330]  }
0xaa: {  	v57 =	vld [tilespmem:s3+$0x340]  }
0xab: {  	v58 =	vld [tilespmem:s3+$0x350]  }
0xac: {  	v51 =	vld [tilespmem:s3+$0x360]  }
0xad: {  	v49 =	vld [tilespmem:s3+$0x370]  }
0xae: {  	v48 =	vld [tilespmem:s3+$0x700]  }
0xaf: {  	v47 =	vld [tilespmem:s3+$0x710]  }
0xb0: {  	v31 =	vld [tilespmem:s3+$0x760]  }
0xb1: {  	v46 =	vld [tilespmem:s3+$0x720]  }
0xb2: {  	v50 =	vld [tilespmem:s3+$0x730]  }
0xb3: {  	v52 =	vld [tilespmem:s3+$0x740];
	v0 =	vmul.f32 v19, v15;
	v1 =	vmul.f32 v34, v16  }
0xb4: {  	v45 =	vld [tilespmem:s3+$0x750];
	v2 =	vmul.f32 v26, v17;
	v3 =	vmul.f32 v27, v56  }
0xb5: {  	v6 =	vmov v5;
	v4 =	vmul.f32 v57, v33;
	v5 =	vmul.f32 v58, v5;
	[tilespmem:$0x1FEA0] =	vst v31  }
0xb6: {  	v25 =	vmov v6;
	v6 =	vmul.f32 v51, v10;
	v8 =	vmul.f32 v49, v12;
	v7 =	vld [tilespmem:s3+$0x770]  }
0xb7: {  	v9 =	vmul.f32 v48, v13;
	v18 =	vmul.f32 v47, v14  }
0xb8: {  	v20 =	vmul.f32 v46, v44;
	v21 =	vmul.f32 v50, v11  }
0xb9: {  	v22 =	vmul.f32 v52, v54;
	v23 =	vmul.f32 v45, v55  }
0xba: {  	v28 =	vmul.f32 v31, v29;
	v0 =	vadd.f32 v1, v0;
	v1 =	vadd.f32 v3, v2  }
0xbb: {  	v3 =	vadd.f32 v5, v4;
	v4 =	vadd.f32 v8, v6;
	v2 =	vmul.f32 v7, v30  }
0xbc: {  	v5 =	vadd.f32 v18, v9;
	v6 =	vadd.f32 v21, v20  }
0xbd: {  	v8 =	vadd.f32 v23, v22;
	v2 =	vadd.f32 v2, v28  }
0xbe: {  	s6 =	simm.s32 $0x100;
	s7 =	simm.s32 $0x80;
	v0 =	vadd.f32 v1, v0;
	v1 =	vadd.f32 v4, v3  }
0xbf: {  	s4 =	sand.u32 $0x380, s7;
	s3 =	sand.u32 $0x7800, s6;
	v3 =	vadd.f32 v6, v5;
	v2 =	vadd.f32 v2, v8  }
0xc0: {  	s3 =	sor.u32 s4, s3  }
0xc1: {  	v0 =	vadd.f32 v1, v0;
	v1 =	vadd.f32 v2, v3;
	v3 =	vld [tilespmem:s3+$0x320];
	_ =	sdelay $0x3  }
0xc2: {  	v53 =	vld [tilespmem:s3+$0x300]  }
0xc3: {  	v59 =	vld [tilespmem:s3+$0x310];
	[tilespmem:$0x1FEB0] =	vst v3  }
0xc4: {  	v4 =	vld [tilespmem:s3+$0x330];
	_ =	sdelay $0x4  }
0xc5: {  	[tilespmem:$0x1FEC0] =	vst v4  }
0xc6: {  	v0 =	vadd.f32 v1, v0;
	v6 =	vld [tilespmem:s3+$0x340];
	_ =	sdelay $0x1  }
0xc7: {  	(xrf2) =	vadd.scan.msk.f32 $0xffff, v0;
	_ =	sdelay $0x2  }
0xc8: {  	[tilespmem:$0x1FED0] =	vst v6  }
0xc9: {  	v21 =	vld [tilespmem:s3+$0x350];
	_ =	sdelay $0x4  }
0xca: {  	[tilespmem:$0x1FEE0] =	vst v21  }
0xcb: {  	v0, _, _ =	vpop (xrf2);
	v8 =	vld [tilespmem:s3+$0x360]  }
0xcc: {  	v0 =	vbroadcast v0, $0xF;
	v9 =	vld [tilespmem:s3+$0x370]  }
0xcd: {  	v22 =	vld [tilespmem:s3+$0x700]  }
0xce: {  	v0 =	vadd.f32 v0, v41;
	v23 =	vld [tilespmem:s3+$0x710]  }
0xcf: {  	v20 =	vld [tilespmem:s3+$0x720]  }
0xd0: {  	v18 =	vmov v29;
	v2 =	vmul.f32 v59, v16;
	v0 =	vsub.f32 $0.0e+00, v0;
	v29 =	vld [tilespmem:s3+$0x730]  }
0xd1: {  	v1 =	vmul.f32 v53, v15;
	v3 =	vmul.f32 v3, v17;
	v31 =	vld [tilespmem:s3+$0x740]  }
0xd2: {  	v4 =	vmul.f32 v4, v56;
	v0 =	vmul.f32 $1.442695020e+00, v0;
	v28 =	vld [tilespmem:s3+$0x750]  }
0xd3: {  	v1 =	vadd.f32 v2, v1;
	v5 =	vmul.f32 v6, v33;
	v36 =	vld [tilespmem:s3+$0x760]  }
0xd4: {  	v2 =	vadd.f32 v4, v3;
	v6 =	vmul.f32 v21, v25;
	v21 =	vmovc v25;
	(erf) = vpow2.f32 v0;
	v61 =	vld [tilespmem:s3+$0x770]  }
0xd5: {  	v39 =	vmovc v8;
	v8 =	vmul.f32 v8, v10;
	v24 =	vmov v9;
	v9 =	vmul.f32 v9, v12;
	[tilespmem:$0x1FE50] =	vst v20  }
0xd6: {  	v25 =	vmovc v22;
	v22 =	vmul.f32 v22, v13;
	v37 =	vmov v23;
	v23 =	vmul.f32 v23, v14;
	[tilespmem:$0x1FE70] =	vst v31  }
0xd7: {  	v4 =	vadd.f32 v6, v5;
	v0 =	vmul.f32 v20, v44;
	v31 =	vmul.f32 v31, v54;
	[tilespmem:$0x1FE80] =	vst v28  }
0xd8: {  	v20 =	vmovc v11;
	v11 =	vmov v30;
	v28 =	vmul.f32 v28, v55;
	[tilespmem:$0x1FE90] =	vst v36;
	v36 =	vmul.f32 v36, v18  }
0xd9: {  	s9 =	simm.s32 $0x200;
	[tilespmem:$0x1FE60] =	vst v29;
	v30 =	vmul.f32 v29, v20;
	v3 =	vmul.f32 v61, v11;
	v5 =	vadd.f32 v9, v8  }
0xda: {  	v6 =	vadd.f32 v23, v22;
	v8 =	vld [tilespmem:s9+$0x0];
	v9 =	vadd.f32 v28, v31  }
0xdb: {  	v0 =	vadd.f32 v30, v0;
	v3 =	vadd.f32 v3, v36  }
0xdc: {  	v1 =	vadd.f32 v2, v1;
	v2 =	vadd.f32 v5, v4  }
0xdd: {  	v0 =	vadd.f32 v0, v6;
	v3 =	vadd.f32 v3, v9  }
0xde: {  	v1 =	vadd.f32 v2, v1  }
0xdf: {  	v0 =	vadd.f32 v3, v0;
	(v2sf) =	vpush v8, $0x0  }
0xe0: {  	v2 =	vpop (erf)  }
0xe1: {  	v2 =	vadd.f32 $1.000000000e+00, v2;
	v0 =	vadd.f32 v0, v1;
	_ =	sdelay $0x1  }
0xe2: {  	s10 =	simm.s32 $0x200;
	s11 =	simm.s32 $0x100;
	(erf) = vrcp.f32 v2;
	(xrf2) =	vadd.scan.msk.f32 $0xffff, v0  }
0xe3: {  	s7 =	simm.s32 $0x201;
	s4 =	sand.u32 $0x380, s11;
	s3 =	sand.u32 $0x7800, s10  }
0xe4: {  	s4 =	sor.u32 s4, s3;
	v43 =	vld [tilespmem:s7+$0x0]  }
0xe5: {  	v29 =	vld [tilespmem:s4+$0x300]  }
0xe6: {  	v40 =	vld [tilespmem:s4+$0x330]  }
0xe7: {  	v42 =	vld [tilespmem:s4+$0x350]  }
0xe8: {  	v38 =	vld [tilespmem:s4+$0x360]  }
0xe9: {  	v30 =	vld [tilespmem:s4+$0x750]  }
0xea: {  	p1 =	slt.s32 s28, s24;
	s3 =	simm.f32 $1.000000000e+00;
	v22 =	vld [tilespmem:s4+$0x310]  }
0xeb: {  	p2 =	sge.s32 s28, s23;
	s3 =	simm.s32 @!p1 $0x0;
	v6 =	vld [tilespmem:s4+$0x340];
	v1 =	vpop (erf)  }
0xec: {  	s3 =	simm.s32 @!p2 $0x0;
	v8 =	vld [tilespmem:s4+$0x710];
	v2, _, _ =	vpop (xrf2)  }
0xed: {  	v31 =	vld [tilespmem:s4+$0x320];
	v1 =	vmul.f32 s3, v1;
	v2 =	vbroadcast v2, $0xF;
	s12 =	spop (v2sf)  }
0xee: {  	v23 =	vld [tilespmem:s4+$0x370];
	v55 =	vmul.f32 v30, v55;
	s3 =	ssub.s32 s12, s8  }
0xef: {  	v0 =	vld [tilespmem:s4+$0x700];
	v3 =	vmul.f32 v1, v19;
	v4 =	vmul.f32 v1, v7;
	v2 =	vadd.f32 v2, v41;
	p1 =	sgt.s32 s3, $0x0  }
0xf0: {  	v28 =	vld [tilespmem:s4+$0x730];
	v5 =	vmul.f32 v1, v34;
	v34 =	vmov v6;
	v6 =	vmul.f32 v1, v26;
	s3 =	simm.s32 @!p1 $0x0  }
0xf1: {  	v36 =	vld [tilespmem:s4+$0x720];
	v7 =	vmul.f32 v1, v27;
	v27 =	vmovc v8;
	v8 =	vmul.f32 v1, v57;
	v2 =	vsub.f32 $0.0e+00, v2;
	s3 =	smin.u32 s3, $0x13F  }
0xf2: {  	v32 =	vmov v29;
	v9 =	vmul.f32 v1, v58;
	v57 =	vmul.f32 v29, v15;
	v29 =	vld [tilespmem:s4+$0x740];
	s6 =	sshll.u32 s3, $0x8;
	s3 =	sshll.u32 s3, $0x7  }
0xf3: {  	v58 =	vmul.f32 v22, v16;
	v19 =	vld [tilespmem:s4+$0x760];
	v2 =	vmul.f32 $1.442695020e+00, v2;
	s7 =	sand.u32 $0x1F800, s6;
	s3 =	sand.u32 $0x380, s3  }
0xf4: {  	(v2sf) =	vpush v43, $0x0;
	v26 =	vmovc v0;
	v0 =	vmul.f32 v42, v21;
	v63 =	vmul.f32 v34, v33;
	v33 =	vmovc v42;
	v42 =	vld [tilespmem:s4+$0x770];
	s3 =	sor.u32 s3, s7  }
0xf5: {  	v43 =	vadd.f32 v58, v57;
	v57 =	vmul.f32 v27, v14;
	(erf) = vpow2.f32 v2;
	[tilespmem:s3+$0xA770] =	vst.add.f32.msk $0xffff, v4  }
0xf6: {  	v2 =	vmul.f32 v38, v10;
	v4 =	vmul.f32 v23, v12;
	[tilespmem:s3+$0xA300] =	vst.add.f32.msk $0xffff, v3  }
0xf7: {  	v3 =	vmul.f32 v26, v13;
	[tilespmem:s3+$0xA310] =	vst.add.f32.msk $0xffff, v5;
	v5 =	vmul.f32 v36, v44  }
0xf8: {  	v44 =	vmul.f32 v28, v20;
	[tilespmem:s3+$0xA320] =	vst.add.f32.msk $0xffff, v6;
	v6 =	vmul.f32 v29, v54  }
0xf9: {  	[tilespmem:s3+$0xA330] =	vst.add.f32.msk $0xffff, v7;
	v7 =	vmul.f32 v19, v18;
	v2 =	vadd.f32 v4, v2;
	v4 =	vmul.f32 v42, v11  }
0xfa: {  	v3 =	vadd.f32 v57, v3;
	v6 =	vadd.f32 v55, v6  }
0xfb: {  	v5 =	vadd.f32 v44, v5;
	v4 =	vadd.f32 v4, v7  }
0xfc: {  	v62 =	vmul.f32 v40, v56;
	v35 =	vmov v22;
	v60 =	vmul.f32 v31, v17  }
0xfd: {  	v22 =	vmovc v41;
	v41 =	vmovc v40;
	v40 =	vmov v38;
	v3 =	vadd.f32 v5, v3;
	v4 =	vadd.f32 v4, v6  }
0xfe: {  	v0 =	vadd.f32 v0, v63;
	v38 =	vmov v36;
	v36 =	vadd.f32 v62, v60;
	v6 =	vpop (erf)  }
0xff: {  	v3 =	vadd.f32 v4, v3;
	v4 =	vadd.f32 $1.000000000e+00, v6  }
0x100: {  	[tilespmem:s3+$0xA350] =	vst.add.f32.msk $0xffff, v9;
	v9 =	vadd.f32 v36, v43;
	v0 =	vadd.f32 v2, v0  }
0x101: {  	[tilespmem:s3+$0xA340] =	vst.add.f32.msk $0xffff, v8;
	v8 =	vmul.f32 v1, v51;
	(erf) = vrcp.f32 v4  }
0x102: {  	v7 =	vmul.f32 v1, v49;
	v0 =	vadd.f32 v0, v9  }
0x103: {  	[tilespmem:s3+$0xA360] =	vst.add.f32.msk $0xffff, v8;
	v2 =	vmul.f32 v1, v48  }
0x104: {  	v5 =	vmul.f32 v1, v47;
	[tilespmem:s3+$0xA370] =	vst.add.f32.msk $0xffff, v7;
	v0 =	vadd.f32 v3, v0  }
0x105: {  	s9 =	simm.s32 $0x300;
	s7 =	simm.s32 $0x180;
	v7 =	vmul.f32 v1, v46;
	[tilespmem:s3+$0xA700] =	vst.add.f32.msk $0xffff, v2  }
0x106: {  	s9 =	sand.u32 $0x7800, s9;
	s10 =	sand.u32 $0x380, s7;
	v2 =	vmul.f32 v1, v50;
	[tilespmem:s3+$0xA710] =	vst.add.f32.msk $0xffff, v5;
	(xrf2) =	vadd.scan.msk.f32 $0xffff, v0  }
0x107: {  	s12 =	sadd.s32 $0x1, s28;
	s11 =	sor.u32 s10, s9;
	v5 =	vmul.f32 v1, v52;
	s10 =	spop (v2sf);
	[tilespmem:s3+$0xA720] =	vst.add.f32.msk $0xffff, v7  }
0x108: {  	p1 =	slt.s32 s12, s24;
	[tilespmem:s3+$0xA730] =	vst.add.f32.msk $0xffff, v2;
	s9 =	ssub.s32 s10, s8;
	s10 =	simm.f32 $1.000000000e+00;
	v6 =	vmul.f32 v1, v45  }
0x109: {  	p3 =	sge.s32 s12, s23;
	[tilespmem:s3+$0xA740] =	vst.add.f32.msk $0xffff, v5;
	s10 =	simm.s32 @!p1 $0x0  }
0x10a: {  	s10 =	simm.s32 @!p3 $0x0;
	[tilespmem:s3+$0xA750] =	vst.add.f32.msk $0xffff, v6;
	v0 =	vpop (erf)  }
0x10b: {  	s4 =	simm.s32 $0x202;
	v57 =	vmul.f32 s10, v0;
	v0 =	vld [tilespmem:$0x1FEA0]  }
0x10c: {  	v60 =	vld [tilespmem:s4+$0x0]  }
0x10d: {  	v44 =	vld [tilespmem:s11+$0x300]  }
0x10e: {  	v43 =	vld [tilespmem:s11+$0x330]  }
0x10f: {  	v51 =	vld [tilespmem:s11+$0x700]  }
0x110: {  	v54 =	vld [tilespmem:s11+$0x730];
	v58 =	vmul.f32 v1, v0;
	v0, _, _ =	vpop (xrf2)  }
0x111: {  	v4 =	vbroadcast v0, $0xF;
	v0 =	vld [tilespmem:$0x1FEB0]  }
0x112: {  	v55 =	vld [tilespmem:s11+$0x740];
	p2 =	sgt.s32 s9, $0x0  }
0x113: {  	v47 =	vld [tilespmem:s11+$0x340];
	s9 =	simm.s32 @!p2 $0x0  }
0x114: {  	v48 =	vld [tilespmem:s11+$0x350];
	s9 =	smin.u32 s9, $0x13F  }
0x115: {  	v46 =	vld [tilespmem:s11+$0x320];
	s6 =	sshll.u32 s9, $0x8;
	s9 =	sshll.u32 s9, $0x7  }
0x116: {  	s9 =	sand.u32 $0x380, s9;
	s10 =	sand.u32 $0x1F800, s6;
	v3 =	vmul.f32 v57, v61;
	v2 =	vmul.f32 v57, v0;
	v0 =	vld [tilespmem:$0x1FEC0]  }
0x117: {  	v45 =	vld [tilespmem:s11+$0x310];
	s9 =	sor.u32 s9, s10  }
0x118: {  	v7 =	vadd.f32 v4, v22;
	[tilespmem:s9+$0xA770] =	vst.add.f32.msk $0xffff, v3  }
0x119: {  	v3 =	vld [tilespmem:$0x1FEE0]  }
0x11a: {  	v1 =	vmul.f32 v57, v59;
	v59 =	vsub.f32 $0.0e+00, v7;
	v7 =	vld [tilespmem:$0x1FF00]  }
0x11b: {  	v61 =	vmul.f32 v57, v0;
	v0 =	vld [tilespmem:$0x1FED0]  }
0x11c: {  	v49 =	vld [tilespmem:s11+$0x360];
	v8 =	vmul.f32 v48, v21  }
0x11d: {  	v50 =	vld [tilespmem:s11+$0x370];
	v5 =	vmul.f32 v46, v17;
	v6 =	vmul.f32 v43, v56  }
0x11e: {  	v52 =	vld [tilespmem:s11+$0x710];
	v63 =	vmul.f32 v57, v53;
	v4 =	vmul.f32 v45, v16  }
0x11f: {  	v56 =	vld [tilespmem:s11+$0x750];
	v62 =	vmul.f32 v57, v3;
	v3 =	vmul.f32 v44, v15  }
0x120: {  	v18 =	vmov v20;
	s10 =	simm.s32 $0x400;
	v53 =	vld [tilespmem:s11+$0x720];
	v7 =	vmul.f32 v47, v7;
	v0 =	vmul.f32 v57, v0  }
.LBB2_6:
0x121: {  	v9 =	vld [tilespmem:s11+$0x760]  }
0x122: {  	v11 =	vmul.f32 $1.442695020e+00, v59;
	v59 =	vld [tilespmem:s11+$0x770]  }
0x123: {  	[tilespmem:s9+$0xA300] =	vst.add.f32.msk $0xffff, v63  }
0x124: {  	[tilespmem:s9+$0xA310] =	vst.add.f32.msk $0xffff, v1  }
0x125: {  	v1 =	vld [tilespmem:$0x1FF20]  }
0x126: {  	[tilespmem:s9+$0xA320] =	vst.add.f32.msk $0xffff, v2  }
0x127: {  	v2 =	vld [tilespmem:$0x1FF40]  }
0x128: {  	v36 =	vmovc v34;
	v34 =	vmov v31;
	v3 =	vadd.f32 v4, v3;
	v4 =	vadd.f32 v6, v5;
	v5 =	vld [tilespmem:$0x1FF50]  }
0x129: {  	v31 =	vmovc v30;
	v30 =	vmovc v29;
	v29 =	vmov v28;
	v28 =	vmov v27;
	(erf) = vpow2.f32 v11;
	v11 =	vld [tilespmem:$0x1FF70]  }
0x12a: {  	v27 =	vmovc v26;
	v63 =	vmul.f32 v54, v18;
	v18 =	vmovc v17;
	v17 =	vmov v16;
	v16 =	vmov v15;
	v15 =	vld [tilespmem:$0x1FF30]  }
0x12b: {  	v26 =	vmovc v23;
	v23 =	vmovc v19;
	v19 =	vmov v10;
	v10 =	vmul.f32 v49, v10;
	v20 =	vmul.f32 v50, v12  }
0x12c: {  	v21 =	vmul.f32 v51, v13;
	v22 =	vmul.f32 v52, v14  }
0x12d: {  	v6 =	vadd.f32 v8, v7;
	v7 =	vadd.f32 v20, v10;
	v1 =	vmul.f32 v55, v1  }
0x12e: {  	[tilespmem:s9+$0xA340] =	vst.add.f32.msk $0xffff, v0;
	v0 =	vadd.f32 v22, v21;
	v2 =	vmul.f32 v9, v2;
	v5 =	vmul.f32 v59, v5  }
0x12f: {  	[tilespmem:s9+$0xA330] =	vst.add.f32.msk $0xffff, v61;
	v3 =	vadd.f32 v4, v3;
	v11 =	vmul.f32 v53, v11;
	v15 =	vmul.f32 v56, v15  }
0x130: {  	[tilespmem:s9+$0xA350] =	vst.add.f32.msk $0xffff, v62;
	v7 =	vadd.f32 v7, v6;
	v2 =	vadd.f32 v5, v2  }
0x131: {  	[tilespmem:s3+$0xA760] =	vst.add.f32.msk $0xffff, v58;
	v5 =	vmul.f32 v57, v24;
	v8 =	vadd.f32 v63, v11;
	v1 =	vadd.f32 v15, v1  }
0x132: {  	(v2sf) =	vpush v60, $0x0;
	s3 =	smov.u32 s9;
	v3 =	vadd.f32 v7, v3;
	v7 =	vld [tilespmem:$0x1FE60]  }
0x133: {  	[tilespmem:s3+$0xA370] =	vst.add.f32.msk $0xffff, v5;
	v0 =	vadd.f32 v8, v0;
	v1 =	vadd.f32 v2, v1  }
0x134: {  	v5 =	vld [tilespmem:$0x1FE50];
	v4 =	vpop (erf);
	v2 =	vmul.f32 v57, v37  }
0x135: {  	v0 =	vadd.f32 v1, v0;
	v1 =	vadd.f32 $1.000000000e+00, v4;
	v4 =	vld [tilespmem:$0x1FE70]  }
0x136: {  	v6 =	vmul.f32 v57, v25;
	[tilespmem:s3+$0xA710] =	vst.add.f32.msk $0xffff, v2  }
0x137: {  	v2 =	vld [tilespmem:$0x1FE80]  }
0x138: {  	[tilespmem:s3+$0xA700] =	vst.add.f32.msk $0xffff, v6;
	v11 =	vmul.f32 v57, v39  }
0x139: {  	v6 =	vld [tilespmem:$0x1FE90];
	v7 =	vmul.f32 v57, v7  }
0x13a: {  	[tilespmem:s3+$0xA360] =	vst.add.f32.msk $0xffff, v11;
	v8 =	vmul.f32 v57, v5  }
0x13b: {  	[tilespmem:s3+$0xA730] =	vst.add.f32.msk $0xffff, v7;
	(erf) = vrcp.f32 v1;
	v4 =	vmul.f32 v57, v4  }
0x13c: {  	[tilespmem:s3+$0xA720] =	vst.add.f32.msk $0xffff, v8;
	v11 =	vmul.f32 v57, v2  }
0x13d: {  	s7 =	sadd.s32 $0x80, s7;
	v3 =	vadd.f32 v0, v3;
	[tilespmem:s3+$0xA740] =	vst.add.f32.msk $0xffff, v4  }
0x13e: {  	s11 =	sand.u32 $0x7800, s10;
	s4 =	sadd.s32 $0x1, s4;
	s6 =	sand.u32 $0x380, s7;
	v1 =	vmov v38;
	[tilespmem:s3+$0xA750] =	vst.add.f32.msk $0xffff, v11  }
0x13f: {  	s11 =	sor.u32 s6, s11;
	(xrf2) =	vadd.scan.msk.f32 $0xffff, v3;
	v0 =	vmov v31;
	v60 =	vld [tilespmem:s4+$0x0]  }
0x140: {  	[tilespmem:$0x1FE80] =	vst v0;
	v0 =	vld [tilespmem:s11+$0x300]  }
0x141: {  	s12 =	sadd.s32 $0x1, s12;
	s6 =	spop (v2sf);
	[tilespmem:$0x1FE50] =	vst v1;
	v1 =	vmov v30;
	v3 =	vld [tilespmem:s11+$0x310]  }
0x142: {  	p2 =	slt.s32 s12, s24;
	v5 =	vmov v23;
	s9 =	ssub.s32 s6, s8;
	s6 =	simm.f32 $1.000000000e+00;
	v4 =	vld [tilespmem:s11+$0x320]  }
0x143: {  	p4 =	sge.s32 s12, s23;
	[tilespmem:$0x1FE90] =	vst v5;
	s6 =	simm.s32 @!p2 $0x0;
	v5 =	vld [tilespmem:s11+$0x330]  }
0x144: {  	s6 =	simm.s32 @!p4 $0x0;
	[tilespmem:$0x1FE70] =	vst v1;
	v7 =	vld [tilespmem:s11+$0x340];
	v1 =	vpop (erf)  }
0x145: {  	v10 =	vmovc v19;
	v19 =	vmov v9;
	v58 =	vmul.f32 v57, v6;
	v9 =	vld [tilespmem:s11+$0x350];
	v57 =	vmul.f32 s6, v1  }
0x146: {  	v39 =	vmov v40;
	v40 =	vmov v49;
	p3 =	sgt.s32 s9, $0x0;
	v49 =	vld [tilespmem:s11+$0x360]  }
0x147: {  	s9 =	simm.s32 @!p3 $0x0;
	v63 =	vmul.f32 v57, v32;
	v32 =	vmov v44;
	v44 =	vmov v0;
	v0 =	vld [tilespmem:$0x1FF60]  }
0x148: {  	v23 =	vmov v50;
	s9 =	smin.u32 s9, $0x13F;
	v50 =	vld [tilespmem:s11+$0x370]  }
0x149: {  	v24 =	vmov v26;
	v26 =	vmov v51;
	v51 =	vld [tilespmem:s11+$0x700];
	s6 =	sshll.u32 s9, $0x8;
	s9 =	sshll.u32 s9, $0x7;
	v1, _, _ =	vpop (xrf2)  }
0x14a: {  	v25 =	vmovc v27;
	v27 =	vmovc v52;
	v2 =	vmov v29;
	v52 =	vld [tilespmem:s11+$0x710];
	s6 =	sand.u32 $0x1F800, s6;
	s9 =	sand.u32 $0x380, s9;
	v6 =	vmul.f32 v57, v42;
	v8 =	vbroadcast v1, $0xF  }
0x14b: {  	[tilespmem:$0x1FE60] =	vst v2;
	s9 =	sor.u32 s9, s6;
	v2 =	vmul.f32 v57, v34;
	v34 =	vmov v47;
	v47 =	vmov v7;
	v7 =	vld [tilespmem:$0x1FF00]  }
0x14c: {  	[tilespmem:s9+$0xA770] =	vst.add.f32.msk $0xffff, v6;
	v8 =	vadd.f32 v8, v0  }
0x14d: {  	v15 =	vmov v16;
	v6 =	vld [tilespmem:$0x1FEF0]  }
0x14e: {  	p1 =	sne.s32 s10, $0x4F00;
	v16 =	vmovc v17;
	v17 =	vmovc v18;
	v38 =	vmov v53;
	v42 =	vmov v59;
	v59 =	vsub.f32 $0.0e+00, v8;
	v8 =	vld [tilespmem:$0x1FF10]  }
.Ltmp4:
0x14f: {  	v18 =	vld [tilespmem:$0x1FFF0];
	v31 =	vmovc v46;
	v46 =	vmovc v4;
	v61 =	vmul.f32 v57, v41;
	v62 =	vmul.f32 v57, v33;
	v41 =	vmov v43;
	(pc) =	sbr.rel @p1 .LBB2_6-.Ltmp4, $4  }
0x150: {  	v43 =	vmovc v5;
	v5 =	vmul.f32 v46, v17;
	v1 =	vmul.f32 v57, v35;
	v35 =	vmovc v45;
	v45 =	vmov v3;
	v53 =	vld [tilespmem:s11+$0x720]  }
0x151: {  	v37 =	vmovc v28;
	v28 =	vmov v54;
	v3 =	vmul.f32 v44, v15;
	v4 =	vmul.f32 v45, v16;
	v54 =	vld [tilespmem:s11+$0x730]  }
0x152: {  	v29 =	vmov v55;
	v55 =	vld [tilespmem:s11+$0x740];
	v0 =	vmul.f32 v57, v36;
	v7 =	vmul.f32 v47, v7  }
0x153: {  	s10 =	sadd.s32 $0x100, s10;
	v30 =	vmovc v56;
	v33 =	vmovc v48;
	v48 =	vmov v9;
	v56 =	vld [tilespmem:s11+$0x750];
	v6 =	vmul.f32 v43, v6;
	v8 =	vmul.f32 v9, v8  }
0x154: {  	v21 =	vld [tilespmem:s11+$0x760]  }
0x155: {  	v36 =	vld [tilespmem:$0x1FF70]  }
0x156: {  	v9 =	vld [tilespmem:s11+$0x770]  }
0x157: {  	v3 =	vadd.f32 v4, v3;
	v4 =	vld [tilespmem:$0x1FF20]  }
0x158: {  	v20 =	vld [tilespmem:$0x1FF50]  }
0x159: {  	v7 =	vadd.f32 v8, v7;
	v8 =	vld [tilespmem:$0x1FF40]  }
0x15a: {  	v11 =	vmul.f32 v51, v13;
	v13 =	vmul.f32 v53, v36;
	v36 =	vld [tilespmem:$0x1FF30];
	_ =	sdelay $0x1  }
0x15b: {  	v22 =	vmul.f32 v49, v10;
	v10 =	vmul.f32 v50, v12  }
0x15c: {  	v12 =	vmul.f32 v52, v14;
	v14 =	vmul.f32 v54, v18  }
0x15d: {  	v22 =	vadd.f32 v10, v22;
	v4 =	vmul.f32 v55, v4;
	v10 =	vmul.f32 v9, v20  }
0x15e: {  	v5 =	vadd.f32 v6, v5;
	v8 =	vmul.f32 v21, v8;
	v6 =	vmul.f32 v56, v36  }
0x15f: {  	v11 =	vadd.f32 v12, v11;
	v12 =	vadd.f32 v14, v13  }
0x160: {  	v4 =	vadd.f32 v6, v4;
	v6 =	vadd.f32 v10, v8  }
0x161: {  	v3 =	vadd.f32 v5, v3;
	v5 =	vadd.f32 v22, v7  }
0x162: {  	v7 =	vadd.f32 v12, v11;
	v4 =	vadd.f32 v6, v4;
	_ =	sdelay $0x1  }
0x163: {  	v3 =	vadd.f32 v5, v3;
	v4 =	vadd.f32 v4, v7;
	_ =	sdelay $0x1  }
0x164: {  	v3 =	vadd.f32 v4, v3;
	_ =	sdelay $0x1  }
0x165: {  	(xrf2) =	vadd.scan.msk.f32 $0xffff, v3;
	_ =	sdelay $0x3  }
0x166: {  	v3 =	vmul.f32 $1.442695020e+00, v59;
	_ =	sdelay $0x1  }
0x167: {  	(erf) = vpow2.f32 v3  }
0x168: {  	[tilespmem:s9+$0xA300] =	vst.add.f32.msk $0xffff, v63  }
0x169: {  	(v2sf) =	vpush v60, $0x0;
	v60 =	vld [tilespmem:$0x1FF60];
	_ =	sdelay $0x1  }
0x16a: {  	v3, _, _ =	vpop (xrf2)  }
0x16b: {  	v3 =	vbroadcast v3, $0xF;
	_ =	sdelay $0x1  }
0x16c: {  	v3 =	vadd.f32 v3, v60  }
0x16d: {  	[tilespmem:s9+$0xA310] =	vst.add.f32.msk $0xffff, v1  }
0x16e: {  	[tilespmem:s9+$0xA320] =	vst.add.f32.msk $0xffff, v2;
	v4 =	vpop (erf);
	v1 =	vsub.f32 $0.0e+00, v3  }
0x16f: {  	[tilespmem:s9+$0xA330] =	vst.add.f32.msk $0xffff, v61;
	v4 =	vadd.f32 $1.000000000e+00, v4  }
0x170: {  	[tilespmem:s9+$0xA340] =	vst.add.f32.msk $0xffff, v0;
	v1 =	vmul.f32 $1.442695020e+00, v1  }
0x171: {  	v0 =	vmul.f32 v57, v39;
	[tilespmem:s9+$0xA350] =	vst.add.f32.msk $0xffff, v62;
	(erf) = vrcp.f32 v4  }
0x172: {  	[tilespmem:s3+$0xA760] =	vst.add.f32.msk $0xffff, v58;
	(erf) = vpow2.f32 v1;
	v1 =	vmul.f32 v57, v24  }
0x173: {  	[tilespmem:s9+$0xA360] =	vst.add.f32.msk $0xffff, v0  }
0x174: {  	[tilespmem:s9+$0xA370] =	vst.add.f32.msk $0xffff, v1  }
0x175: {  	s4 =	sadd.s32 $0x1, s4;
	v3 =	vmul.f32 v57, v25;
	v1 =	vld [tilespmem:$0x1FE50]  }
0x176: {  	v2 =	vld [tilespmem:s4+$0x0]  }
0x177: {  	v0 =	vmul.f32 v57, v37;
	[tilespmem:s9+$0xA700] =	vst.add.f32.msk $0xffff, v3  }
0x178: {  	v3 =	vld [tilespmem:$0x1FE60]  }
0x179: {  	s7 =	sadd.s32 $0x1, s12;
	s6 =	spop (v2sf);
	[tilespmem:s9+$0xA710] =	vst.add.f32.msk $0xffff, v0  }
0x17a: {  	p1 =	slt.s32 s7, s24;
	s3 =	ssub.s32 s6, s8;
	s6 =	simm.f32 $1.000000000e+00;
	v0 =	vld [tilespmem:$0x1FE70];
	v1 =	vmul.f32 v57, v1  }
0x17b: {  	p3 =	sge.s32 s7, s23;
	s6 =	simm.s32 @!p1 $0x0  }
0x17c: {  	(v2sf) =	vpush v2, $0x0;
	s6 =	simm.s32 @!p3 $0x0;
	v2 =	vpop (erf);
	[tilespmem:s9+$0xA720] =	vst.add.f32.msk $0xffff, v1  }
0x17d: {  	p2 =	sgt.s32 s3, $0x0;
	v1 =	vmul.f32 s6, v2;
	v2 =	vld [tilespmem:$0x1FE80]  }
0x17e: {  	s3 =	simm.s32 @!p2 $0x0  }
0x17f: {  	s3 =	smin.u32 s3, $0x13F;
	v0 =	vmul.f32 v57, v0  }
0x180: {  	s10 =	sshll.u32 s3, $0x8;
	s3 =	sshll.u32 s3, $0x7;
	v3 =	vmul.f32 v57, v3  }
0x181: {  	s3 =	sand.u32 $0x380, s3;
	s6 =	sand.u32 $0x1F800, s10;
	[tilespmem:s9+$0xA740] =	vst.add.f32.msk $0xffff, v0;
	v0 =	vmul.f32 v1, v42  }
0x182: {  	[tilespmem:s9+$0xA730] =	vst.add.f32.msk $0xffff, v3;
	s3 =	sor.u32 s3, s6;
	v2 =	vmul.f32 v57, v2  }
0x183: {  	v4 =	vmul.f32 v1, v35;
	[tilespmem:s3+$0xA770] =	vst.add.f32.msk $0xffff, v0  }
0x184: {  	v3 =	vpop (erf);
	[tilespmem:s9+$0xA750] =	vst.add.f32.msk $0xffff, v2;
	v2 =	vmul.f32 v1, v32  }
0x185: {  	v0 =	vadd.f32 $1.000000000e+00, v3;
	v3 =	vmul.f32 v1, v31;
	[tilespmem:s3+$0xA310] =	vst.add.f32.msk $0xffff, v4  }
0x186: {  	[tilespmem:s3+$0xA300] =	vst.add.f32.msk $0xffff, v2;
	v2 =	vmul.f32 v1, v41  }
0x187: {  	(erf) = vrcp.f32 v0;
	[tilespmem:s3+$0xA320] =	vst.add.f32.msk $0xffff, v3  }
0x188: {  	v0 =	vmul.f32 v1, v34;
	[tilespmem:s3+$0xA330] =	vst.add.f32.msk $0xffff, v2  }
0x189: {  	v3 =	vmul.f32 v1, v33;
	v2 =	vld [tilespmem:$0x1FE90]  }
0x18a: {  	[tilespmem:s3+$0xA340] =	vst.add.f32.msk $0xffff, v0;
	v0 =	vmul.f32 v1, v40  }
0x18b: {  	v4 =	vmul.f32 v1, v29;
	[tilespmem:s3+$0xA350] =	vst.add.f32.msk $0xffff, v3  }
0x18c: {  	v3 =	vmul.f32 v1, v23;
	[tilespmem:s3+$0xA360] =	vst.add.f32.msk $0xffff, v0;
	v0 =	vmul.f32 v1, v27  }
0x18d: {  	s4 =	sadd.s32 $0x1, s7;
	s11 =	spop (v2sf);
	[tilespmem:s3+$0xA740] =	vst.add.f32.msk $0xffff, v4  }
0x18e: {  	s7 =	simm.f32 $1.000000000e+00;
	p1 =	slt.s32 s4, s24;
	s6 =	ssub.s32 s11, s8;
	[tilespmem:s3+$0xA370] =	vst.add.f32.msk $0xffff, v3;
	v2 =	vmul.f32 v57, v2  }
0x18f: {  	p3 =	sge.s32 s4, s23;
	s7 =	simm.s32 @!p1 $0x0;
	p2 =	sgt.s32 s6, $0x0;
	v3 =	vmul.f32 v1, v38;
	[tilespmem:s3+$0xA710] =	vst.add.f32.msk $0xffff, v0  }
0x190: {  	s7 =	simm.s32 @!p3 $0x0;
	s6 =	simm.s32 @!p2 $0x0;
	v0 =	vpop (erf);
	[tilespmem:s9+$0xA760] =	vst.add.f32.msk $0xffff, v2;
	v2 =	vmul.f32 v1, v26  }
0x191: {  	s12 =	smin.u32 s6, $0x13F;
	[tilespmem:s3+$0xA720] =	vst.add.f32.msk $0xffff, v3;
	v3 =	vmul.f32 v1, v30;
	v0 =	vmul.f32 s7, v0  }
0x192: {  	s6 =	sshll.u32 s12, $0x8;
	s4 =	sshll.u32 s12, $0x7;
	[tilespmem:s3+$0xA700] =	vst.add.f32.msk $0xffff, v2;
	v2 =	vmul.f32 v1, v28  }
0x193: {  	s6 =	sand.u32 $0x1F800, s6;
	s4 =	sand.u32 $0x380, s4;
	[tilespmem:s3+$0xA750] =	vst.add.f32.msk $0xffff, v3;
	v3 =	vmul.f32 v0, v44  }
0x194: {  	s4 =	sor.u32 s4, s6;
	v4 =	vmul.f32 v0, v45;
	[tilespmem:s3+$0xA730] =	vst.add.f32.msk $0xffff, v2  }
0x195: {  	v1 =	vmul.f32 v1, v19;
	[tilespmem:s4+$0xA300] =	vst.add.f32.msk $0xffff, v3  }
0x196: {  	v2 =	vmul.f32 v0, v9;
	[tilespmem:s4+$0xA310] =	vst.add.f32.msk $0xffff, v4  }
0x197: {  	v3 =	vmul.f32 v0, v43;
	[tilespmem:s3+$0xA760] =	vst.add.f32.msk $0xffff, v1  }
0x198: {  	v4 =	vmul.f32 v0, v47;
	[tilespmem:s4+$0xA770] =	vst.add.f32.msk $0xffff, v2  }
0x199: {  	v1 =	vmul.f32 v0, v51;
	[tilespmem:s4+$0xA330] =	vst.add.f32.msk $0xffff, v3  }
0x19a: {  	v2 =	vmul.f32 v0, v46;
	[tilespmem:s4+$0xA340] =	vst.add.f32.msk $0xffff, v4  }
0x19b: {  	v3 =	vmul.f32 v0, v49;
	[tilespmem:s4+$0xA700] =	vst.add.f32.msk $0xffff, v1  }
0x19c: {  	[tilespmem:s4+$0xA320] =	vst.add.f32.msk $0xffff, v2;
	v2 =	vmul.f32 v0, v48  }
0x19d: {  	v1 =	vmul.f32 v0, v54;
	[tilespmem:s4+$0xA360] =	vst.add.f32.msk $0xffff, v3  }
0x19e: {  	[tilespmem:s4+$0xA350] =	vst.add.f32.msk $0xffff, v2;
	v2 =	vmul.f32 v0, v50  }
0x19f: {  	s0 =	sadd.s32 $0x2, s0;
	v3 =	vmul.f32 v0, v52;
	[tilespmem:s4+$0xA730] =	vst.add.f32.msk $0xffff, v1  }
0x1a0: {  	p1 =	slt.s32 s0, $0x7CF;
	[tilespmem:s4+$0xA370] =	vst.add.f32.msk $0xffff, v2;
	v2 =	vmul.f32 v0, v53  }
0x1a1: {  	s0 =	simm.s32 @!p1 $0x7CF;
	[tilespmem:s4+$0xA710] =	vst.add.f32.msk $0xffff, v3;
	v3 =	vmul.f32 v0, v55  }
0x1a2: {  	s9 =	smul.u32 $0x5000, s0;
	[tilespmem:s4+$0xA720] =	vst.add.f32.msk $0xffff, v2;
	v2 =	vmul.f32 v0, v56  }
0x1a3: {  	s0 =	smul.u32 $0x50, s0;
	[tilespmem:s4+$0xA740] =	vst.add.f32.msk $0xffff, v3;
	v0 =	vmul.f32 v0, v21  }
0x1a4: {  	s3 =	sshrl.u32 s9, $0x3;
	[tilespmem:s4+$0xA750] =	vst.add.f32.msk $0xffff, v2  }
0x1a5: {  	s10 =	simm.s32 $0x0;
	s0 =	sshrl.u32 s0, $0x3;
	s3 =	sadd.s32 s1, s3;
	[tilespmem:s4+$0xA760] =	vst.add.f32.msk $0xffff, v0  }
0x1a6: {  	[tilespmem:s15], [sflag:$0x1] =	stream.linear.gather [hbm4b:s3+s10], $0x5000, $0x38;
	[tilespmem:$0x1E300] =	vst v63  }
0x1a7: {  	s0 =	sadd.s32 s2, s0  }
0x1a8: {  	[tilespmem:s16], [sflag:$0x3] =	stream.linear.gather [hbm4b:s0+s10], $0x50, $0x38;
	[tilespmem:$0x1E300] =	vst v63  }
0x1a9: {  	_ =	swait.ge [sflag:s20], $0x5000  }
0x1aa: {  	[sflag:s20] =	ssyncset.done $0x0  }
0x1ab: {  	[sflag:s20] =	ssyncadd.s32 $0xFFFFB000  }
0x1ac: {  	_ =	swait.ge [sflag:s21], $0x50  }
0x1ad: {  	s11 =	sand.u32 $0x7800, s10;
	s12 =	sand.u32 $0x380, s10;
	[sflag:s21] =	ssyncset.done $0x0  }
0x1ae: {  	s0 =	sor.u32 s12, s11;
	[sflag:s21] =	ssyncadd.s32 $0xFFFFFFB0  }
0x1af: {  	v24 =	vld [tilespmem:s0+$0x5300]  }
0x1b0: {  	v35 =	vld [tilespmem:s0+$0x5310]  }
0x1b1: {  	v26 =	vld [tilespmem:s0+$0x5320]  }
0x1b2: {  	v28 =	vld [tilespmem:s0+$0x5330]  }
0x1b3: {  	v47 =	vld [tilespmem:s0+$0x5340]  }
0x1b4: {  	v25 =	vld [tilespmem:s0+$0x5350]  }
0x1b5: {  	v61 =	vld [tilespmem:s0+$0x5730]  }
0x1b6: {  	v51 =	vld [tilespmem:s0+$0x5360]  }
0x1b7: {  	v52 =	vld [tilespmem:s0+$0x5370]  }
0x1b8: {  	v53 =	vld [tilespmem:s0+$0x5700]  }
0x1b9: {  	v54 =	vld [tilespmem:s0+$0x5710]  }
0x1ba: {  	v63 =	vld [tilespmem:s0+$0x5720];
	[tilespmem:$0x1FDB0] =	vst v61  }
0x1bb: {  	v62 =	vld [tilespmem:s0+$0x5740];
	_ =	sdelay $0x4  }
0x1bc: {  	[tilespmem:$0x1FDC0] =	vst v62  }
0x1bd: {  	v19 =	vld [tilespmem:s0+$0x5750]  }
0x1be: {  	v46 =	vld [tilespmem:$0x1FEF0]  }
0x1bf: {  	v33 =	vld [tilespmem:$0x1FF00]  }
0x1c0: {  	v42 =	vld [tilespmem:$0x1FF10]  }
0x1c1: {  	v48 =	vld [tilespmem:$0x1FF90]  }
0x1c2: {  	v58 =	vld [tilespmem:$0x1FF20];
	[tilespmem:$0x1FDD0] =	vst v19  }
0x1c3: {  	v23 =	vld [tilespmem:s0+$0x5760]  }
0x1c4: {  	v45 =	vld [tilespmem:$0x1FF80]  }
0x1c5: {  	v44 =	vld [tilespmem:$0x1FFD0]  }
0x1c6: {  	v43 =	vld [tilespmem:$0x1FFE0];
	v0 =	vmul.f32 v24, v15  }
0x1c7: {  	v49 =	vld [tilespmem:$0x1FF70];
	v1 =	vmul.f32 v35, v16;
	v2 =	vmul.f32 v26, v17  }
0x1c8: {  	v3 =	vmul.f32 v28, v46;
	v32 =	vmul.f32 v62, v58;
	v62 =	vld [tilespmem:$0x1FF40];
	[tilespmem:$0x1FDE0] =	vst v23  }
0x1c9: {  	v4 =	vmul.f32 v47, v33;
	v5 =	vmul.f32 v25, v42;
	v7 =	vld [tilespmem:s0+$0x5770]  }
0x1ca: {  	v6 =	vmul.f32 v51, v48;
	v8 =	vmul.f32 v52, v45  }
0x1cb: {  	v9 =	vmul.f32 v53, v44;
	v10 =	vmul.f32 v54, v43  }
0x1cc: {  	v11 =	vmul.f32 v63, v49;
	v12 =	vmul.f32 v61, v18;
	v0 =	vadd.f32 v1, v0  }
0x1cd: {  	v1 =	vadd.f32 v3, v2;
	v3 =	vadd.f32 v5, v4;
	v34 =	vmul.f32 v19, v36  }
0x1ce: {  	v55 =	vmovc v15;
	v4 =	vadd.f32 v8, v6;
	v15 =	vmul.f32 v23, v62;
	v2 =	vmul.f32 v7, v20  }
0x1cf: {  	v5 =	vadd.f32 v10, v9;
	v6 =	vadd.f32 v12, v11  }
0x1d0: {  	v8 =	vadd.f32 v34, v32;
	v2 =	vadd.f32 v2, v15  }
0x1d1: {  	v0 =	vadd.f32 v1, v0;
	v1 =	vadd.f32 v4, v3  }
0x1d2: {  	v3 =	vadd.f32 v6, v5;
	v2 =	vadd.f32 v2, v8  }
0x1d3: {  	s4 =	simm.s32 $0x80;
	s3 =	simm.s32 $0x100  }
0x1d4: {  	v0 =	vadd.f32 v1, v0;
	s0 =	sand.u32 $0x7800, s3;
	s3 =	sand.u32 $0x380, s4;
	v1 =	vadd.f32 v2, v3  }
0x1d5: {  	s0 =	sor.u32 s3, s0  }
0x1d6: {  	v0 =	vadd.f32 v1, v0;
	v1 =	vld [tilespmem:s0+$0x5300];
	_ =	sdelay $0x4  }
0x1d7: {  	[tilespmem:$0x1FDF0] =	vst v1  }
0x1d8: {  	v3 =	vld [tilespmem:s0+$0x5310];
	_ =	sdelay $0x4  }
0x1d9: {  	[tilespmem:$0x1FE00] =	vst v3  }
0x1da: {  	v4 =	vld [tilespmem:s0+$0x5320];
	_ =	sdelay $0x4  }
0x1db: {  	[tilespmem:$0x1FE10] =	vst v4  }
0x1dc: {  	v5 =	vld [tilespmem:s0+$0x5330];
	_ =	sdelay $0x4  }
0x1dd: {  	[tilespmem:$0x1FE20] =	vst v5  }
0x1de: {  	v6 =	vld [tilespmem:s0+$0x5340]  }
0x1df: {  	(xrf2) =	vadd.scan.msk.f32 $0xffff, v0;
	_ =	sdelay $0x3  }
0x1e0: {  	[tilespmem:$0x1FE30] =	vst v6  }
0x1e1: {  	v8 =	vld [tilespmem:s0+$0x5350];
	_ =	sdelay $0x4  }
0x1e2: {  	v0, _, _ =	vpop (xrf2);
	[tilespmem:$0x1FE40] =	vst v8  }
0x1e3: {  	v0 =	vbroadcast v0, $0xF;
	v34 =	vld [tilespmem:s0+$0x5360]  }
0x1e4: {  	v39 =	vld [tilespmem:s0+$0x5370]  }
0x1e5: {  	v0 =	vadd.f32 v0, v60;
	v38 =	vld [tilespmem:s0+$0x5700]  }
0x1e6: {  	v32 =	vld [tilespmem:s0+$0x5710]  }
0x1e7: {  	v50 =	vmov v20;
	v0 =	vsub.f32 $0.0e+00, v0;
	v20 =	vld [tilespmem:s0+$0x5720]  }
0x1e8: {  	v29 =	vld [tilespmem:s0+$0x5730]  }
0x1e9: {  	v56 =	vmov v16;
	v1 =	vmul.f32 v1, v55;
	v0 =	vmul.f32 $1.442695020e+00, v0;
	v27 =	vld [tilespmem:s0+$0x5740]  }
0x1ea: {  	v2 =	vmul.f32 v3, v56;
	v3 =	vmul.f32 v4, v17;
	v21 =	vld [tilespmem:s0+$0x5750]  }
0x1eb: {  	v57 =	vmov v18;
	(erf) = vpow2.f32 v0;
	v4 =	vmul.f32 v5, v46;
	v18 =	vld [tilespmem:s0+$0x5760]  }
0x1ec: {  	v5 =	vmul.f32 v6, v33;
	v6 =	vmul.f32 v8, v42;
	v61 =	vld [tilespmem:s0+$0x5770]  }
0x1ed: {  	v8 =	vmul.f32 v34, v48;
	v9 =	vmul.f32 v39, v45  }
0x1ee: {  	v1 =	vadd.f32 v2, v1;
	v10 =	vmul.f32 v38, v44;
	v11 =	vmul.f32 v32, v43  }
0x1ef: {  	v2 =	vadd.f32 v4, v3;
	v0 =	vmul.f32 v20, v49;
	v37 =	vmul.f32 v29, v57  }
0x1f0: {  	s6 =	simm.s32 $0x280;
	v4 =	vadd.f32 v6, v5;
	v40 =	vmul.f32 v27, v58;
	v41 =	vmul.f32 v21, v36  }
0x1f1: {  	v15 =	vmul.f32 v18, v62;
	v3 =	vmul.f32 v61, v50;
	v5 =	vadd.f32 v9, v8;
	v8 =	vld [tilespmem:s6+$0x0]  }
0x1f2: {  	v6 =	vadd.f32 v11, v10;
	v0 =	vadd.f32 v37, v0  }
0x1f3: {  	v9 =	vadd.f32 v41, v40;
	v3 =	vadd.f32 v3, v15  }
0x1f4: {  	v1 =	vadd.f32 v2, v1;
	v2 =	vadd.f32 v5, v4  }
0x1f5: {  	v0 =	vadd.f32 v0, v6;
	v3 =	vadd.f32 v3, v9  }
0x1f6: {  	(v2sf) =	vpush v8, $0x0  }
0x1f7: {  	v1 =	vadd.f32 v2, v1;
	v0 =	vadd.f32 v3, v0  }
0x1f8: {  	v2 =	vpop (erf)  }
0x1f9: {  	s7 =	simm.s32 $0x200;
	s9 =	simm.s32 $0x100;
	v0 =	vadd.f32 v0, v1;
	v2 =	vadd.f32 $1.000000000e+00, v2  }
0x1fa: {  	s3 =	sand.u32 $0x380, s9;
	s0 =	sand.u32 $0x7800, s7  }
0x1fb: {  	s3 =	sor.u32 s3, s0;
	(xrf2) =	vadd.scan.msk.f32 $0xffff, v0;
	(erf) = vrcp.f32 v2  }
0x1fc: {  	v31 =	vld [tilespmem:s3+$0x5310]  }
0x1fd: {  	v30 =	vld [tilespmem:s3+$0x5320]  }
0x1fe: {  	v19 =	vmov v33;
	v33 =	vld [tilespmem:s3+$0x5340]  }
0x1ff: {  	v22 =	vld [tilespmem:s3+$0x5370]  }
0x200: {  	v41 =	vld [tilespmem:s3+$0x5350]  }
0x201: {  	v23 =	vld [tilespmem:s3+$0x5700]  }
0x202: {  	p1 =	slt.s32 s29, s24;
	v16 =	vmov v60;
	v60 =	vmov v36;
	s0 =	simm.f32 $1.000000000e+00;
	v36 =	vld [tilespmem:s3+$0x5360]  }
0x203: {  	p2 =	sge.s32 s29, s23;
	s0 =	simm.s32 @!p1 $0x0;
	v40 =	vld [tilespmem:s3+$0x5300]  }
0x204: {  	s0 =	simm.s32 @!p2 $0x0;
	v37 =	vld [tilespmem:s3+$0x5330];
	v1 =	vpop (erf)  }
0x205: {  	s10 =	simm.s32 $0x281;
	v15 =	vmul.f32 v41, v42;
	v42 =	vld [tilespmem:s3+$0x5770];
	v2, _, _ =	vpop (xrf2);
	v1 =	vmul.f32 s0, v1;
	s11 =	spop (v2sf)  }
0x206: {  	v11 =	vmul.f32 v31, v56;
	v0 =	vld [tilespmem:s10+$0x0];
	v2 =	vbroadcast v2, $0xF;
	s0 =	ssub.s32 s11, s8  }
0x207: {  	v12 =	vmul.f32 v30, v17;
	v3 =	vmul.f32 v1, v24;
	v24 =	vld [tilespmem:s3+$0x5710];
	p1 =	sgt.s32 s0, $0x0  }
0x208: {  	v4 =	vmul.f32 v1, v7;
	v2 =	vadd.f32 v2, v16;
	v7 =	vmul.f32 v1, v28;
	v28 =	vld [tilespmem:s3+$0x5730];
	s0 =	simm.s32 @!p1 $0x0  }
0x209: {  	v10 =	vmul.f32 v40, v55;
	v6 =	vmul.f32 v1, v26;
	v26 =	vld [tilespmem:s3+$0x5750];
	s0 =	smin.u32 s0, $0x13F  }
0x20a: {  	v46 =	vmul.f32 v37, v46;
	v5 =	vmul.f32 v1, v35;
	v35 =	vld [tilespmem:s3+$0x5720];
	v2 =	vsub.f32 $0.0e+00, v2;
	s12 =	sshll.u32 s0, $0x8;
	s0 =	sshll.u32 s0, $0x7  }
0x20b: {  	v8 =	vmul.f32 v1, v47;
	v9 =	vmul.f32 v1, v25;
	v25 =	vld [tilespmem:s3+$0x5740];
	s4 =	sand.u32 $0x1F800, s12;
	s0 =	sand.u32 $0x380, s0  }
0x20c: {  	v47 =	vmul.f32 v33, v19;
	v19 =	vld [tilespmem:s3+$0x5760];
	v2 =	vmul.f32 $1.442695020e+00, v2;
	s0 =	sor.u32 s0, s4  }
0x20d: {  	(v2sf) =	vpush v0, $0x0;
	v0 =	vmul.f32 v22, v45;
	v16 =	vmovc v57;
	v57 =	vmul.f32 v28, v57;
	[tilespmem:s0+$0xA770] =	vst.add.f32.msk $0xffff, v4  }
0x20e: {  	v60 =	vmul.f32 v26, v60;
	(erf) = vpow2.f32 v2;
	[tilespmem:s0+$0xA300] =	vst.add.f32.msk $0xffff, v3  }
0x20f: {  	v2 =	vmul.f32 v36, v48;
	v3 =	vmul.f32 v23, v44;
	v4 =	vadd.f32 v11, v10;
	[tilespmem:s0+$0xA310] =	vst.add.f32.msk $0xffff, v5  }
0x210: {  	v10 =	vmul.f32 v24, v43;
	v5 =	vmul.f32 v35, v49;
	v11 =	vadd.f32 v46, v12;
	[tilespmem:s0+$0xA320] =	vst.add.f32.msk $0xffff, v6  }
0x211: {  	v6 =	vmul.f32 v25, v58;
	v58 =	vadd.f32 v15, v47;
	[tilespmem:s0+$0xA330] =	vst.add.f32.msk $0xffff, v7;
	v7 =	vmul.f32 v19, v62  }
0x212: {  	v0 =	vadd.f32 v0, v2;
	v2 =	vmul.f32 v42, v50;
	v3 =	vadd.f32 v10, v3  }
0x213: {  	[tilespmem:s0+$0xA340] =	vst.add.f32.msk $0xffff, v8;
	v8 =	vmul.f32 v1, v51;
	v5 =	vadd.f32 v57, v5;
	v4 =	vadd.f32 v11, v4  }
0x214: {  	[tilespmem:s0+$0xA350] =	vst.add.f32.msk $0xffff, v9;
	v9 =	vmul.f32 v1, v53;
	v6 =	vadd.f32 v60, v6;
	v2 =	vadd.f32 v2, v7  }
0x215: {  	[tilespmem:s0+$0xA360] =	vst.add.f32.msk $0xffff, v8;
	v7 =	vmul.f32 v1, v52;
	v0 =	vadd.f32 v0, v58  }
0x216: {  	[tilespmem:s0+$0xA700] =	vst.add.f32.msk $0xffff, v9;
	v3 =	vadd.f32 v5, v3;
	v2 =	vadd.f32 v2, v6  }
0x217: {  	v5 =	vmul.f32 v1, v54;
	[tilespmem:s0+$0xA370] =	vst.add.f32.msk $0xffff, v7;
	v0 =	vadd.f32 v0, v4;
	v4 =	vpop (erf)  }
0x218: {  	v7 =	vld [tilespmem:$0x1FDB0];
	v2 =	vadd.f32 v2, v3;
	v3 =	vadd.f32 $1.000000000e+00, v4  }
0x219: {  	v6 =	vmul.f32 v1, v63;
	[tilespmem:s0+$0xA710] =	vst.add.f32.msk $0xffff, v5  }
0x21a: {  	v4 =	vld [tilespmem:$0x1FDC0];
	(erf) = vrcp.f32 v3  }
0x21b: {  	[tilespmem:s0+$0xA720] =	vst.add.f32.msk $0xffff, v6  }
0x21c: {  	v5 =	vld [tilespmem:$0x1FDD0]  }
0x21d: {  	v0 =	vadd.f32 v2, v0  }
0x21e: {  	s7 =	simm.s32 $0x180;
	s6 =	simm.s32 $0x300  }
0x21f: {  	s9 =	sand.u32 $0x380, s7;
	s3 =	sand.u32 $0x7800, s6;
	v7 =	vmul.f32 v1, v7;
	(xrf2) =	vadd.scan.msk.f32 $0xffff, v0  }
0x220: {  	s11 =	sor.u32 s9, s3;
	s3 =	sadd.s32 $0x1, s29;
	v4 =	vmul.f32 v1, v4  }
0x221: {  	s9 =	simm.f32 $1.000000000e+00;
	p1 =	slt.s32 s3, s24;
	[tilespmem:s0+$0xA730] =	vst.add.f32.msk $0xffff, v7;
	v5 =	vmul.f32 v1, v5  }
0x222: {  	p3 =	sge.s32 s3, s23;
	s9 =	simm.s32 @!p1 $0x0;
	[tilespmem:s0+$0xA740] =	vst.add.f32.msk $0xffff, v4  }
0x223: {  	s9 =	simm.s32 @!p3 $0x0;
	[tilespmem:s0+$0xA750] =	vst.add.f32.msk $0xffff, v5;
	v0 =	vpop (erf)  }
0x224: {  	v57 =	vmul.f32 s9, v0;
	v0 =	vld [tilespmem:$0x1FDE0];
	_ =	sdelay $0x4  }
0x225: {  	v58 =	vmul.f32 v1, v0;
	v0, _, _ =	vpop (xrf2);
	v1 =	vld [tilespmem:$0x1FDF0]  }
0x226: {  	v4 =	vbroadcast v0, $0xF;
	v0 =	vld [tilespmem:$0x1FE00];
	_ =	sdelay $0x2  }
0x227: {  	s10 =	spop (v2sf)  }
0x228: {  	s6 =	ssub.s32 s10, s8  }
0x229: {  	p2 =	sgt.s32 s6, $0x0;
	v62 =	vmul.f32 v57, v1;
	v1 =	vmul.f32 v57, v0;
	v0 =	vld [tilespmem:$0x1FE10]  }
0x22a: {  	s6 =	simm.s32 @!p2 $0x0  }
0x22b: {  	v45 =	vld [tilespmem:s11+$0x5310];
	s6 =	smin.u32 s6, $0x13F  }
0x22c: {  	v48 =	vld [tilespmem:s11+$0x5350];
	s12 =	sshll.u32 s6, $0x8;
	s6 =	sshll.u32 s6, $0x7  }
0x22d: {  	v44 =	vld [tilespmem:s11+$0x5300];
	s6 =	sand.u32 $0x380, s6;
	s9 =	sand.u32 $0x1F800, s12;
	v3 =	vmul.f32 v57, v61  }
0x22e: {  	s9 =	sor.u32 s6, s9;
	v2 =	vmul.f32 v57, v0;
	v0 =	vld [tilespmem:$0x1FE20]  }
0x22f: {  	[tilespmem:s9+$0xA770] =	vst.add.f32.msk $0xffff, v3  }
0x230: {  	v3 =	vld [tilespmem:$0x1FE40]  }
0x231: {  	v46 =	vld [tilespmem:s11+$0x5320]  }
0x232: {  	v59 =	vmov v17;
	v17 =	vmov v43;
	v43 =	vld [tilespmem:s11+$0x5330]  }
0x233: {  	v47 =	vld [tilespmem:s11+$0x5340]  }
0x234: {  	v49 =	vld [tilespmem:s11+$0x5360]  }
0x235: {  	v63 =	vmul.f32 v57, v3;
	v3 =	vld [tilespmem:$0x1FF60]  }
0x236: {  	v51 =	vld [tilespmem:s11+$0x5700]  }
0x237: {  	v53 =	vld [tilespmem:s11+$0x5720]  }
0x238: {  	v50 =	vld [tilespmem:s11+$0x5370]  }
0x239: {  	v6 =	vld [tilespmem:$0x1FEF0]  }
0x23a: {  	v9 =	vld [tilespmem:$0x1FF10];
	v7 =	vadd.f32 v4, v3  }
0x23b: {  	v61 =	vmul.f32 v57, v0;
	v0 =	vld [tilespmem:$0x1FE30]  }
0x23c: {  	s4 =	simm.s32 $0x282;
	v8 =	vsub.f32 $0.0e+00, v7;
	v7 =	vld [tilespmem:$0x1FF00]  }
0x23d: {  	v60 =	vld [tilespmem:s4+$0x0]  }
0x23e: {  	v52 =	vld [tilespmem:s11+$0x5710];
	v5 =	vmul.f32 v46, v59  }
0x23f: {  	v54 =	vld [tilespmem:s11+$0x5730];
	v6 =	vmul.f32 v43, v6;
	v9 =	vmul.f32 v48, v9  }
0x240: {  	v0 =	vmul.f32 v57, v0;
	v3 =	vmul.f32 v44, v55;
	v55 =	vld [tilespmem:s11+$0x5740]  }
0x241: {  	s10 =	simm.s32 $0x400;
	v4 =	vmul.f32 v45, v56;
	v56 =	vld [tilespmem:s11+$0x5750];
	v7 =	vmul.f32 v47, v7  }
.LBB2_8:
0x242: {  	v10 =	vld [tilespmem:s11+$0x5760]  }
0x243: {  	v11 =	vld [tilespmem:$0x1FF90]  }
0x244: {  	v59 =	vld [tilespmem:s11+$0x5770]  }
0x245: {  	v12 =	vld [tilespmem:$0x1FF80]  }
0x246: {  	[tilespmem:s9+$0xA300] =	vst.add.f32.msk $0xffff, v62  }
0x247: {  	[tilespmem:s9+$0xA310] =	vst.add.f32.msk $0xffff, v1  }
0x248: {  	v1 =	vld [tilespmem:$0x1FF20]  }
0x249: {  	v62 =	vld [tilespmem:$0x1FF30]  }
0x24a: {  	[tilespmem:s9+$0xA320] =	vst.add.f32.msk $0xffff, v2  }
0x24b: {  	v2 =	vld [tilespmem:$0x1FF40]  }
0x24c: {  	v8 =	vmul.f32 $1.442695020e+00, v8;
	v3 =	vadd.f32 v4, v3;
	v4 =	vadd.f32 v6, v5;
	v5 =	vld [tilespmem:$0x1FF50]  }
0x24d: {  	v13 =	vld [tilespmem:$0x1FFD0];
	v14 =	vmul.f32 v52, v17;
	v6 =	vadd.f32 v9, v7;
	v9 =	vmul.f32 v57, v34  }
0x24e: {  	(erf) = vpow2.f32 v8;
	v8 =	vld [tilespmem:$0x1FF70];
	v15 =	vmul.f32 v54, v16  }
0x24f: {  	[tilespmem:s9+$0xA330] =	vst.add.f32.msk $0xffff, v61;
	v11 =	vmul.f32 v49, v11;
	v12 =	vmul.f32 v50, v12  }
0x250: {  	(v2sf) =	vpush v60, $0x0;
	[tilespmem:s9+$0xA340] =	vst.add.f32.msk $0xffff, v0;
	v1 =	vmul.f32 v55, v1;
	v62 =	vmul.f32 v56, v62  }
0x251: {  	[tilespmem:s9+$0xA350] =	vst.add.f32.msk $0xffff, v63;
	v3 =	vadd.f32 v4, v3;
	v2 =	vmul.f32 v10, v2;
	v5 =	vmul.f32 v59, v5  }
0x252: {  	[tilespmem:s0+$0xA760] =	vst.add.f32.msk $0xffff, v58;
	s0 =	smov.u32 s9;
	v13 =	vmul.f32 v51, v13;
	v7 =	vadd.f32 v12, v11;
	v1 =	vadd.f32 v62, v1  }
0x253: {  	[tilespmem:s0+$0xA360] =	vst.add.f32.msk $0xffff, v9;
	v8 =	vmul.f32 v53, v8;
	v2 =	vadd.f32 v5, v2;
	v5 =	vmul.f32 v57, v39  }
0x254: {  	v9 =	vld [tilespmem:$0x1FF10];
	v0 =	vadd.f32 v14, v13;
	v7 =	vadd.f32 v7, v6;
	v6 =	vmul.f32 v57, v38  }
0x255: {  	v8 =	vadd.f32 v15, v8;
	v1 =	vadd.f32 v2, v1;
	v2 =	vmul.f32 v57, v32;
	[tilespmem:s0+$0xA370] =	vst.add.f32.msk $0xffff, v5  }
0x256: {  	v5 =	vmul.f32 v57, v20;
	[tilespmem:s0+$0xA700] =	vst.add.f32.msk $0xffff, v6  }
0x257: {  	v3 =	vadd.f32 v7, v3;
	v7 =	vmul.f32 v57, v29;
	v0 =	vadd.f32 v8, v0;
	[tilespmem:s0+$0xA710] =	vst.add.f32.msk $0xffff, v2  }
0x258: {  	v4 =	vpop (erf);
	v2 =	vmul.f32 v57, v21;
	[tilespmem:s0+$0xA720] =	vst.add.f32.msk $0xffff, v5  }
0x259: {  	[tilespmem:s0+$0xA730] =	vst.add.f32.msk $0xffff, v7;
	v0 =	vadd.f32 v1, v0;
	v1 =	vadd.f32 $1.000000000e+00, v4;
	v4 =	vmul.f32 v57, v27  }
0x25a: {  	s7 =	sadd.s32 $0x80, s7;
	[tilespmem:s0+$0xA750] =	vst.add.f32.msk $0xffff, v2  }
0x25b: {  	s6 =	sand.u32 $0x7800, s10;
	s4 =	sadd.s32 $0x1, s4;
	s12 =	sand.u32 $0x380, s7;
	(erf) = vrcp.f32 v1;
	[tilespmem:s0+$0xA740] =	vst.add.f32.msk $0xffff, v4  }
0x25c: {  	s11 =	sor.u32 s12, s6;
	v0 =	vadd.f32 v0, v3;
	v60 =	vld [tilespmem:s4+$0x0]  }
0x25d: {  	v3 =	vld [tilespmem:s11+$0x5310]  }
0x25e: {  	v4 =	vld [tilespmem:s11+$0x5320];
	(xrf2) =	vadd.scan.msk.f32 $0xffff, v0  }
0x25f: {  	v5 =	vld [tilespmem:s11+$0x5330]  }
0x260: {  	v7 =	vld [tilespmem:s11+$0x5340]  }
0x261: {  	s3 =	sadd.s32 $0x1, s3;
	v58 =	vmul.f32 v57, v18;
	v18 =	vmov v19;
	v19 =	vmov v10;
	s9 =	spop (v2sf);
	v10 =	vld [tilespmem:s11+$0x5350]  }
0x262: {  	p2 =	slt.s32 s3, s24;
	s6 =	ssub.s32 s9, s8;
	s9 =	simm.f32 $1.000000000e+00;
	v0 =	vld [tilespmem:s11+$0x5300]  }
0x263: {  	v34 =	vmov v36;
	v36 =	vmov v49;
	p4 =	sge.s32 s3, s23;
	s9 =	simm.s32 @!p2 $0x0;
	v49 =	vld [tilespmem:s11+$0x5360]  }
0x264: {  	v39 =	vmov v22;
	v22 =	vmov v50;
	v50 =	vld [tilespmem:s11+$0x5370];
	s9 =	simm.s32 @!p4 $0x0;
	v1 =	vpop (erf)  }
0x265: {  	v38 =	vmov v23;
	v23 =	vmov v51;
	p3 =	sgt.s32 s6, $0x0;
	v51 =	vld [tilespmem:s11+$0x5700];
	v57 =	vmul.f32 s9, v1  }
0x266: {  	v32 =	vmov v24;
	v24 =	vmov v52;
	v52 =	vld [tilespmem:s11+$0x5710];
	s6 =	simm.s32 @!p3 $0x0  }
0x267: {  	s6 =	smin.u32 s6, $0x13F;
	v62 =	vmul.f32 v57, v40;
	v40 =	vmov v44;
	v44 =	vmov v0;
	v0 =	vld [tilespmem:$0x1FF60]  }
0x268: {  	s12 =	sshll.u32 s6, $0x8;
	s6 =	sshll.u32 s6, $0x7;
	v1, _, _ =	vpop (xrf2);
	v2 =	vmul.f32 v57, v30;
	v30 =	vmov v46;
	v46 =	vmov v4;
	v4 =	vld [tilespmem:$0x1FFB0]  }
0x269: {  	s6 =	sand.u32 $0x380, s6;
	s9 =	sand.u32 $0x1F800, s12;
	v6 =	vmul.f32 v57, v42;
	v61 =	vmul.f32 v57, v37;
	v37 =	vmovc v43;
	v43 =	vmov v5;
	v5 =	vld [tilespmem:$0x1FFA0]  }
0x26a: {  	s9 =	sor.u32 s6, s9;
	v8 =	vbroadcast v1, $0xF;
	v1 =	vmul.f32 v57, v31;
	v31 =	vmovc v45;
	v45 =	vmov v3;
	v3 =	vld [tilespmem:$0x1FFC0]  }
0x26b: {  	[tilespmem:s9+$0xA770] =	vst.add.f32.msk $0xffff, v6  }
0x26c: {  	v6 =	vld [tilespmem:$0x1FEF0]  }
0x26d: {  	p1 =	sne.s32 s10, $0x4F00;
	v8 =	vadd.f32 v8, v0;
	v0 =	vmul.f32 v57, v33;
	v33 =	vmovc v47;
	v47 =	vmov v7;
	v7 =	vld [tilespmem:$0x1FF00]  }
.Ltmp5:
0x26e: {  	_ = 	snop;
	(pc) =	sbr.rel @p1 .LBB2_8-.Ltmp5, $4  }
0x26f: {  	v20 =	vmovc v35;
	v35 =	vmov v53;
	v29 =	vmov v28;
	v9 =	vmul.f32 v10, v9;
	v53 =	vld [tilespmem:s11+$0x5720]  }
0x270: {  	v28 =	vmovc v54;
	v21 =	vmovc v26;
	v26 =	vmov v56;
	v63 =	vmul.f32 v57, v41;
	v54 =	vld [tilespmem:s11+$0x5730];
	v4 =	vmul.f32 v45, v4  }
0x271: {  	v27 =	vmovc v25;
	v25 =	vmovc v55;
	v42 =	vmov v59;
	v55 =	vld [tilespmem:s11+$0x5740];
	v5 =	vmul.f32 v46, v5;
	v3 =	vmul.f32 v44, v3  }
0x272: {  	s10 =	sadd.s32 $0x100, s10;
	v41 =	vmovc v48;
	v48 =	vmovc v10;
	v56 =	vld [tilespmem:s11+$0x5750];
	v6 =	vmul.f32 v43, v6;
	v8 =	vsub.f32 $0.0e+00, v8;
	v7 =	vmul.f32 v47, v7  }
0x273: {  	v13 =	vld [tilespmem:s11+$0x5760]  }
0x274: {  	v10 =	vld [tilespmem:$0x1FF90]  }
0x275: {  	v11 =	vld [tilespmem:$0x1FF80]  }
0x276: {  	v59 =	vld [tilespmem:s11+$0x5770]  }
0x277: {  	v12 =	vld [tilespmem:$0x1FFD0]  }
0x278: {  	v14 =	vld [tilespmem:$0x1FF70]  }
0x279: {  	v3 =	vadd.f32 v4, v3;
	v4 =	vld [tilespmem:$0x1FF20]  }
0x27a: {  	v5 =	vadd.f32 v6, v5;
	v6 =	vld [tilespmem:$0x1FF30];
	v10 =	vmul.f32 v49, v10;
	v11 =	vmul.f32 v50, v11  }
0x27b: {  	v7 =	vadd.f32 v9, v7;
	v9 =	vld [tilespmem:$0x1FF40]  }
0x27c: {  	v10 =	vadd.f32 v11, v10;
	v11 =	vld [tilespmem:$0x1FF50];
	_ =	sdelay $0x1  }
0x27d: {  	v17 =	vmul.f32 v52, v17;
	v15 =	vmul.f32 v54, v16  }
0x27e: {  	v12 =	vmul.f32 v51, v12;
	v14 =	vmul.f32 v53, v14  }
0x27f: {  	v4 =	vmul.f32 v55, v4;
	v6 =	vmul.f32 v56, v6  }
0x280: {  	v9 =	vmul.f32 v13, v9;
	v11 =	vmul.f32 v59, v11  }
0x281: {  	v16 =	vmov v13;
	v12 =	vadd.f32 v17, v12;
	v13 =	vadd.f32 v15, v14  }
0x282: {  	v4 =	vadd.f32 v6, v4;
	v6 =	vadd.f32 v11, v9  }
0x283: {  	v3 =	vadd.f32 v5, v3;
	v5 =	vadd.f32 v10, v7  }
0x284: {  	v7 =	vadd.f32 v13, v12;
	v4 =	vadd.f32 v6, v4;
	_ =	sdelay $0x1  }
0x285: {  	v3 =	vadd.f32 v5, v3;
	v4 =	vadd.f32 v4, v7;
	_ =	sdelay $0x1  }
0x286: {  	v3 =	vadd.f32 v4, v3;
	_ =	sdelay $0x1  }
0x287: {  	(xrf2) =	vadd.scan.msk.f32 $0xffff, v3;
	v3 =	vmul.f32 $1.442695020e+00, v8;
	_ =	sdelay $0x1  }
0x288: {  	(erf) = vpow2.f32 v3;
	_ =	sdelay $0x1  }
0x289: {  	(v2sf) =	vpush v60, $0x0;
	_ =	sdelay $0x2  }
0x28a: {  	[tilespmem:s9+$0xA300] =	vst.add.f32.msk $0xffff, v62  }
0x28b: {  	v6 =	vld [tilespmem:$0x1FF60];
	_ =	sdelay $0x1  }
0x28c: {  	v3, _, _ =	vpop (xrf2)  }
0x28d: {  	v3 =	vbroadcast v3, $0xF;
	v4 =	vpop (erf)  }
0x28e: {  	s4 =	sadd.s32 $0x1, s4;
	v4 =	vadd.f32 $1.000000000e+00, v4  }
0x28f: {  	v60 =	vld [tilespmem:s4+$0x0];
	v3 =	vadd.f32 v3, v6  }
0x290: {  	[tilespmem:s9+$0xA310] =	vst.add.f32.msk $0xffff, v1;
	(erf) = vrcp.f32 v4  }
0x291: {  	[tilespmem:s9+$0xA320] =	vst.add.f32.msk $0xffff, v2;
	v62 =	vsub.f32 $0.0e+00, v3  }
0x292: {  	[tilespmem:s9+$0xA330] =	vst.add.f32.msk $0xffff, v61  }
0x293: {  	[tilespmem:s9+$0xA340] =	vst.add.f32.msk $0xffff, v0;
	v1 =	vmul.f32 $1.442695020e+00, v62  }
0x294: {  	v32 =	vmul.f32 v57, v32;
	[tilespmem:s9+$0xA350] =	vst.add.f32.msk $0xffff, v63  }
0x295: {  	s7 =	spop (v2sf);
	(v2sf) =	vpush v60, $0x0;
	v60 =	vmul.f32 v57, v21;
	[tilespmem:s0+$0xA760] =	vst.add.f32.msk $0xffff, v58;
	(erf) = vpow2.f32 v1  }
0x296: {  	s3 =	sadd.s32 $0x1, s3;
	v61 =	vmul.f32 v57, v34;
	[tilespmem:s9+$0xA710] =	vst.add.f32.msk $0xffff, v32  }
0x297: {  	p1 =	slt.s32 s3, s24;
	s4 =	simm.f32 $1.000000000e+00;
	v63 =	vmul.f32 v57, v38;
	s0 =	ssub.s32 s7, s8;
	[tilespmem:s9+$0xA750] =	vst.add.f32.msk $0xffff, v60  }
0x298: {  	p3 =	sge.s32 s3, s23;
	s4 =	simm.s32 @!p1 $0x0;
	v34 =	vmul.f32 v57, v20;
	p2 =	sgt.s32 s0, $0x0;
	[tilespmem:s9+$0xA360] =	vst.add.f32.msk $0xffff, v61  }
0x299: {  	s4 =	simm.s32 @!p3 $0x0;
	v58 =	vmul.f32 v57, v27;
	[tilespmem:s9+$0xA700] =	vst.add.f32.msk $0xffff, v63;
	s0 =	simm.s32 @!p2 $0x0;
	v38 =	vpop (erf)  }
0x29a: {  	[tilespmem:s9+$0xA720] =	vst.add.f32.msk $0xffff, v34;
	s0 =	smin.u32 s0, $0x13F;
	v62 =	vmul.f32 v57, v39;
	v1 =	vmul.f32 s4, v38  }
0x29b: {  	[tilespmem:s9+$0xA740] =	vst.add.f32.msk $0xffff, v58;
	s10 =	sshll.u32 s0, $0x8;
	s0 =	sshll.u32 s0, $0x7;
	v39 =	vmul.f32 v57, v29  }
0x29c: {  	s0 =	sand.u32 $0x380, s0;
	[tilespmem:s9+$0xA370] =	vst.add.f32.msk $0xffff, v62;
	s4 =	sand.u32 $0x1F800, s10;
	v61 =	vmul.f32 v1, v42  }
0x29d: {  	[tilespmem:s9+$0xA730] =	vst.add.f32.msk $0xffff, v39;
	s0 =	sor.u32 s0, s4;
	v62 =	vmul.f32 v1, v40  }
0x29e: {  	v63 =	vmul.f32 v1, v31;
	v3 =	vpop (erf);
	[tilespmem:s0+$0xA770] =	vst.add.f32.msk $0xffff, v61  }
0x29f: {  	v20 =	vmul.f32 v1, v30;
	[tilespmem:s0+$0xA300] =	vst.add.f32.msk $0xffff, v62;
	v3 =	vadd.f32 $1.000000000e+00, v3  }
0x2a0: {  	v21 =	vmul.f32 v1, v37;
	[tilespmem:s0+$0xA310] =	vst.add.f32.msk $0xffff, v63  }
0x2a1: {  	v32 =	vmul.f32 v1, v33;
	[tilespmem:s0+$0xA320] =	vst.add.f32.msk $0xffff, v20;
	(erf) = vrcp.f32 v3  }
0x2a2: {  	v33 =	vmul.f32 v1, v41;
	[tilespmem:s0+$0xA330] =	vst.add.f32.msk $0xffff, v21  }
0x2a3: {  	v34 =	vmul.f32 v1, v36;
	[tilespmem:s0+$0xA340] =	vst.add.f32.msk $0xffff, v32  }
0x2a4: {  	v36 =	vmul.f32 v1, v22;
	[tilespmem:s0+$0xA350] =	vst.add.f32.msk $0xffff, v33  }
0x2a5: {  	v37 =	vmul.f32 v1, v23;
	[tilespmem:s0+$0xA360] =	vst.add.f32.msk $0xffff, v34  }
0x2a6: {  	v38 =	vmul.f32 v1, v24;
	[tilespmem:s0+$0xA370] =	vst.add.f32.msk $0xffff, v36  }
0x2a7: {  	s3 =	sadd.s32 $0x1, s3;
	s11 =	spop (v2sf);
	[tilespmem:s0+$0xA700] =	vst.add.f32.msk $0xffff, v37;
	v3 =	vmul.f32 v57, v18  }
0x2a8: {  	s6 =	simm.f32 $1.000000000e+00;
	p1 =	slt.s32 s3, s24;
	s4 =	ssub.s32 s11, s8;
	v39 =	vmul.f32 v1, v35;
	[tilespmem:s0+$0xA710] =	vst.add.f32.msk $0xffff, v38  }
0x2a9: {  	p3 =	sge.s32 s3, s23;
	s6 =	simm.s32 @!p1 $0x0;
	p2 =	sgt.s32 s4, $0x0;
	[tilespmem:s9+$0xA760] =	vst.add.f32.msk $0xffff, v3;
	v3 =	vmul.f32 v1, v28  }
0x2aa: {  	s6 =	simm.s32 @!p3 $0x0;
	v41 =	vmul.f32 v1, v25;
	s4 =	simm.s32 @!p2 $0x0;
	[tilespmem:s0+$0xA720] =	vst.add.f32.msk $0xffff, v39;
	v40 =	vpop (erf)  }
0x2ab: {  	s12 =	smin.u32 s4, $0x13F;
	[tilespmem:s0+$0xA730] =	vst.add.f32.msk $0xffff, v3;
	v3 =	vmul.f32 v1, v26;
	v2 =	vmul.f32 s6, v40  }
0x2ac: {  	[tilespmem:s0+$0xA740] =	vst.add.f32.msk $0xffff, v41;
	s4 =	sshll.u32 s12, $0x8;
	s3 =	sshll.u32 s12, $0x7;
	v1 =	vmul.f32 v1, v19  }
0x2ad: {  	s4 =	sand.u32 $0x1F800, s4;
	s3 =	sand.u32 $0x380, s3;
	[tilespmem:s0+$0xA750] =	vst.add.f32.msk $0xffff, v3;
	v42 =	vmul.f32 v2, v59  }
0x2ae: {  	s3 =	sor.u32 s3, s4;
	[tilespmem:s0+$0xA760] =	vst.add.f32.msk $0xffff, v1;
	v3 =	vmul.f32 v2, v44  }
0x2af: {  	v45 =	vmul.f32 v2, v45;
	[tilespmem:s3+$0xA770] =	vst.add.f32.msk $0xffff, v42  }
0x2b0: {  	v48 =	vmul.f32 v2, v48;
	[tilespmem:s3+$0xA300] =	vst.add.f32.msk $0xffff, v3  }
0x2b1: {  	v49 =	vmul.f32 v2, v49;
	[tilespmem:s3+$0xA310] =	vst.add.f32.msk $0xffff, v45  }
0x2b2: {  	v57 =	vmul.f32 v2, v50;
	[tilespmem:s3+$0xA350] =	vst.add.f32.msk $0xffff, v48  }
0x2b3: {  	v58 =	vmul.f32 v2, v51;
	[tilespmem:s3+$0xA360] =	vst.add.f32.msk $0xffff, v49  }
0x2b4: {  	v59 =	vmul.f32 v2, v52;
	[tilespmem:s3+$0xA370] =	vst.add.f32.msk $0xffff, v57  }
0x2b5: {  	v60 =	vmul.f32 v2, v53;
	[tilespmem:s3+$0xA700] =	vst.add.f32.msk $0xffff, v58  }
0x2b6: {  	v61 =	vmul.f32 v2, v54;
	[tilespmem:s3+$0xA710] =	vst.add.f32.msk $0xffff, v59  }
0x2b7: {  	v62 =	vmul.f32 v2, v55;
	[tilespmem:s3+$0xA720] =	vst.add.f32.msk $0xffff, v60  }
0x2b8: {  	v63 =	vmul.f32 v2, v56;
	[tilespmem:s3+$0xA730] =	vst.add.f32.msk $0xffff, v61  }
0x2b9: {  	v3 =	vmul.f32 v2, v46;
	[tilespmem:s3+$0xA740] =	vst.add.f32.msk $0xffff, v62  }
0x2ba: {  	v46 =	vmul.f32 v2, v43;
	[tilespmem:s3+$0xA750] =	vst.add.f32.msk $0xffff, v63  }
0x2bb: {  	[tilespmem:s3+$0xA320] =	vst.add.f32.msk $0xffff, v3;
	v3 =	vmul.f32 v2, v47  }
0x2bc: {  	[tilespmem:s3+$0xA330] =	vst.add.f32.msk $0xffff, v46;
	v2 =	vmul.f32 v2, v16  }
0x2bd: {  	[tilespmem:s3+$0xA340] =	vst.add.f32.msk $0xffff, v3  }
0x2be: {  	[tilespmem:s3+$0xA760] =	vst.add.f32.msk $0xffff, v2  }
0x2bf: {  	v15 =	vld [tilespmem:$0x1FFC0]  }
0x2c0: {  	v16 =	vld [tilespmem:$0x1FFB0]  }
0x2c1: {  	v17 =	vld [tilespmem:$0x1FFA0]  }
0x2c2: {  	v56 =	vld [tilespmem:$0x1FEF0]  }
0x2c3: {  	v33 =	vld [tilespmem:$0x1FF00]  }
0x2c4: {  	v5 =	vld [tilespmem:$0x1FF10]  }
0x2c5: {  	v10 =	vld [tilespmem:$0x1FF90]  }
0x2c6: {  	v12 =	vld [tilespmem:$0x1FF80]  }
0x2c7: {  	v13 =	vld [tilespmem:$0x1FFD0]  }
0x2c8: {  	s31 =	sadd.s32 $0x1, s31;
	v14 =	vld [tilespmem:$0x1FFE0]  }
0x2c9: {  	p1 =	sne.s32 s31, s26;
	v44 =	vld [tilespmem:$0x1FF70]  }
.Ltmp6:
0x2ca: {  	v54 =	vld [tilespmem:$0x1FF20];
	(pc) =	sbr.rel @p1 .LBB2_5-.Ltmp6, $4  }
.Ltmp7:
0x2cb: {  	v55 =	vld [tilespmem:$0x1FF30];
	(pc) =	sbr.rel @!p1 .LBB2_10-.Ltmp7, $4  }
0x2cc: {  	v29 =	vld [tilespmem:$0x1FF40]  }
0x2cd: {  	v30 =	vld [tilespmem:$0x1FF50]  }
0x2ce: {  	s28 =	sadd.s32 $0xA0, s28;
	s29 =	sadd.s32 $0xA0, s29;
	v41 =	vmov v6;
	v11 =	vld [tilespmem:$0x1FFF0]  }
0x2cf: {  	_ = 	snop  }
.LBB2_11:
0x2d0: {  	_ =	sfence.sel $0x180000  }
0x2d1: {  	[bflag:$0x0] =	sbarrier.arrive $0xFFFF  }
0x2d2: {  	_ =	strace $0x90000047  }
0x2d3: {  	s0 =	stileid.u32;
	[bflag:$0x2] =	sbarrier.arrive $0xFFFF  }
0x2d4: {  	p0 =	sne.s32 s0, $0x0;
	s0 =	rddreg [dreg:$0x4]  }
0x2d5: {  	s0 =	sadd.s32 @!p0 $0x100000, s0  }
0x2d6: {  	[sflag:s0] =	ssyncadd.tile.s32 @!p0 $0x1;
	_ =	shalt  }
.Lfunc_end2:
_tile_overlayer_lowered:
.L_overlay_start_2:
0x2d7: {  	(tag) =	ssettag $0x2  }
0x2d8: {  	s0 =	rddreg [dreg:$0x0];
	s2 =	stileid.u32  }
0x2d9: {  	s1 =	rddreg [dreg:$0x1];
	p0 =	sne.s32 s2, $0x0  }
0x2da: {  	s3 =	rddreg [dreg:$0x2];
	[bflag:$0x3] =	sbarrier.arrive $0xFFFF;
	s2 =	simm.s32 @!p0 $0x1C05  }
0x2db: {  	[timem:s3], [sflag:s2] =	dma.local @!p0 [hbm:s0], s1  }
0x2dc: {  	s0 =	simm.s32 @!p0 $0x5  }
0x2dd: {  	_ =	swait.ge @!p0 [sflag:s0], s1  }
0x2de: {  	s1 =	ssub.s32 @!p0 $0x0, s1;
	[sflag:s0] =	ssyncset.done @!p0 $0x0  }
0x2df: {  	[sflag:s0] =	ssyncadd.s32 @!p0 s1  }
0x2e0: {  	[bflag:$0x3] =	sbarrier.arrive $0xFFFF  }
0x2e1: {  	_ =	shalt  }

</sc_bundles>
